<compile_context>
chip_gen: v7x
topology: tpu7x:2x2x1
jax: 0.10.2.dev20260603
libtpu: 0.0.44.dev20260713+nightly
codegen_flags: <defaults>
</compile_context>

<pallas_src>
import functools

import jax
import jax.numpy as jnp
from jax import lax
from jax.experimental import pallas as pl
from jax.experimental.pallas import tpu as pltpu
from jax.experimental.pallas import tpu_sc as plsc

N = 10000
E = 320000
D = 128
H = D // 2
EPS = 1e-5

NC = 2
NS = 16
EPT = E // NS
CH = 125
NCHUNK = EPT // CH
NPAD = 10112
RPT = NPAD // NS
NBUF = 8
AHEAD = 7


def _agg_body(with_cnt, *refs):
    if with_cnt:
        (xA, xB, src_hbm, dst_hbm, z2_hbm, z1_hbm,
         out_hbm, cnt_hbm,
         src_v, dst_v, b0, b1, b2, b3, b4, b5, b6, b7,
         s0, s1, s2, s3, s4, s5, s6, s7,
         ones_v, acc_sh, cnt_sh) = refs
    else:
        (xA, xB, src_hbm, dst_hbm, z2_hbm,
         out_hbm,
         src_v, dst_v, b0, b1, b2, b3, b4, b5, b6, b7,
         s0, s1, s2, s3, s4, s5, s6, s7,
         acc_sh) = refs
    bufs = [b0, b1, b2, b3, b4, b5, b6, b7]
    sems = [s0, s1, s2, s3, s4, s5, s6, s7]

    c = lax.axis_index("c")
    s = lax.axis_index("s")

    pltpu.sync_copy(src_hbm.at[s], src_v)
    if with_cnt:
        @pl.when(s == 0)
        def _():
            pltpu.sync_copy(z1_hbm, cnt_sh)

        def fill_ones(i, carry):
            ones_v[pl.ds(i * 16, 16)] = jnp.ones((16,), jnp.float32)
            return carry
        lax.fori_loop(0, 8, fill_ones, 0)

    def fire(j, b):
        @pl.when(c == 0)
        def _():
            pltpu.async_copy(xA.at[src_v.at[j]], bufs[b], sems[b])

        @pl.when(c == 1)
        def _():
            pltpu.async_copy(xB.at[src_v.at[j]], bufs[b], sems[b])

    for j0 in range(AHEAD):
        fire(j0, j0)

    pltpu.sync_copy(dst_hbm.at[s], dst_v)
    pltpu.sync_copy(z2_hbm.at[pl.ds(s * RPT, RPT)],
                    acc_sh.at[pl.ds(s * RPT, RPT)])

    plsc.subcore_barrier()

    def group(g, carry):
        for b in range(NBUF):
            j = g * NBUF + b
            nb = (b + AHEAD) % NBUF

            @pl.when(j + AHEAD < NCHUNK)
            def _():
                fire(j + AHEAD, nb)
            pltpu.make_async_copy(xA.at[src_v.at[j]], bufs[b],
                                  sems[b]).wait()
            pltpu.sync_copy(bufs[b], acc_sh.at[dst_v.at[j]], add=True)
            if with_cnt:
                @pl.when(c == jnp.int32(j >= NCHUNK // 2))
                def _():
                    pltpu.sync_copy(ones_v.at[pl.ds(0, CH)],
                                    cnt_sh.at[dst_v.at[j]], add=True)
        return carry
    lax.fori_loop(0, NCHUNK // NBUF, group, 0)

    plsc.subcore_barrier()

    pltpu.sync_copy(acc_sh.at[pl.ds(s * RPT, RPT)],
                    out_hbm.at[c, pl.ds(s * RPT, RPT)])
    if with_cnt:
        @pl.when(s == 0)
        def _():
            pltpu.sync_copy(cnt_sh, cnt_hbm.at[c])


def _make_agg(with_cnt):
    out_type = [jax.ShapeDtypeStruct((NC, NPAD, H), jnp.bfloat16)]
    scratch = [
        pltpu.VMEM((NCHUNK, CH), jnp.int32),
        pltpu.VMEM((NCHUNK, CH), jnp.int32),
    ]
    scratch += [pltpu.VMEM((CH, H), jnp.bfloat16) for _ in range(NBUF)]
    scratch += [pltpu.SemaphoreType.DMA for _ in range(NBUF)]
    if with_cnt:
        out_type.append(jax.ShapeDtypeStruct((NC, N), jnp.float32))
        scratch.append(pltpu.VMEM((128,), jnp.float32))
    scratch.append(pltpu.VMEM_SHARED((NPAD, H), jnp.bfloat16))
    if with_cnt:
        scratch.append(pltpu.VMEM_SHARED((N,), jnp.float32))
    mesh = plsc.VectorSubcoreMesh(core_axis_name="c", subcore_axis_name="s")
    return pl.kernel(
        functools.partial(_agg_body, with_cnt),
        out_type=out_type,
        mesh=mesh,
        scratch_types=scratch,
        compiler_params=pltpu.CompilerParams(use_tc_tiling_on_sc=False),
    )


_CONTRACT = (((1,), (1,)), ((), ()))


_DOT = functools.partial(lax.dot_general, dimension_numbers=_CONTRACT,
                         preferred_element_type=jnp.float32)


def _mean(P_ref, cnt_ref):
    cnt = jnp.sum(cnt_ref[...], axis=1, keepdims=True)
    inv = 1.0 / jnp.maximum(cnt, 1.0)
    return P_ref[0].astype(jnp.float32) * inv, P_ref[1].astype(jnp.float32) * inv


def _norm_relu(h, g_ref, be_ref):
    mu = jnp.mean(h, axis=1, keepdims=True)
    var = jnp.mean((h - mu) ** 2, axis=1, keepdims=True)
    h = (h - mu) / jnp.sqrt(var + EPS) * g_ref[...] + be_ref[...]
    return jnp.maximum(h, 0.0)


def _tc1_body(P_ref, cnt_ref, x_ref, WlA_ref, WlB_ref, bl_ref,
              Wr_ref, g_ref, be_ref, oA_ref, oB_ref):
    mA, mB = _mean(P_ref, cnt_ref)
    h = (_DOT(mA, WlA_ref[...]) + _DOT(mB, WlB_ref[...]) + bl_ref[...]
         + _DOT(x_ref[...], Wr_ref[...]))
    h = _norm_relu(h, g_ref, be_ref)
    oA_ref[...] = h[:, :H].astype(jnp.bfloat16)
    oB_ref[...] = h[:, H:].astype(jnp.bfloat16)


def _tc2_body(P_ref, cnt_ref, hA_ref, hB_ref, WlA_ref, WlB_ref, bl_ref,
              WrA_ref, WrB_ref, g_ref, be_ref, Wfc_ref, bfc_ref, o_ref):
    mA, mB = _mean(P_ref, cnt_ref)
    h = (_DOT(mA, WlA_ref[...]) + _DOT(mB, WlB_ref[...]) + bl_ref[...]
         + _DOT(hA_ref[...].astype(jnp.float32), WrA_ref[...])
         + _DOT(hB_ref[...].astype(jnp.float32), WrB_ref[...]))
    h = _norm_relu(h, g_ref, be_ref)
    o_ref[...] = jnp.sum(h * Wfc_ref[...], axis=1, keepdims=True) + bfc_ref[0, 0]


_R = 2000

_PCNT = [
    pl.BlockSpec((NC, _R, H), lambda i: (0, i, 0)),
    pl.BlockSpec((_R, NC), lambda i: (i, 0)),
]
_WFULL = pl.BlockSpec((D, D), lambda i: (0, 0))
_WHALF = pl.BlockSpec((D, H), lambda i: (0, 0))
_VROW = pl.BlockSpec((1, D), lambda i: (0, 0))
_XHALF = pl.BlockSpec((_R, H), lambda i: (i, 0))


def _tc_layer1(*args):
    return pl.pallas_call(
        _tc1_body,
        grid=(N // _R,),
        in_specs=_PCNT + [
            pl.BlockSpec((_R, D), lambda i: (i, 0)),
            _WHALF, _WHALF, _VROW, _WFULL, _VROW, _VROW,
        ],
        out_specs=[_XHALF, _XHALF],
        out_shape=[jax.ShapeDtypeStruct((N, H), jnp.bfloat16),
                   jax.ShapeDtypeStruct((N, H), jnp.bfloat16)],
    )(*args)


def _tc_layer2(*args):
    return pl.pallas_call(
        _tc2_body,
        grid=(N // _R,),
        in_specs=_PCNT + [
            _XHALF, _XHALF,
            _WHALF, _WHALF, _VROW, _WHALF, _WHALF, _VROW, _VROW,
            _VROW,
            pl.BlockSpec((1, 1), lambda i: (0, 0)),
        ],
        out_specs=pl.BlockSpec((_R, 1), lambda i: (i, 0)),
        out_shape=jax.ShapeDtypeStruct((N, 1), jnp.float32),
    )(*args)


def kernel(x, edge_index, W_l1, b_l1, W_r1, W_l2, b_l2, W_r2,
           g1, be1, g2, be2, W_fc, b_fc):
    src = edge_index[0].reshape(NS, NCHUNK, CH)
    dst = edge_index[1].reshape(NS, NCHUNK, CH)
    z2 = jnp.zeros((NPAD, H), jnp.bfloat16)
    z1 = jnp.zeros((N,), jnp.float32)
    xbA = x[:, :H].astype(jnp.bfloat16)
    xbB = x[:, H:].astype(jnp.bfloat16)

    agg1 = _make_agg(True)
    agg2 = _make_agg(False)

    P1, cnt = agg1(xbA, xbB, src, dst, z2, z1)
    cnt1 = cnt.T
    h1A, h1B = _tc_layer1(
        P1, cnt1, x, W_l1[:, :H], W_l1[:, H:], b_l1.reshape(1, D),
        W_r1, g1.reshape(1, D), be1.reshape(1, D))
    (P2,) = agg2(h1A, h1B, src, dst, z2)
    out = _tc_layer2(
        P2, cnt1, h1A, h1B, W_l2[:, :H], W_l2[:, H:], b_l2.reshape(1, D),
        W_r2[:, :H], W_r2[:, H:], g2.reshape(1, D), be2.reshape(1, D),
        W_fc, b_fc.reshape(1, 1))
    return out.reshape(N)

# --- scband reference (transcript-rebuilt; emitter-appended) ---
"""Pipeline reference for scband-graph-sage-5119601017051 (READ-ONLY COPY).

The authoritative reference and input builder live on the scoring server;
editing this copy changes nothing except your own understanding.
"""

import jax, jax.numpy as jnp
import numpy as np

N = 10000
E = 320000
D = 128
HID = 128
OUT = 1
EPS = 1e-5


def _sage_conv(x, src, dst, W_l, b_l, W_r):
    # PyG SAGEConv: out = lin_l(mean_aggr(x_j)) + lin_r(x)
    msg = x[src]                                   # gather from source nodes
    agg = jax.ops.segment_sum(msg, dst, num_segments=N)
    cnt = jax.ops.segment_sum(jnp.ones((src.shape[0], 1), dtype=x.dtype), dst, num_segments=N)
    mean = agg / jnp.clip(cnt, 1.0, None)
    return mean @ W_l.T + b_l + x @ W_r.T


def _layer_norm(h, gamma, beta):
    mu = jnp.mean(h, axis=-1, keepdims=True)
    var = jnp.mean((h - mu) ** 2, axis=-1, keepdims=True)
    return (h - mu) / jnp.sqrt(var + EPS) * gamma + beta


def setup_inputs(seed: int = 0) -> dict:
    key = jax.random.key(seed)
    ks = jax.random.split(key, 16)
    s_in = 1.0 / np.sqrt(D)
    s_hid = 1.0 / np.sqrt(HID)
    return {
        "x": jax.random.normal(ks[0], (N, D), dtype=jnp.float32),
        "edge_index": jax.random.randint(ks[1], (2, E), 0, N, dtype=jnp.int32),
        "W_l1": jax.random.normal(ks[2], (HID, D), dtype=jnp.float32) * s_in,
        "b_l1": jnp.zeros((HID,), dtype=jnp.float32),
        "W_r1": jax.random.normal(ks[3], (HID, D), dtype=jnp.float32) * s_in,
        "W_l2": jax.random.normal(ks[4], (HID, HID), dtype=jnp.float32) * s_hid,
        "b_l2": jnp.zeros((HID,), dtype=jnp.float32),
        "W_r2": jax.random.normal(ks[5], (HID, HID), dtype=jnp.float32) * s_hid,
        "g1": jnp.ones((HID,), dtype=jnp.float32),
        "be1": jnp.zeros((HID,), dtype=jnp.float32),
        "g2": jnp.ones((HID,), dtype=jnp.float32),
        "be2": jnp.zeros((HID,), dtype=jnp.float32),
        "W_fc": jax.random.normal(ks[6], (OUT, HID), dtype=jnp.float32) * s_hid,
        "b_fc": jnp.zeros((OUT,), dtype=jnp.float32),
    }


def reference(x, edge_index, W_l1, b_l1, W_r1, W_l2, b_l2, W_r2, g1, be1, g2, be2, W_fc, b_fc):
    src = edge_index[0]
    dst = edge_index[1]
    # block 1: SAGEConv -> LayerNorm -> ReLU  (dropout = identity in eval mode)
    h = _sage_conv(x, src, dst, W_l1, b_l1, W_r1)
    h = _layer_norm(h, g1, be1)
    h = jax.nn.relu(h)
    # block 2
    h = _sage_conv(h, src, dst, W_l2, b_l2, W_r2)
    h = _layer_norm(h, g2, be2)
    h = jax.nn.relu(h)
    out = h @ W_fc.T + b_fc
    return out.squeeze(-1)

if __name__ == "__main__":
    import jax
    _d = setup_inputs()
    print(jax.jit(kernel)(*tuple(_d.values())))

</pallas_src>

<mosaic_0001>
#map = affine_map<(d0, d1) -> (0, 0)>
#map1 = affine_map<(d0, d1) -> (0, 0, 0)>
#map2 = affine_map<(d0, d1) -> (0)>
module attributes {stable_mosaic.version = 14 : i64} {
  func.func @_agg_body(%arg0: i32, %arg1: i32, %arg2: memref<10000x64xbf16, #tpu.memory_space<hbm>>, %arg3: memref<10000x64xbf16, #tpu.memory_space<hbm>>, %arg4: memref<16x160x125xi32, #tpu.memory_space<hbm>>, %arg5: memref<16x160x125xi32, #tpu.memory_space<hbm>>, %arg6: memref<10112x64xbf16, #tpu.memory_space<hbm>>, %arg7: memref<10000xf32, #tpu.memory_space<hbm>>, %arg8: memref<2x10112x64xbf16, #tpu.memory_space<hbm>>, %arg9: memref<2x10000xf32, #tpu.memory_space<hbm>>, %arg10: memref<160x125xi32, #tpu.memory_space<vmem>>, %arg11: memref<160x125xi32, #tpu.memory_space<vmem>>, %arg12: memref<125x64xbf16, #tpu.memory_space<vmem>>, %arg13: memref<125x64xbf16, #tpu.memory_space<vmem>>, %arg14: memref<125x64xbf16, #tpu.memory_space<vmem>>, %arg15: memref<125x64xbf16, #tpu.memory_space<vmem>>, %arg16: memref<125x64xbf16, #tpu.memory_space<vmem>>, %arg17: memref<125x64xbf16, #tpu.memory_space<vmem>>, %arg18: memref<125x64xbf16, #tpu.memory_space<vmem>>, %arg19: memref<125x64xbf16, #tpu.memory_space<vmem>>, %arg20: memref<!tpu.dma_semaphore, #tpu.memory_space<semaphore_mem>>, %arg21: memref<!tpu.dma_semaphore, #tpu.memory_space<semaphore_mem>>, %arg22: memref<!tpu.dma_semaphore, #tpu.memory_space<semaphore_mem>>, %arg23: memref<!tpu.dma_semaphore, #tpu.memory_space<semaphore_mem>>, %arg24: memref<!tpu.dma_semaphore, #tpu.memory_space<semaphore_mem>>, %arg25: memref<!tpu.dma_semaphore, #tpu.memory_space<semaphore_mem>>, %arg26: memref<!tpu.dma_semaphore, #tpu.memory_space<semaphore_mem>>, %arg27: memref<!tpu.dma_semaphore, #tpu.memory_space<semaphore_mem>>, %arg28: memref<128xf32, #tpu.memory_space<vmem>>, %arg29: memref<10112x64xbf16, #tpu.memory_space<vmem_shared>>, %arg30: memref<10000xf32, #tpu.memory_space<vmem_shared>>) attributes {dimension_semantics = [#tpu.dimension_semantics<core_parallel>, #tpu.dimension_semantics<subcore_parallel>], iteration_bounds = array<i64: 2, 16>, scalar_prefetch = 0 : i64, scratch_operands = 21 : i64, tpu.core_type = #tpu.core_type<sc_vector_subcore>, window_params = [{transform_indices = #map}, {transform_indices = #map}, {transform_indices = #map1}, {transform_indices = #map1}, {transform_indices = #map}, {transform_indices = #map2}, {transform_indices = #map1}, {transform_indices = #map}]} {
    "tpu.region"() ({
      %run_scoped3A = tpu.sem_alloc : memref<!tpu.dma_semaphore, #tpu.memory_space<semaphore_mem>>
      %dma_start3A = arith.constant 0 : i32
      %dma_start3A_96 = arith.constant 0 : i32
      %dma_start3A_97 = tpu.memref_slice %arg4[%arg1, %dma_start3A, %dma_start3A_96] : memref<16x160x125xi32, #tpu.memory_space<hbm>> -> memref<1x160x125xi32, #tpu.memory_space<hbm>>
      %dma_start3A_98 = tpu.memref_squeeze %dma_start3A_97 : memref<1x160x125xi32, #tpu.memory_space<hbm>> -> memref<160x125xi32, #tpu.memory_space<hbm>>
      %dma_start3A_99 = arith.constant 0 : i32
      %dma_start3A_100 = arith.constant 0 : i32
      %dma_start3A_101 = tpu.memref_slice %arg4[%arg1, %dma_start3A_99, %dma_start3A_100] : memref<16x160x125xi32, #tpu.memory_space<hbm>> -> memref<1x160x125xi32, #tpu.memory_space<hbm>>
      %dma_start3A_102 = tpu.memref_squeeze %dma_start3A_101 : memref<1x160x125xi32, #tpu.memory_space<hbm>> -> memref<160x125xi32, #tpu.memory_space<hbm>>
      tpu.enqueue_dma source(%dma_start3A_102 : memref<160x125xi32, #tpu.memory_space<hbm>>) target(%arg10 : memref<160x125xi32, #tpu.memory_space<vmem>>) target_semaphore(%run_scoped3A : memref<!tpu.dma_semaphore, #tpu.memory_space<semaphore_mem>>)
      %dma_wait3A = arith.constant 0 : i32
      %dma_wait3A_103 = arith.constant 0 : i32
      %dma_wait3A_104 = tpu.memref_slice %arg4[%arg1, %dma_wait3A, %dma_wait3A_103] : memref<16x160x125xi32, #tpu.memory_space<hbm>> -> memref<1x160x125xi32, #tpu.memory_space<hbm>>
      %dma_wait3A_105 = tpu.memref_squeeze %dma_wait3A_104 : memref<1x160x125xi32, #tpu.memory_space<hbm>> -> memref<160x125xi32, #tpu.memory_space<hbm>>
      %dma_wait3A_106 = arith.constant 0 : i32
      %dma_wait3A_107 = arith.constant 0 : i32
      %dma_wait3A_108 = tpu.memref_slice %arg4[%arg1, %dma_wait3A_106, %dma_wait3A_107] : memref<16x160x125xi32, #tpu.memory_space<hbm>> -> memref<1x160x125xi32, #tpu.memory_space<hbm>>
      %dma_wait3A_109 = tpu.memref_squeeze %dma_wait3A_108 : memref<1x160x125xi32, #tpu.memory_space<hbm>> -> memref<160x125xi32, #tpu.memory_space<hbm>>
      tpu.wait_dma2 semaphore(%run_scoped3A : memref<!tpu.dma_semaphore, #tpu.memory_space<semaphore_mem>>) src(%dma_wait3A_109 : memref<160x125xi32, #tpu.memory_space<hbm>>) dst(%arg10 : memref<160x125xi32, #tpu.memory_space<vmem>>)
      tpu.yield
    }) : () -> ()
    %eq3A = arith.constant 0 : i32
    %eq3A_0 = arith.cmpi eq, %arg1, %eq3A : i32
    %convert_element_type3A = arith.extui %eq3A_0 : i1 to i32
    %cond3A = arith.constant 0 : i32
    %cond3A_1 = arith.cmpi ne, %convert_element_type3A, %cond3A : i32
    scf.if %cond3A_1 {
      "tpu.region"() ({
        %run_scoped3A = tpu.sem_alloc : memref<!tpu.dma_semaphore, #tpu.memory_space<semaphore_mem>>
        tpu.enqueue_dma source(%arg7 : memref<10000xf32, #tpu.memory_space<hbm>>) target(%arg30 : memref<10000xf32, #tpu.memory_space<vmem_shared>>) target_semaphore(%run_scoped3A : memref<!tpu.dma_semaphore, #tpu.memory_space<semaphore_mem>>)
        tpu.wait_dma2 semaphore(%run_scoped3A : memref<!tpu.dma_semaphore, #tpu.memory_space<semaphore_mem>>) src(%arg7 : memref<10000xf32, #tpu.memory_space<hbm>>) dst(%arg30 : memref<10000xf32, #tpu.memory_space<vmem_shared>>)
        tpu.yield
      }) : () -> ()
    } else {
    }
    %scan3A = arith.constant 0 : i32
    %scan3A_2 = arith.constant 0 : i32
    %scan3A_3 = arith.constant 8 : i32
    %scan3A_4 = arith.addi %scan3A_2, %scan3A_3 : i32
    %scan3A_5 = arith.constant 1 : i32
    scf.for %scan3A_96 = %scan3A_2 to %scan3A_4 step %scan3A_5  : i32 {
      %broadcast_in_dim3A = arith.constant 1.000000e+00 : f32
      %broadcast_in_dim3A_97 = vector.broadcast %broadcast_in_dim3A : f32 to vector<16xf32>
      %mul3A_98 = arith.constant 16 : i32
      %mul3A_99 = arith.muli %scan3A_96, %mul3A_98 : i32
      %swap3A = arith.index_cast %mul3A_99 : i32 to index
      %swap3A_100 = tpu.vector_load %arg28[%swap3A] {strides = array<i32>} : memref<128xf32, #tpu.memory_space<vmem>>, vector<16xf32>,
      %swap3A_101 = vector.shape_cast %swap3A_100 : vector<16xf32> to vector<16xf32>
      %swap3A_102 = vector.shape_cast %broadcast_in_dim3A_97 : vector<16xf32> to vector<16xf32>
      tpu.vector_store %arg28[%swap3A], %swap3A_102 {strides = array<i32>} : memref<128xf32, #tpu.memory_space<vmem>>, vector<16xf32>,
    }
    %scan3A_6 = arith.constant 8 : i32
    %eq3A_7 = arith.constant 0 : i32
    %eq3A_8 = arith.cmpi eq, %arg0, %eq3A_7 : i32
    %convert_element_type3A_9 = arith.extui %eq3A_8 : i1 to i32
    %cond3A_10 = arith.constant 0 : i32
    %cond3A_11 = arith.cmpi ne, %convert_element_type3A_9, %cond3A_10 : i32
    scf.if %cond3A_11 {
      %dma_start3A = arith.constant 0 : i32
      %dma_start3A_96 = arith.constant 0 : i32
      %dma_start3A_97 = tpu.memref_slice %arg10[%dma_start3A, %dma_start3A_96] : memref<160x125xi32, #tpu.memory_space<vmem>> -> memref<1x125xi32, #tpu.memory_space<vmem>>
      %dma_start3A_98 = tpu.memref_squeeze %dma_start3A_97 : memref<1x125xi32, #tpu.memory_space<vmem>> -> memref<125xi32, #tpu.memory_space<vmem>>
      %dma_start3A_99 = arith.constant 0 : i32
      %dma_start3A_100 = arith.constant 0 : i32
      %dma_start3A_101 = tpu.memref_slice %arg2[%dma_start3A_99, %dma_start3A_100] : memref<10000x64xbf16, #tpu.memory_space<hbm>> -> memref<10000x64xbf16, #tpu.memory_space<hbm>>
      tpu.enqueue_indirect_dma source(%dma_start3A_101 : memref<10000x64xbf16, #tpu.memory_space<hbm>>) target(%arg12 : memref<125x64xbf16, #tpu.memory_space<vmem>>) offsets(%dma_start3A_98 : memref<125xi32, #tpu.memory_space<vmem>>) semaphore(%arg20 : memref<!tpu.dma_semaphore, #tpu.memory_space<semaphore_mem>>)
    } else {
    }
    %eq3A_12 = arith.constant 1 : i32
    %eq3A_13 = arith.cmpi eq, %arg0, %eq3A_12 : i32
    %convert_element_type3A_14 = arith.extui %eq3A_13 : i1 to i32
    %cond3A_15 = arith.constant 0 : i32
    %cond3A_16 = arith.cmpi ne, %convert_element_type3A_14, %cond3A_15 : i32
    scf.if %cond3A_16 {
      %dma_start3A = arith.constant 0 : i32
      %dma_start3A_96 = arith.constant 0 : i32
      %dma_start3A_97 = tpu.memref_slice %arg10[%dma_start3A, %dma_start3A_96] : memref<160x125xi32, #tpu.memory_space<vmem>> -> memref<1x125xi32, #tpu.memory_space<vmem>>
      %dma_start3A_98 = tpu.memref_squeeze %dma_start3A_97 : memref<1x125xi32, #tpu.memory_space<vmem>> -> memref<125xi32, #tpu.memory_space<vmem>>
      %dma_start3A_99 = arith.constant 0 : i32
      %dma_start3A_100 = arith.constant 0 : i32
      %dma_start3A_101 = tpu.memref_slice %arg3[%dma_start3A_99, %dma_start3A_100] : memref<10000x64xbf16, #tpu.memory_space<hbm>> -> memref<10000x64xbf16, #tpu.memory_space<hbm>>
      tpu.enqueue_indirect_dma source(%dma_start3A_101 : memref<10000x64xbf16, #tpu.memory_space<hbm>>) target(%arg12 : memref<125x64xbf16, #tpu.memory_space<vmem>>) offsets(%dma_start3A_98 : memref<125xi32, #tpu.memory_space<vmem>>) semaphore(%arg20 : memref<!tpu.dma_semaphore, #tpu.memory_space<semaphore_mem>>)
    } else {
    }
    %eq3A_17 = arith.constant 0 : i32
    %eq3A_18 = arith.cmpi eq, %arg0, %eq3A_17 : i32
    %convert_element_type3A_19 = arith.extui %eq3A_18 : i1 to i32
    %cond3A_20 = arith.constant 0 : i32
    %cond3A_21 = arith.cmpi ne, %convert_element_type3A_19, %cond3A_20 : i32
    scf.if %cond3A_21 {
      %dma_start3A = arith.constant 1 : i32
      %dma_start3A_96 = arith.constant 0 : i32
      %dma_start3A_97 = tpu.memref_slice %arg10[%dma_start3A, %dma_start3A_96] : memref<160x125xi32, #tpu.memory_space<vmem>> -> memref<1x125xi32, #tpu.memory_space<vmem>>
      %dma_start3A_98 = tpu.memref_squeeze %dma_start3A_97 : memref<1x125xi32, #tpu.memory_space<vmem>> -> memref<125xi32, #tpu.memory_space<vmem>>
      %dma_start3A_99 = arith.constant 0 : i32
      %dma_start3A_100 = arith.constant 0 : i32
      %dma_start3A_101 = tpu.memref_slice %arg2[%dma_start3A_99, %dma_start3A_100] : memref<10000x64xbf16, #tpu.memory_space<hbm>> -> memref<10000x64xbf16, #tpu.memory_space<hbm>>
      tpu.enqueue_indirect_dma source(%dma_start3A_101 : memref<10000x64xbf16, #tpu.memory_space<hbm>>) target(%arg13 : memref<125x64xbf16, #tpu.memory_space<vmem>>) offsets(%dma_start3A_98 : memref<125xi32, #tpu.memory_space<vmem>>) semaphore(%arg21 : memref<!tpu.dma_semaphore, #tpu.memory_space<semaphore_mem>>)
    } else {
    }
    %eq3A_22 = arith.constant 1 : i32
    %eq3A_23 = arith.cmpi eq, %arg0, %eq3A_22 : i32
    %convert_element_type3A_24 = arith.extui %eq3A_23 : i1 to i32
    %cond3A_25 = arith.constant 0 : i32
    %cond3A_26 = arith.cmpi ne, %convert_element_type3A_24, %cond3A_25 : i32
    scf.if %cond3A_26 {
      %dma_start3A = arith.constant 1 : i32
      %dma_start3A_96 = arith.constant 0 : i32
      %dma_start3A_97 = tpu.memref_slice %arg10[%dma_start3A, %dma_start3A_96] : memref<160x125xi32, #tpu.memory_space<vmem>> -> memref<1x125xi32, #tpu.memory_space<vmem>>
      %dma_start3A_98 = tpu.memref_squeeze %dma_start3A_97 : memref<1x125xi32, #tpu.memory_space<vmem>> -> memref<125xi32, #tpu.memory_space<vmem>>
      %dma_start3A_99 = arith.constant 0 : i32
      %dma_start3A_100 = arith.constant 0 : i32
      %dma_start3A_101 = tpu.memref_slice %arg3[%dma_start3A_99, %dma_start3A_100] : memref<10000x64xbf16, #tpu.memory_space<hbm>> -> memref<10000x64xbf16, #tpu.memory_space<hbm>>
      tpu.enqueue_indirect_dma source(%dma_start3A_101 : memref<10000x64xbf16, #tpu.memory_space<hbm>>) target(%arg13 : memref<125x64xbf16, #tpu.memory_space<vmem>>) offsets(%dma_start3A_98 : memref<125xi32, #tpu.memory_space<vmem>>) semaphore(%arg21 : memref<!tpu.dma_semaphore, #tpu.memory_space<semaphore_mem>>)
    } else {
    }
    %eq3A_27 = arith.constant 0 : i32
    %eq3A_28 = arith.cmpi eq, %arg0, %eq3A_27 : i32
    %convert_element_type3A_29 = arith.extui %eq3A_28 : i1 to i32
    %cond3A_30 = arith.constant 0 : i32
    %cond3A_31 = arith.cmpi ne, %convert_element_type3A_29, %cond3A_30 : i32
    scf.if %cond3A_31 {
      %dma_start3A = arith.constant 2 : i32
      %dma_start3A_96 = arith.constant 0 : i32
      %dma_start3A_97 = tpu.memref_slice %arg10[%dma_start3A, %dma_start3A_96] : memref<160x125xi32, #tpu.memory_space<vmem>> -> memref<1x125xi32, #tpu.memory_space<vmem>>
      %dma_start3A_98 = tpu.memref_squeeze %dma_start3A_97 : memref<1x125xi32, #tpu.memory_space<vmem>> -> memref<125xi32, #tpu.memory_space<vmem>>
      %dma_start3A_99 = arith.constant 0 : i32
      %dma_start3A_100 = arith.constant 0 : i32
      %dma_start3A_101 = tpu.memref_slice %arg2[%dma_start3A_99, %dma_start3A_100] : memref<10000x64xbf16, #tpu.memory_space<hbm>> -> memref<10000x64xbf16, #tpu.memory_space<hbm>>
      tpu.enqueue_indirect_dma source(%dma_start3A_101 : memref<10000x64xbf16, #tpu.memory_space<hbm>>) target(%arg14 : memref<125x64xbf16, #tpu.memory_space<vmem>>) offsets(%dma_start3A_98 : memref<125xi32, #tpu.memory_space<vmem>>) semaphore(%arg22 : memref<!tpu.dma_semaphore, #tpu.memory_space<semaphore_mem>>)
    } else {
    }
    %eq3A_32 = arith.constant 1 : i32
    %eq3A_33 = arith.cmpi eq, %arg0, %eq3A_32 : i32
    %convert_element_type3A_34 = arith.extui %eq3A_33 : i1 to i32
    %cond3A_35 = arith.constant 0 : i32
    %cond3A_36 = arith.cmpi ne, %convert_element_type3A_34, %cond3A_35 : i32
    scf.if %cond3A_36 {
      %dma_start3A = arith.constant 2 : i32
      %dma_start3A_96 = arith.constant 0 : i32
      %dma_start3A_97 = tpu.memref_slice %arg10[%dma_start3A, %dma_start3A_96] : memref<160x125xi32, #tpu.memory_space<vmem>> -> memref<1x125xi32, #tpu.memory_space<vmem>>
      %dma_start3A_98 = tpu.memref_squeeze %dma_start3A_97 : memref<1x125xi32, #tpu.memory_space<vmem>> -> memref<125xi32, #tpu.memory_space<vmem>>
      %dma_start3A_99 = arith.constant 0 : i32
      %dma_start3A_100 = arith.constant 0 : i32
      %dma_start3A_101 = tpu.memref_slice %arg3[%dma_start3A_99, %dma_start3A_100] : memref<10000x64xbf16, #tpu.memory_space<hbm>> -> memref<10000x64xbf16, #tpu.memory_space<hbm>>
      tpu.enqueue_indirect_dma source(%dma_start3A_101 : memref<10000x64xbf16, #tpu.memory_space<hbm>>) target(%arg14 : memref<125x64xbf16, #tpu.memory_space<vmem>>) offsets(%dma_start3A_98 : memref<125xi32, #tpu.memory_space<vmem>>) semaphore(%arg22 : memref<!tpu.dma_semaphore, #tpu.memory_space<semaphore_mem>>)
    } else {
    }
    %eq3A_37 = arith.constant 0 : i32
    %eq3A_38 = arith.cmpi eq, %arg0, %eq3A_37 : i32
    %convert_element_type3A_39 = arith.extui %eq3A_38 : i1 to i32
    %cond3A_40 = arith.constant 0 : i32
    %cond3A_41 = arith.cmpi ne, %convert_element_type3A_39, %cond3A_40 : i32
    scf.if %cond3A_41 {
      %dma_start3A = arith.constant 3 : i32
      %dma_start3A_96 = arith.constant 0 : i32
      %dma_start3A_97 = tpu.memref_slice %arg10[%dma_start3A, %dma_start3A_96] : memref<160x125xi32, #tpu.memory_space<vmem>> -> memref<1x125xi32, #tpu.memory_space<vmem>>
      %dma_start3A_98 = tpu.memref_squeeze %dma_start3A_97 : memref<1x125xi32, #tpu.memory_space<vmem>> -> memref<125xi32, #tpu.memory_space<vmem>>
      %dma_start3A_99 = arith.constant 0 : i32
      %dma_start3A_100 = arith.constant 0 : i32
      %dma_start3A_101 = tpu.memref_slice %arg2[%dma_start3A_99, %dma_start3A_100] : memref<10000x64xbf16, #tpu.memory_space<hbm>> -> memref<10000x64xbf16, #tpu.memory_space<hbm>>
      tpu.enqueue_indirect_dma source(%dma_start3A_101 : memref<10000x64xbf16, #tpu.memory_space<hbm>>) target(%arg15 : memref<125x64xbf16, #tpu.memory_space<vmem>>) offsets(%dma_start3A_98 : memref<125xi32, #tpu.memory_space<vmem>>) semaphore(%arg23 : memref<!tpu.dma_semaphore, #tpu.memory_space<semaphore_mem>>)
    } else {
    }
    %eq3A_42 = arith.constant 1 : i32
    %eq3A_43 = arith.cmpi eq, %arg0, %eq3A_42 : i32
    %convert_element_type3A_44 = arith.extui %eq3A_43 : i1 to i32
    %cond3A_45 = arith.constant 0 : i32
    %cond3A_46 = arith.cmpi ne, %convert_element_type3A_44, %cond3A_45 : i32
    scf.if %cond3A_46 {
      %dma_start3A = arith.constant 3 : i32
      %dma_start3A_96 = arith.constant 0 : i32
      %dma_start3A_97 = tpu.memref_slice %arg10[%dma_start3A, %dma_start3A_96] : memref<160x125xi32, #tpu.memory_space<vmem>> -> memref<1x125xi32, #tpu.memory_space<vmem>>
      %dma_start3A_98 = tpu.memref_squeeze %dma_start3A_97 : memref<1x125xi32, #tpu.memory_space<vmem>> -> memref<125xi32, #tpu.memory_space<vmem>>
      %dma_start3A_99 = arith.constant 0 : i32
      %dma_start3A_100 = arith.constant 0 : i32
      %dma_start3A_101 = tpu.memref_slice %arg3[%dma_start3A_99, %dma_start3A_100] : memref<10000x64xbf16, #tpu.memory_space<hbm>> -> memref<10000x64xbf16, #tpu.memory_space<hbm>>
      tpu.enqueue_indirect_dma source(%dma_start3A_101 : memref<10000x64xbf16, #tpu.memory_space<hbm>>) target(%arg15 : memref<125x64xbf16, #tpu.memory_space<vmem>>) offsets(%dma_start3A_98 : memref<125xi32, #tpu.memory_space<vmem>>) semaphore(%arg23 : memref<!tpu.dma_semaphore, #tpu.memory_space<semaphore_mem>>)
    } else {
    }
    %eq3A_47 = arith.constant 0 : i32
    %eq3A_48 = arith.cmpi eq, %arg0, %eq3A_47 : i32
    %convert_element_type3A_49 = arith.extui %eq3A_48 : i1 to i32
    %cond3A_50 = arith.constant 0 : i32
    %cond3A_51 = arith.cmpi ne, %convert_element_type3A_49, %cond3A_50 : i32
    scf.if %cond3A_51 {
      %dma_start3A = arith.constant 4 : i32
      %dma_start3A_96 = arith.constant 0 : i32
      %dma_start3A_97 = tpu.memref_slice %arg10[%dma_start3A, %dma_start3A_96] : memref<160x125xi32, #tpu.memory_space<vmem>> -> memref<1x125xi32, #tpu.memory_space<vmem>>
      %dma_start3A_98 = tpu.memref_squeeze %dma_start3A_97 : memref<1x125xi32, #tpu.memory_space<vmem>> -> memref<125xi32, #tpu.memory_space<vmem>>
      %dma_start3A_99 = arith.constant 0 : i32
      %dma_start3A_100 = arith.constant 0 : i32
      %dma_start3A_101 = tpu.memref_slice %arg2[%dma_start3A_99, %dma_start3A_100] : memref<10000x64xbf16, #tpu.memory_space<hbm>> -> memref<10000x64xbf16, #tpu.memory_space<hbm>>
      tpu.enqueue_indirect_dma source(%dma_start3A_101 : memref<10000x64xbf16, #tpu.memory_space<hbm>>) target(%arg16 : memref<125x64xbf16, #tpu.memory_space<vmem>>) offsets(%dma_start3A_98 : memref<125xi32, #tpu.memory_space<vmem>>) semaphore(%arg24 : memref<!tpu.dma_semaphore, #tpu.memory_space<semaphore_mem>>)
    } else {
    }
    %eq3A_52 = arith.constant 1 : i32
    %eq3A_53 = arith.cmpi eq, %arg0, %eq3A_52 : i32
    %convert_element_type3A_54 = arith.extui %eq3A_53 : i1 to i32
    %cond3A_55 = arith.constant 0 : i32
    %cond3A_56 = arith.cmpi ne, %convert_element_type3A_54, %cond3A_55 : i32
    scf.if %cond3A_56 {
      %dma_start3A = arith.constant 4 : i32
      %dma_start3A_96 = arith.constant 0 : i32
      %dma_start3A_97 = tpu.memref_slice %arg10[%dma_start3A, %dma_start3A_96] : memref<160x125xi32, #tpu.memory_space<vmem>> -> memref<1x125xi32, #tpu.memory_space<vmem>>
      %dma_start3A_98 = tpu.memref_squeeze %dma_start3A_97 : memref<1x125xi32, #tpu.memory_space<vmem>> -> memref<125xi32, #tpu.memory_space<vmem>>
      %dma_start3A_99 = arith.constant 0 : i32
      %dma_start3A_100 = arith.constant 0 : i32
      %dma_start3A_101 = tpu.memref_slice %arg3[%dma_start3A_99, %dma_start3A_100] : memref<10000x64xbf16, #tpu.memory_space<hbm>> -> memref<10000x64xbf16, #tpu.memory_space<hbm>>
      tpu.enqueue_indirect_dma source(%dma_start3A_101 : memref<10000x64xbf16, #tpu.memory_space<hbm>>) target(%arg16 : memref<125x64xbf16, #tpu.memory_space<vmem>>) offsets(%dma_start3A_98 : memref<125xi32, #tpu.memory_space<vmem>>) semaphore(%arg24 : memref<!tpu.dma_semaphore, #tpu.memory_space<semaphore_mem>>)
    } else {
    }
    %eq3A_57 = arith.constant 0 : i32
    %eq3A_58 = arith.cmpi eq, %arg0, %eq3A_57 : i32
    %convert_element_type3A_59 = arith.extui %eq3A_58 : i1 to i32
    %cond3A_60 = arith.constant 0 : i32
    %cond3A_61 = arith.cmpi ne, %convert_element_type3A_59, %cond3A_60 : i32
    scf.if %cond3A_61 {
      %dma_start3A = arith.constant 5 : i32
      %dma_start3A_96 = arith.constant 0 : i32
      %dma_start3A_97 = tpu.memref_slice %arg10[%dma_start3A, %dma_start3A_96] : memref<160x125xi32, #tpu.memory_space<vmem>> -> memref<1x125xi32, #tpu.memory_space<vmem>>
      %dma_start3A_98 = tpu.memref_squeeze %dma_start3A_97 : memref<1x125xi32, #tpu.memory_space<vmem>> -> memref<125xi32, #tpu.memory_space<vmem>>
      %dma_start3A_99 = arith.constant 0 : i32
      %dma_start3A_100 = arith.constant 0 : i32
      %dma_start3A_101 = tpu.memref_slice %arg2[%dma_start3A_99, %dma_start3A_100] : memref<10000x64xbf16, #tpu.memory_space<hbm>> -> memref<10000x64xbf16, #tpu.memory_space<hbm>>
      tpu.enqueue_indirect_dma source(%dma_start3A_101 : memref<10000x64xbf16, #tpu.memory_space<hbm>>) target(%arg17 : memref<125x64xbf16, #tpu.memory_space<vmem>>) offsets(%dma_start3A_98 : memref<125xi32, #tpu.memory_space<vmem>>) semaphore(%arg25 : memref<!tpu.dma_semaphore, #tpu.memory_space<semaphore_mem>>)
    } else {
    }
    %eq3A_62 = arith.constant 1 : i32
    %eq3A_63 = arith.cmpi eq, %arg0, %eq3A_62 : i32
    %convert_element_type3A_64 = arith.extui %eq3A_63 : i1 to i32
    %cond3A_65 = arith.constant 0 : i32
    %cond3A_66 = arith.cmpi ne, %convert_element_type3A_64, %cond3A_65 : i32
    scf.if %cond3A_66 {
      %dma_start3A = arith.constant 5 : i32
      %dma_start3A_96 = arith.constant 0 : i32
      %dma_start3A_97 = tpu.memref_slice %arg10[%dma_start3A, %dma_start3A_96] : memref<160x125xi32, #tpu.memory_space<vmem>> -> memref<1x125xi32, #tpu.memory_space<vmem>>
      %dma_start3A_98 = tpu.memref_squeeze %dma_start3A_97 : memref<1x125xi32, #tpu.memory_space<vmem>> -> memref<125xi32, #tpu.memory_space<vmem>>
      %dma_start3A_99 = arith.constant 0 : i32
      %dma_start3A_100 = arith.constant 0 : i32
      %dma_start3A_101 = tpu.memref_slice %arg3[%dma_start3A_99, %dma_start3A_100] : memref<10000x64xbf16, #tpu.memory_space<hbm>> -> memref<10000x64xbf16, #tpu.memory_space<hbm>>
      tpu.enqueue_indirect_dma source(%dma_start3A_101 : memref<10000x64xbf16, #tpu.memory_space<hbm>>) target(%arg17 : memref<125x64xbf16, #tpu.memory_space<vmem>>) offsets(%dma_start3A_98 : memref<125xi32, #tpu.memory_space<vmem>>) semaphore(%arg25 : memref<!tpu.dma_semaphore, #tpu.memory_space<semaphore_mem>>)
    } else {
    }
    %eq3A_67 = arith.constant 0 : i32
    %eq3A_68 = arith.cmpi eq, %arg0, %eq3A_67 : i32
    %convert_element_type3A_69 = arith.extui %eq3A_68 : i1 to i32
    %cond3A_70 = arith.constant 0 : i32
    %cond3A_71 = arith.cmpi ne, %convert_element_type3A_69, %cond3A_70 : i32
    scf.if %cond3A_71 {
      %dma_start3A = arith.constant 6 : i32
      %dma_start3A_96 = arith.constant 0 : i32
      %dma_start3A_97 = tpu.memref_slice %arg10[%dma_start3A, %dma_start3A_96] : memref<160x125xi32, #tpu.memory_space<vmem>> -> memref<1x125xi32, #tpu.memory_space<vmem>>
      %dma_start3A_98 = tpu.memref_squeeze %dma_start3A_97 : memref<1x125xi32, #tpu.memory_space<vmem>> -> memref<125xi32, #tpu.memory_space<vmem>>
      %dma_start3A_99 = arith.constant 0 : i32
      %dma_start3A_100 = arith.constant 0 : i32
      %dma_start3A_101 = tpu.memref_slice %arg2[%dma_start3A_99, %dma_start3A_100] : memref<10000x64xbf16, #tpu.memory_space<hbm>> -> memref<10000x64xbf16, #tpu.memory_space<hbm>>
      tpu.enqueue_indirect_dma source(%dma_start3A_101 : memref<10000x64xbf16, #tpu.memory_space<hbm>>) target(%arg18 : memref<125x64xbf16, #tpu.memory_space<vmem>>) offsets(%dma_start3A_98 : memref<125xi32, #tpu.memory_space<vmem>>) semaphore(%arg26 : memref<!tpu.dma_semaphore, #tpu.memory_space<semaphore_mem>>)
    } else {
    }
    %eq3A_72 = arith.constant 1 : i32
    %eq3A_73 = arith.cmpi eq, %arg0, %eq3A_72 : i32
    %convert_element_type3A_74 = arith.extui %eq3A_73 : i1 to i32
    %cond3A_75 = arith.constant 0 : i32
    %cond3A_76 = arith.cmpi ne, %convert_element_type3A_74, %cond3A_75 : i32
    scf.if %cond3A_76 {
      %dma_start3A = arith.constant 6 : i32
      %dma_start3A_96 = arith.constant 0 : i32
      %dma_start3A_97 = tpu.memref_slice %arg10[%dma_start3A, %dma_start3A_96] : memref<160x125xi32, #tpu.memory_space<vmem>> -> memref<1x125xi32, #tpu.memory_space<vmem>>
      %dma_start3A_98 = tpu.memref_squeeze %dma_start3A_97 : memref<1x125xi32, #tpu.memory_space<vmem>> -> memref<125xi32, #tpu.memory_space<vmem>>
      %dma_start3A_99 = arith.constant 0 : i32
      %dma_start3A_100 = arith.constant 0 : i32
      %dma_start3A_101 = tpu.memref_slice %arg3[%dma_start3A_99, %dma_start3A_100] : memref<10000x64xbf16, #tpu.memory_space<hbm>> -> memref<10000x64xbf16, #tpu.memory_space<hbm>>
      tpu.enqueue_indirect_dma source(%dma_start3A_101 : memref<10000x64xbf16, #tpu.memory_space<hbm>>) target(%arg18 : memref<125x64xbf16, #tpu.memory_space<vmem>>) offsets(%dma_start3A_98 : memref<125xi32, #tpu.memory_space<vmem>>) semaphore(%arg26 : memref<!tpu.dma_semaphore, #tpu.memory_space<semaphore_mem>>)
    } else {
    }
    "tpu.region"() ({
      %run_scoped3A = tpu.sem_alloc : memref<!tpu.dma_semaphore, #tpu.memory_space<semaphore_mem>>
      %dma_start3A = arith.constant 0 : i32
      %dma_start3A_96 = arith.constant 0 : i32
      %dma_start3A_97 = tpu.memref_slice %arg5[%arg1, %dma_start3A, %dma_start3A_96] : memref<16x160x125xi32, #tpu.memory_space<hbm>> -> memref<1x160x125xi32, #tpu.memory_space<hbm>>
      %dma_start3A_98 = tpu.memref_squeeze %dma_start3A_97 : memref<1x160x125xi32, #tpu.memory_space<hbm>> -> memref<160x125xi32, #tpu.memory_space<hbm>>
      %dma_start3A_99 = arith.constant 0 : i32
      %dma_start3A_100 = arith.constant 0 : i32
      %dma_start3A_101 = tpu.memref_slice %arg5[%arg1, %dma_start3A_99, %dma_start3A_100] : memref<16x160x125xi32, #tpu.memory_space<hbm>> -> memref<1x160x125xi32, #tpu.memory_space<hbm>>
      %dma_start3A_102 = tpu.memref_squeeze %dma_start3A_101 : memref<1x160x125xi32, #tpu.memory_space<hbm>> -> memref<160x125xi32, #tpu.memory_space<hbm>>
      tpu.enqueue_dma source(%dma_start3A_102 : memref<160x125xi32, #tpu.memory_space<hbm>>) target(%arg11 : memref<160x125xi32, #tpu.memory_space<vmem>>) target_semaphore(%run_scoped3A : memref<!tpu.dma_semaphore, #tpu.memory_space<semaphore_mem>>)
      %dma_wait3A = arith.constant 0 : i32
      %dma_wait3A_103 = arith.constant 0 : i32
      %dma_wait3A_104 = tpu.memref_slice %arg5[%arg1, %dma_wait3A, %dma_wait3A_103] : memref<16x160x125xi32, #tpu.memory_space<hbm>> -> memref<1x160x125xi32, #tpu.memory_space<hbm>>
      %dma_wait3A_105 = tpu.memref_squeeze %dma_wait3A_104 : memref<1x160x125xi32, #tpu.memory_space<hbm>> -> memref<160x125xi32, #tpu.memory_space<hbm>>
      %dma_wait3A_106 = arith.constant 0 : i32
      %dma_wait3A_107 = arith.constant 0 : i32
      %dma_wait3A_108 = tpu.memref_slice %arg5[%arg1, %dma_wait3A_106, %dma_wait3A_107] : memref<16x160x125xi32, #tpu.memory_space<hbm>> -> memref<1x160x125xi32, #tpu.memory_space<hbm>>
      %dma_wait3A_109 = tpu.memref_squeeze %dma_wait3A_108 : memref<1x160x125xi32, #tpu.memory_space<hbm>> -> memref<160x125xi32, #tpu.memory_space<hbm>>
      tpu.wait_dma2 semaphore(%run_scoped3A : memref<!tpu.dma_semaphore, #tpu.memory_space<semaphore_mem>>) src(%dma_wait3A_109 : memref<160x125xi32, #tpu.memory_space<hbm>>) dst(%arg11 : memref<160x125xi32, #tpu.memory_space<vmem>>)
      tpu.yield
    }) : () -> ()
    %mul3A = arith.constant 632 : i32
    %mul3A_77 = arith.muli %arg1, %mul3A : i32
    %mul3A_78 = arith.constant 632 : i32
    %mul3A_79 = arith.muli %arg1, %mul3A_78 : i32
    "tpu.region"() ({
      %run_scoped3A = tpu.sem_alloc : memref<!tpu.dma_semaphore, #tpu.memory_space<semaphore_mem>>
      %dma_start3A = arith.constant 0 : i32
      %dma_start3A_96 = tpu.memref_slice %arg29[%mul3A_79, %dma_start3A] : memref<10112x64xbf16, #tpu.memory_space<vmem_shared>> -> memref<632x64xbf16, #tpu.memory_space<vmem_shared>>
      %dma_start3A_97 = arith.constant 0 : i32
      %dma_start3A_98 = tpu.memref_slice %arg6[%mul3A_77, %dma_start3A_97] : memref<10112x64xbf16, #tpu.memory_space<hbm>> -> memref<632x64xbf16, #tpu.memory_space<hbm>>
      tpu.enqueue_dma source(%dma_start3A_98 : memref<632x64xbf16, #tpu.memory_space<hbm>>) target(%dma_start3A_96 : memref<632x64xbf16, #tpu.memory_space<vmem_shared>>) target_semaphore(%run_scoped3A : memref<!tpu.dma_semaphore, #tpu.memory_space<semaphore_mem>>)
      %dma_wait3A = arith.constant 0 : i32
      %dma_wait3A_99 = tpu.memref_slice %arg29[%mul3A_79, %dma_wait3A] : memref<10112x64xbf16, #tpu.memory_space<vmem_shared>> -> memref<632x64xbf16, #tpu.memory_space<vmem_shared>>
      %dma_wait3A_100 = arith.constant 0 : i32
      %dma_wait3A_101 = tpu.memref_slice %arg6[%mul3A_77, %dma_wait3A_100] : memref<10112x64xbf16, #tpu.memory_space<hbm>> -> memref<632x64xbf16, #tpu.memory_space<hbm>>
      tpu.wait_dma2 semaphore(%run_scoped3A : memref<!tpu.dma_semaphore, #tpu.memory_space<semaphore_mem>>) src(%dma_wait3A_101 : memref<632x64xbf16, #tpu.memory_space<hbm>>) dst(%dma_wait3A_99 : memref<632x64xbf16, #tpu.memory_space<vmem_shared>>)
      tpu.yield
    }) : () -> ()
    %barrier3A = arith.constant 0 : index
    tpu.barrier barrier_id(%barrier3A)
    %scan3A_80 = arith.constant 0 : i32
    %scan3A_81 = arith.constant 0 : i32
    %scan3A_82 = arith.constant 20 : i32
    %scan3A_83 = arith.addi %scan3A_81, %scan3A_82 : i32
    %scan3A_84 = arith.constant 1 : i32
    scf.for %scan3A_96 = %scan3A_81 to %scan3A_83 step %scan3A_84  : i32 {
      %mul3A_97 = arith.constant 8 : i32
      %mul3A_98 = arith.muli %scan3A_96, %mul3A_97 : i32
      %add3A = arith.constant 0 : i32
      %add3A_99 = arith.addi %mul3A_98, %add3A : i32
      %add3A_100 = arith.constant 7 : i32
      %add3A_101 = arith.addi %add3A_99, %add3A_100 : i32
      %lt3A = arith.constant 160 : i32
      %lt3A_102 = arith.cmpi slt, %add3A_101, %lt3A : i32
      %convert_element_type3A_103 = arith.extui %lt3A_102 : i1 to i32
      %cond3A_104 = arith.constant 0 : i32
      %cond3A_105 = arith.cmpi ne, %convert_element_type3A_103, %cond3A_104 : i32
      scf.if %cond3A_105 {
        %add3A_285 = arith.constant 7 : i32
        %add3A_286 = arith.addi %add3A_99, %add3A_285 : i32
        %eq3A_287 = arith.constant 0 : i32
        %eq3A_288 = arith.cmpi eq, %arg0, %eq3A_287 : i32
        %convert_element_type3A_289 = arith.extui %eq3A_288 : i1 to i32
        %cond3A_290 = arith.constant 0 : i32
        %cond3A_291 = arith.cmpi ne, %convert_element_type3A_289, %cond3A_290 : i32
        scf.if %cond3A_291 {
          %dma_start3A = arith.constant 0 : i32
          %dma_start3A_297 = tpu.memref_slice %arg10[%add3A_286, %dma_start3A] : memref<160x125xi32, #tpu.memory_space<vmem>> -> memref<1x125xi32, #tpu.memory_space<vmem>>
          %dma_start3A_298 = tpu.memref_squeeze %dma_start3A_297 : memref<1x125xi32, #tpu.memory_space<vmem>> -> memref<125xi32, #tpu.memory_space<vmem>>
          %dma_start3A_299 = arith.constant 0 : i32
          %dma_start3A_300 = arith.constant 0 : i32
          %dma_start3A_301 = tpu.memref_slice %arg2[%dma_start3A_299, %dma_start3A_300] : memref<10000x64xbf16, #tpu.memory_space<hbm>> -> memref<10000x64xbf16, #tpu.memory_space<hbm>>
          tpu.enqueue_indirect_dma source(%dma_start3A_301 : memref<10000x64xbf16, #tpu.memory_space<hbm>>) target(%arg19 : memref<125x64xbf16, #tpu.memory_space<vmem>>) offsets(%dma_start3A_298 : memref<125xi32, #tpu.memory_space<vmem>>) semaphore(%arg27 : memref<!tpu.dma_semaphore, #tpu.memory_space<semaphore_mem>>)
        } else {
        }
        %eq3A_292 = arith.constant 1 : i32
        %eq3A_293 = arith.cmpi eq, %arg0, %eq3A_292 : i32
        %convert_element_type3A_294 = arith.extui %eq3A_293 : i1 to i32
        %cond3A_295 = arith.constant 0 : i32
        %cond3A_296 = arith.cmpi ne, %convert_element_type3A_294, %cond3A_295 : i32
        scf.if %cond3A_296 {
          %dma_start3A = arith.constant 0 : i32
          %dma_start3A_297 = tpu.memref_slice %arg10[%add3A_286, %dma_start3A] : memref<160x125xi32, #tpu.memory_space<vmem>> -> memref<1x125xi32, #tpu.memory_space<vmem>>
          %dma_start3A_298 = tpu.memref_squeeze %dma_start3A_297 : memref<1x125xi32, #tpu.memory_space<vmem>> -> memref<125xi32, #tpu.memory_space<vmem>>
          %dma_start3A_299 = arith.constant 0 : i32
          %dma_start3A_300 = arith.constant 0 : i32
          %dma_start3A_301 = tpu.memref_slice %arg3[%dma_start3A_299, %dma_start3A_300] : memref<10000x64xbf16, #tpu.memory_space<hbm>> -> memref<10000x64xbf16, #tpu.memory_space<hbm>>
          tpu.enqueue_indirect_dma source(%dma_start3A_301 : memref<10000x64xbf16, #tpu.memory_space<hbm>>) target(%arg19 : memref<125x64xbf16, #tpu.memory_space<vmem>>) offsets(%dma_start3A_298 : memref<125xi32, #tpu.memory_space<vmem>>) semaphore(%arg27 : memref<!tpu.dma_semaphore, #tpu.memory_space<semaphore_mem>>)
        } else {
        }
      } else {
      }
      %dma_wait3A = arith.constant 0 : i32
      %dma_wait3A_106 = tpu.memref_slice %arg10[%add3A_99, %dma_wait3A] : memref<160x125xi32, #tpu.memory_space<vmem>> -> memref<1x125xi32, #tpu.memory_space<vmem>>
      %dma_wait3A_107 = tpu.memref_squeeze %dma_wait3A_106 : memref<1x125xi32, #tpu.memory_space<vmem>> -> memref<125xi32, #tpu.memory_space<vmem>>
      %dma_wait3A_108 = arith.constant 0 : i32
      %dma_wait3A_109 = arith.constant 0 : i32
      %dma_wait3A_110 = tpu.memref_slice %arg2[%dma_wait3A_108, %dma_wait3A_109] : memref<10000x64xbf16, #tpu.memory_space<hbm>> -> memref<10000x64xbf16, #tpu.memory_space<hbm>>
      tpu.wait_indirect_dma semaphore(%arg20 : memref<!tpu.dma_semaphore, #tpu.memory_space<semaphore_mem>>) src(%dma_wait3A_110 : memref<10000x64xbf16, #tpu.memory_space<hbm>>) dst(%arg12 : memref<125x64xbf16, #tpu.memory_space<vmem>>)
      "tpu.region"() ({
        %run_scoped3A = tpu.sem_alloc : memref<!tpu.dma_semaphore, #tpu.memory_space<semaphore_mem>>
        %dma_start3A = arith.constant 0 : i32
        %dma_start3A_285 = tpu.memref_slice %arg11[%add3A_99, %dma_start3A] : memref<160x125xi32, #tpu.memory_space<vmem>> -> memref<1x125xi32, #tpu.memory_space<vmem>>
        %dma_start3A_286 = tpu.memref_squeeze %dma_start3A_285 : memref<1x125xi32, #tpu.memory_space<vmem>> -> memref<125xi32, #tpu.memory_space<vmem>>
        %dma_start3A_287 = arith.constant 0 : i32
        %dma_start3A_288 = arith.constant 0 : i32
        %dma_start3A_289 = tpu.memref_slice %arg29[%dma_start3A_287, %dma_start3A_288] : memref<10112x64xbf16, #tpu.memory_space<vmem_shared>> -> memref<10112x64xbf16, #tpu.memory_space<vmem_shared>>
        tpu.enqueue_indirect_dma source(%arg12 : memref<125x64xbf16, #tpu.memory_space<vmem>>) target(%dma_start3A_289 : memref<10112x64xbf16, #tpu.memory_space<vmem_shared>>) offsets(%dma_start3A_286 : memref<125xi32, #tpu.memory_space<vmem>>) semaphore(%run_scoped3A : memref<!tpu.dma_semaphore, #tpu.memory_space<semaphore_mem>>) {add = true}
        %dma_wait3A_290 = arith.constant 0 : i32
        %dma_wait3A_291 = tpu.memref_slice %arg11[%add3A_99, %dma_wait3A_290] : memref<160x125xi32, #tpu.memory_space<vmem>> -> memref<1x125xi32, #tpu.memory_space<vmem>>
        %dma_wait3A_292 = tpu.memref_squeeze %dma_wait3A_291 : memref<1x125xi32, #tpu.memory_space<vmem>> -> memref<125xi32, #tpu.memory_space<vmem>>
        %dma_wait3A_293 = arith.constant 0 : i32
        %dma_wait3A_294 = arith.constant 0 : i32
        %dma_wait3A_295 = tpu.memref_slice %arg29[%dma_wait3A_293, %dma_wait3A_294] : memref<10112x64xbf16, #tpu.memory_space<vmem_shared>> -> memref<10112x64xbf16, #tpu.memory_space<vmem_shared>>
        tpu.wait_indirect_dma semaphore(%run_scoped3A : memref<!tpu.dma_semaphore, #tpu.memory_space<semaphore_mem>>) src(%arg12 : memref<125x64xbf16, #tpu.memory_space<vmem>>) dst(%dma_wait3A_295 : memref<10112x64xbf16, #tpu.memory_space<vmem_shared>>)
        tpu.yield
      }) : () -> ()
      %ge3A = arith.constant 80 : i32
      %ge3A_111 = arith.cmpi sge, %add3A_99, %ge3A : i32
      %convert_element_type3A_112 = arith.extui %ge3A_111 : i1 to i32
      %eq3A_113 = arith.cmpi eq, %arg0, %convert_element_type3A_112 : i32
      %convert_element_type3A_114 = arith.extui %eq3A_113 : i1 to i32
      %cond3A_115 = arith.constant 0 : i32
      %cond3A_116 = arith.cmpi ne, %convert_element_type3A_114, %cond3A_115 : i32
      scf.if %cond3A_116 {
        "tpu.region"() ({
          %run_scoped3A = tpu.sem_alloc : memref<!tpu.dma_semaphore, #tpu.memory_space<semaphore_mem>>
          %dma_start3A = arith.constant 0 : i32
          %dma_start3A_285 = tpu.memref_slice %arg28[%dma_start3A] : memref<128xf32, #tpu.memory_space<vmem>> -> memref<125xf32, #tpu.memory_space<vmem>>
          %dma_start3A_286 = arith.constant 0 : i32
          %dma_start3A_287 = tpu.memref_slice %arg11[%add3A_99, %dma_start3A_286] : memref<160x125xi32, #tpu.memory_space<vmem>> -> memref<1x125xi32, #tpu.memory_space<vmem>>
          %dma_start3A_288 = tpu.memref_squeeze %dma_start3A_287 : memref<1x125xi32, #tpu.memory_space<vmem>> -> memref<125xi32, #tpu.memory_space<vmem>>
          %dma_start3A_289 = arith.constant 0 : i32
          %dma_start3A_290 = tpu.memref_slice %arg30[%dma_start3A_289] : memref<10000xf32, #tpu.memory_space<vmem_shared>> -> memref<10000xf32, #tpu.memory_space<vmem_shared>>
          tpu.enqueue_indirect_dma source(%dma_start3A_285 : memref<125xf32, #tpu.memory_space<vmem>>) target(%dma_start3A_290 : memref<10000xf32, #tpu.memory_space<vmem_shared>>) offsets(%dma_start3A_288 : memref<125xi32, #tpu.memory_space<vmem>>) semaphore(%run_scoped3A : memref<!tpu.dma_semaphore, #tpu.memory_space<semaphore_mem>>) {add = true}
          %dma_wait3A_291 = arith.constant 0 : i32
          %dma_wait3A_292 = tpu.memref_slice %arg28[%dma_wait3A_291] : memref<128xf32, #tpu.memory_space<vmem>> -> memref<125xf32, #tpu.memory_space<vmem>>
          %dma_wait3A_293 = arith.constant 0 : i32
          %dma_wait3A_294 = tpu.memref_slice %arg11[%add3A_99, %dma_wait3A_293] : memref<160x125xi32, #tpu.memory_space<vmem>> -> memref<1x125xi32, #tpu.memory_space<vmem>>
          %dma_wait3A_295 = tpu.memref_squeeze %dma_wait3A_294 : memref<1x125xi32, #tpu.memory_space<vmem>> -> memref<125xi32, #tpu.memory_space<vmem>>
          %dma_wait3A_296 = arith.constant 0 : i32
          %dma_wait3A_297 = tpu.memref_slice %arg30[%dma_wait3A_296] : memref<10000xf32, #tpu.memory_space<vmem_shared>> -> memref<10000xf32, #tpu.memory_space<vmem_shared>>
          tpu.wait_indirect_dma semaphore(%run_scoped3A : memref<!tpu.dma_semaphore, #tpu.memory_space<semaphore_mem>>) src(%dma_wait3A_292 : memref<125xf32, #tpu.memory_space<vmem>>) dst(%dma_wait3A_297 : memref<10000xf32, #tpu.memory_space<vmem_shared>>)
          tpu.yield
        }) : () -> ()
      } else {
      }
      %mul3A_117 = arith.constant 8 : i32
      %mul3A_118 = arith.muli %scan3A_96, %mul3A_117 : i32
      %add3A_119 = arith.constant 1 : i32
      %add3A_120 = arith.addi %mul3A_118, %add3A_119 : i32
      %add3A_121 = arith.constant 7 : i32
      %add3A_122 = arith.addi %add3A_120, %add3A_121 : i32
      %lt3A_123 = arith.constant 160 : i32
      %lt3A_124 = arith.cmpi slt, %add3A_122, %lt3A_123 : i32
      %convert_element_type3A_125 = arith.extui %lt3A_124 : i1 to i32
      %cond3A_126 = arith.constant 0 : i32
      %cond3A_127 = arith.cmpi ne, %convert_element_type3A_125, %cond3A_126 : i32
      scf.if %cond3A_127 {
        %add3A_285 = arith.constant 7 : i32
        %add3A_286 = arith.addi %add3A_120, %add3A_285 : i32
        %eq3A_287 = arith.constant 0 : i32
        %eq3A_288 = arith.cmpi eq, %arg0, %eq3A_287 : i32
        %convert_element_type3A_289 = arith.extui %eq3A_288 : i1 to i32
        %cond3A_290 = arith.constant 0 : i32
        %cond3A_291 = arith.cmpi ne, %convert_element_type3A_289, %cond3A_290 : i32
        scf.if %cond3A_291 {
          %dma_start3A = arith.constant 0 : i32
          %dma_start3A_297 = tpu.memref_slice %arg10[%add3A_286, %dma_start3A] : memref<160x125xi32, #tpu.memory_space<vmem>> -> memref<1x125xi32, #tpu.memory_space<vmem>>
          %dma_start3A_298 = tpu.memref_squeeze %dma_start3A_297 : memref<1x125xi32, #tpu.memory_space<vmem>> -> memref<125xi32, #tpu.memory_space<vmem>>
          %dma_start3A_299 = arith.constant 0 : i32
          %dma_start3A_300 = arith.constant 0 : i32
          %dma_start3A_301 = tpu.memref_slice %arg2[%dma_start3A_299, %dma_start3A_300] : memref<10000x64xbf16, #tpu.memory_space<hbm>> -> memref<10000x64xbf16, #tpu.memory_space<hbm>>
          tpu.enqueue_indirect_dma source(%dma_start3A_301 : memref<10000x64xbf16, #tpu.memory_space<hbm>>) target(%arg12 : memref<125x64xbf16, #tpu.memory_space<vmem>>) offsets(%dma_start3A_298 : memref<125xi32, #tpu.memory_space<vmem>>) semaphore(%arg20 : memref<!tpu.dma_semaphore, #tpu.memory_space<semaphore_mem>>)
        } else {
        }
        %eq3A_292 = arith.constant 1 : i32
        %eq3A_293 = arith.cmpi eq, %arg0, %eq3A_292 : i32
        %convert_element_type3A_294 = arith.extui %eq3A_293 : i1 to i32
        %cond3A_295 = arith.constant 0 : i32
        %cond3A_296 = arith.cmpi ne, %convert_element_type3A_294, %cond3A_295 : i32
        scf.if %cond3A_296 {
          %dma_start3A = arith.constant 0 : i32
          %dma_start3A_297 = tpu.memref_slice %arg10[%add3A_286, %dma_start3A] : memref<160x125xi32, #tpu.memory_space<vmem>> -> memref<1x125xi32, #tpu.memory_space<vmem>>
          %dma_start3A_298 = tpu.memref_squeeze %dma_start3A_297 : memref<1x125xi32, #tpu.memory_space<vmem>> -> memref<125xi32, #tpu.memory_space<vmem>>
          %dma_start3A_299 = arith.constant 0 : i32
          %dma_start3A_300 = arith.constant 0 : i32
          %dma_start3A_301 = tpu.memref_slice %arg3[%dma_start3A_299, %dma_start3A_300] : memref<10000x64xbf16, #tpu.memory_space<hbm>> -> memref<10000x64xbf16, #tpu.memory_space<hbm>>
          tpu.enqueue_indirect_dma source(%dma_start3A_301 : memref<10000x64xbf16, #tpu.memory_space<hbm>>) target(%arg12 : memref<125x64xbf16, #tpu.memory_space<vmem>>) offsets(%dma_start3A_298 : memref<125xi32, #tpu.memory_space<vmem>>) semaphore(%arg20 : memref<!tpu.dma_semaphore, #tpu.memory_space<semaphore_mem>>)
        } else {
        }
      } else {
      }
      %dma_wait3A_128 = arith.constant 0 : i32
      %dma_wait3A_129 = tpu.memref_slice %arg10[%add3A_120, %dma_wait3A_128] : memref<160x125xi32, #tpu.memory_space<vmem>> -> memref<1x125xi32, #tpu.memory_space<vmem>>
      %dma_wait3A_130 = tpu.memref_squeeze %dma_wait3A_129 : memref<1x125xi32, #tpu.memory_space<vmem>> -> memref<125xi32, #tpu.memory_space<vmem>>
      %dma_wait3A_131 = arith.constant 0 : i32
      %dma_wait3A_132 = arith.constant 0 : i32
      %dma_wait3A_133 = tpu.memref_slice %arg2[%dma_wait3A_131, %dma_wait3A_132] : memref<10000x64xbf16, #tpu.memory_space<hbm>> -> memref<10000x64xbf16, #tpu.memory_space<hbm>>
      tpu.wait_indirect_dma semaphore(%arg21 : memref<!tpu.dma_semaphore, #tpu.memory_space<semaphore_mem>>) src(%dma_wait3A_133 : memref<10000x64xbf16, #tpu.memory_space<hbm>>) dst(%arg13 : memref<125x64xbf16, #tpu.memory_space<vmem>>)
      "tpu.region"() ({
        %run_scoped3A = tpu.sem_alloc : memref<!tpu.dma_semaphore, #tpu.memory_space<semaphore_mem>>
        %dma_start3A = arith.constant 0 : i32
        %dma_start3A_285 = tpu.memref_slice %arg11[%add3A_120, %dma_start3A] : memref<160x125xi32, #tpu.memory_space<vmem>> -> memref<1x125xi32, #tpu.memory_space<vmem>>
        %dma_start3A_286 = tpu.memref_squeeze %dma_start3A_285 : memref<1x125xi32, #tpu.memory_space<vmem>> -> memref<125xi32, #tpu.memory_space<vmem>>
        %dma_start3A_287 = arith.constant 0 : i32
        %dma_start3A_288 = arith.constant 0 : i32
        %dma_start3A_289 = tpu.memref_slice %arg29[%dma_start3A_287, %dma_start3A_288] : memref<10112x64xbf16, #tpu.memory_space<vmem_shared>> -> memref<10112x64xbf16, #tpu.memory_space<vmem_shared>>
        tpu.enqueue_indirect_dma source(%arg13 : memref<125x64xbf16, #tpu.memory_space<vmem>>) target(%dma_start3A_289 : memref<10112x64xbf16, #tpu.memory_space<vmem_shared>>) offsets(%dma_start3A_286 : memref<125xi32, #tpu.memory_space<vmem>>) semaphore(%run_scoped3A : memref<!tpu.dma_semaphore, #tpu.memory_space<semaphore_mem>>) {add = true}
        %dma_wait3A_290 = arith.constant 0 : i32
        %dma_wait3A_291 = tpu.memref_slice %arg11[%add3A_120, %dma_wait3A_290] : memref<160x125xi32, #tpu.memory_space<vmem>> -> memref<1x125xi32, #tpu.memory_space<vmem>>
        %dma_wait3A_292 = tpu.memref_squeeze %dma_wait3A_291 : memref<1x125xi32, #tpu.memory_space<vmem>> -> memref<125xi32, #tpu.memory_space<vmem>>
        %dma_wait3A_293 = arith.constant 0 : i32
        %dma_wait3A_294 = arith.constant 0 : i32
        %dma_wait3A_295 = tpu.memref_slice %arg29[%dma_wait3A_293, %dma_wait3A_294] : memref<10112x64xbf16, #tpu.memory_space<vmem_shared>> -> memref<10112x64xbf16, #tpu.memory_space<vmem_shared>>
        tpu.wait_indirect_dma semaphore(%run_scoped3A : memref<!tpu.dma_semaphore, #tpu.memory_space<semaphore_mem>>) src(%arg13 : memref<125x64xbf16, #tpu.memory_space<vmem>>) dst(%dma_wait3A_295 : memref<10112x64xbf16, #tpu.memory_space<vmem_shared>>)
        tpu.yield
      }) : () -> ()
      %ge3A_134 = arith.constant 80 : i32
      %ge3A_135 = arith.cmpi sge, %add3A_120, %ge3A_134 : i32
      %convert_element_type3A_136 = arith.extui %ge3A_135 : i1 to i32
      %eq3A_137 = arith.cmpi eq, %arg0, %convert_element_type3A_136 : i32
      %convert_element_type3A_138 = arith.extui %eq3A_137 : i1 to i32
      %cond3A_139 = arith.constant 0 : i32
      %cond3A_140 = arith.cmpi ne, %convert_element_type3A_138, %cond3A_139 : i32
      scf.if %cond3A_140 {
        "tpu.region"() ({
          %run_scoped3A = tpu.sem_alloc : memref<!tpu.dma_semaphore, #tpu.memory_space<semaphore_mem>>
          %dma_start3A = arith.constant 0 : i32
          %dma_start3A_285 = tpu.memref_slice %arg28[%dma_start3A] : memref<128xf32, #tpu.memory_space<vmem>> -> memref<125xf32, #tpu.memory_space<vmem>>
          %dma_start3A_286 = arith.constant 0 : i32
          %dma_start3A_287 = tpu.memref_slice %arg11[%add3A_120, %dma_start3A_286] : memref<160x125xi32, #tpu.memory_space<vmem>> -> memref<1x125xi32, #tpu.memory_space<vmem>>
          %dma_start3A_288 = tpu.memref_squeeze %dma_start3A_287 : memref<1x125xi32, #tpu.memory_space<vmem>> -> memref<125xi32, #tpu.memory_space<vmem>>
          %dma_start3A_289 = arith.constant 0 : i32
          %dma_start3A_290 = tpu.memref_slice %arg30[%dma_start3A_289] : memref<10000xf32, #tpu.memory_space<vmem_shared>> -> memref<10000xf32, #tpu.memory_space<vmem_shared>>
          tpu.enqueue_indirect_dma source(%dma_start3A_285 : memref<125xf32, #tpu.memory_space<vmem>>) target(%dma_start3A_290 : memref<10000xf32, #tpu.memory_space<vmem_shared>>) offsets(%dma_start3A_288 : memref<125xi32, #tpu.memory_space<vmem>>) semaphore(%run_scoped3A : memref<!tpu.dma_semaphore, #tpu.memory_space<semaphore_mem>>) {add = true}
          %dma_wait3A_291 = arith.constant 0 : i32
          %dma_wait3A_292 = tpu.memref_slice %arg28[%dma_wait3A_291] : memref<128xf32, #tpu.memory_space<vmem>> -> memref<125xf32, #tpu.memory_space<vmem>>
          %dma_wait3A_293 = arith.constant 0 : i32
          %dma_wait3A_294 = tpu.memref_slice %arg11[%add3A_120, %dma_wait3A_293] : memref<160x125xi32, #tpu.memory_space<vmem>> -> memref<1x125xi32, #tpu.memory_space<vmem>>
          %dma_wait3A_295 = tpu.memref_squeeze %dma_wait3A_294 : memref<1x125xi32, #tpu.memory_space<vmem>> -> memref<125xi32, #tpu.memory_space<vmem>>
          %dma_wait3A_296 = arith.constant 0 : i32
          %dma_wait3A_297 = tpu.memref_slice %arg30[%dma_wait3A_296] : memref<10000xf32, #tpu.memory_space<vmem_shared>> -> memref<10000xf32, #tpu.memory_space<vmem_shared>>
          tpu.wait_indirect_dma semaphore(%run_scoped3A : memref<!tpu.dma_semaphore, #tpu.memory_space<semaphore_mem>>) src(%dma_wait3A_292 : memref<125xf32, #tpu.memory_space<vmem>>) dst(%dma_wait3A_297 : memref<10000xf32, #tpu.memory_space<vmem_shared>>)
          tpu.yield
        }) : () -> ()
      } else {
      }
      %mul3A_141 = arith.constant 8 : i32
      %mul3A_142 = arith.muli %scan3A_96, %mul3A_141 : i32
      %add3A_143 = arith.constant 2 : i32
      %add3A_144 = arith.addi %mul3A_142, %add3A_143 : i32
      %add3A_145 = arith.constant 7 : i32
      %add3A_146 = arith.addi %add3A_144, %add3A_145 : i32
      %lt3A_147 = arith.constant 160 : i32
      %lt3A_148 = arith.cmpi slt, %add3A_146, %lt3A_147 : i32
      %convert_element_type3A_149 = arith.extui %lt3A_148 : i1 to i32
      %cond3A_150 = arith.constant 0 : i32
      %cond3A_151 = arith.cmpi ne, %convert_element_type3A_149, %cond3A_150 : i32
      scf.if %cond3A_151 {
        %add3A_285 = arith.constant 7 : i32
        %add3A_286 = arith.addi %add3A_144, %add3A_285 : i32
        %eq3A_287 = arith.constant 0 : i32
        %eq3A_288 = arith.cmpi eq, %arg0, %eq3A_287 : i32
        %convert_element_type3A_289 = arith.extui %eq3A_288 : i1 to i32
        %cond3A_290 = arith.constant 0 : i32
        %cond3A_291 = arith.cmpi ne, %convert_element_type3A_289, %cond3A_290 : i32
        scf.if %cond3A_291 {
          %dma_start3A = arith.constant 0 : i32
          %dma_start3A_297 = tpu.memref_slice %arg10[%add3A_286, %dma_start3A] : memref<160x125xi32, #tpu.memory_space<vmem>> -> memref<1x125xi32, #tpu.memory_space<vmem>>
          %dma_start3A_298 = tpu.memref_squeeze %dma_start3A_297 : memref<1x125xi32, #tpu.memory_space<vmem>> -> memref<125xi32, #tpu.memory_space<vmem>>
          %dma_start3A_299 = arith.constant 0 : i32
          %dma_start3A_300 = arith.constant 0 : i32
          %dma_start3A_301 = tpu.memref_slice %arg2[%dma_start3A_299, %dma_start3A_300] : memref<10000x64xbf16, #tpu.memory_space<hbm>> -> memref<10000x64xbf16, #tpu.memory_space<hbm>>
          tpu.enqueue_indirect_dma source(%dma_start3A_301 : memref<10000x64xbf16, #tpu.memory_space<hbm>>) target(%arg13 : memref<125x64xbf16, #tpu.memory_space<vmem>>) offsets(%dma_start3A_298 : memref<125xi32, #tpu.memory_space<vmem>>) semaphore(%arg21 : memref<!tpu.dma_semaphore, #tpu.memory_space<semaphore_mem>>)
        } else {
        }
        %eq3A_292 = arith.constant 1 : i32
        %eq3A_293 = arith.cmpi eq, %arg0, %eq3A_292 : i32
        %convert_element_type3A_294 = arith.extui %eq3A_293 : i1 to i32
        %cond3A_295 = arith.constant 0 : i32
        %cond3A_296 = arith.cmpi ne, %convert_element_type3A_294, %cond3A_295 : i32
        scf.if %cond3A_296 {
          %dma_start3A = arith.constant 0 : i32
          %dma_start3A_297 = tpu.memref_slice %arg10[%add3A_286, %dma_start3A] : memref<160x125xi32, #tpu.memory_space<vmem>> -> memref<1x125xi32, #tpu.memory_space<vmem>>
          %dma_start3A_298 = tpu.memref_squeeze %dma_start3A_297 : memref<1x125xi32, #tpu.memory_space<vmem>> -> memref<125xi32, #tpu.memory_space<vmem>>
          %dma_start3A_299 = arith.constant 0 : i32
          %dma_start3A_300 = arith.constant 0 : i32
          %dma_start3A_301 = tpu.memref_slice %arg3[%dma_start3A_299, %dma_start3A_300] : memref<10000x64xbf16, #tpu.memory_space<hbm>> -> memref<10000x64xbf16, #tpu.memory_space<hbm>>
          tpu.enqueue_indirect_dma source(%dma_start3A_301 : memref<10000x64xbf16, #tpu.memory_space<hbm>>) target(%arg13 : memref<125x64xbf16, #tpu.memory_space<vmem>>) offsets(%dma_start3A_298 : memref<125xi32, #tpu.memory_space<vmem>>) semaphore(%arg21 : memref<!tpu.dma_semaphore, #tpu.memory_space<semaphore_mem>>)
        } else {
        }
      } else {
      }
      %dma_wait3A_152 = arith.constant 0 : i32
      %dma_wait3A_153 = tpu.memref_slice %arg10[%add3A_144, %dma_wait3A_152] : memref<160x125xi32, #tpu.memory_space<vmem>> -> memref<1x125xi32, #tpu.memory_space<vmem>>
      %dma_wait3A_154 = tpu.memref_squeeze %dma_wait3A_153 : memref<1x125xi32, #tpu.memory_space<vmem>> -> memref<125xi32, #tpu.memory_space<vmem>>
      %dma_wait3A_155 = arith.constant 0 : i32
      %dma_wait3A_156 = arith.constant 0 : i32
      %dma_wait3A_157 = tpu.memref_slice %arg2[%dma_wait3A_155, %dma_wait3A_156] : memref<10000x64xbf16, #tpu.memory_space<hbm>> -> memref<10000x64xbf16, #tpu.memory_space<hbm>>
      tpu.wait_indirect_dma semaphore(%arg22 : memref<!tpu.dma_semaphore, #tpu.memory_space<semaphore_mem>>) src(%dma_wait3A_157 : memref<10000x64xbf16, #tpu.memory_space<hbm>>) dst(%arg14 : memref<125x64xbf16, #tpu.memory_space<vmem>>)
      "tpu.region"() ({
        %run_scoped3A = tpu.sem_alloc : memref<!tpu.dma_semaphore, #tpu.memory_space<semaphore_mem>>
        %dma_start3A = arith.constant 0 : i32
        %dma_start3A_285 = tpu.memref_slice %arg11[%add3A_144, %dma_start3A] : memref<160x125xi32, #tpu.memory_space<vmem>> -> memref<1x125xi32, #tpu.memory_space<vmem>>
        %dma_start3A_286 = tpu.memref_squeeze %dma_start3A_285 : memref<1x125xi32, #tpu.memory_space<vmem>> -> memref<125xi32, #tpu.memory_space<vmem>>
        %dma_start3A_287 = arith.constant 0 : i32
        %dma_start3A_288 = arith.constant 0 : i32
        %dma_start3A_289 = tpu.memref_slice %arg29[%dma_start3A_287, %dma_start3A_288] : memref<10112x64xbf16, #tpu.memory_space<vmem_shared>> -> memref<10112x64xbf16, #tpu.memory_space<vmem_shared>>
        tpu.enqueue_indirect_dma source(%arg14 : memref<125x64xbf16, #tpu.memory_space<vmem>>) target(%dma_start3A_289 : memref<10112x64xbf16, #tpu.memory_space<vmem_shared>>) offsets(%dma_start3A_286 : memref<125xi32, #tpu.memory_space<vmem>>) semaphore(%run_scoped3A : memref<!tpu.dma_semaphore, #tpu.memory_space<semaphore_mem>>) {add = true}
        %dma_wait3A_290 = arith.constant 0 : i32
        %dma_wait3A_291 = tpu.memref_slice %arg11[%add3A_144, %dma_wait3A_290] : memref<160x125xi32, #tpu.memory_space<vmem>> -> memref<1x125xi32, #tpu.memory_space<vmem>>
        %dma_wait3A_292 = tpu.memref_squeeze %dma_wait3A_291 : memref<1x125xi32, #tpu.memory_space<vmem>> -> memref<125xi32, #tpu.memory_space<vmem>>
        %dma_wait3A_293 = arith.constant 0 : i32
        %dma_wait3A_294 = arith.constant 0 : i32
        %dma_wait3A_295 = tpu.memref_slice %arg29[%dma_wait3A_293, %dma_wait3A_294] : memref<10112x64xbf16, #tpu.memory_space<vmem_shared>> -> memref<10112x64xbf16, #tpu.memory_space<vmem_shared>>
        tpu.wait_indirect_dma semaphore(%run_scoped3A : memref<!tpu.dma_semaphore, #tpu.memory_space<semaphore_mem>>) src(%arg14 : memref<125x64xbf16, #tpu.memory_space<vmem>>) dst(%dma_wait3A_295 : memref<10112x64xbf16, #tpu.memory_space<vmem_shared>>)
        tpu.yield
      }) : () -> ()
      %ge3A_158 = arith.constant 80 : i32
      %ge3A_159 = arith.cmpi sge, %add3A_144, %ge3A_158 : i32
      %convert_element_type3A_160 = arith.extui %ge3A_159 : i1 to i32
      %eq3A_161 = arith.cmpi eq, %arg0, %convert_element_type3A_160 : i32
      %convert_element_type3A_162 = arith.extui %eq3A_161 : i1 to i32
      %cond3A_163 = arith.constant 0 : i32
      %cond3A_164 = arith.cmpi ne, %convert_element_type3A_162, %cond3A_163 : i32
      scf.if %cond3A_164 {
        "tpu.region"() ({
          %run_scoped3A = tpu.sem_alloc : memref<!tpu.dma_semaphore, #tpu.memory_space<semaphore_mem>>
          %dma_start3A = arith.constant 0 : i32
          %dma_start3A_285 = tpu.memref_slice %arg28[%dma_start3A] : memref<128xf32, #tpu.memory_space<vmem>> -> memref<125xf32, #tpu.memory_space<vmem>>
          %dma_start3A_286 = arith.constant 0 : i32
          %dma_start3A_287 = tpu.memref_slice %arg11[%add3A_144, %dma_start3A_286] : memref<160x125xi32, #tpu.memory_space<vmem>> -> memref<1x125xi32, #tpu.memory_space<vmem>>
          %dma_start3A_288 = tpu.memref_squeeze %dma_start3A_287 : memref<1x125xi32, #tpu.memory_space<vmem>> -> memref<125xi32, #tpu.memory_space<vmem>>
          %dma_start3A_289 = arith.constant 0 : i32
          %dma_start3A_290 = tpu.memref_slice %arg30[%dma_start3A_289] : memref<10000xf32, #tpu.memory_space<vmem_shared>> -> memref<10000xf32, #tpu.memory_space<vmem_shared>>
          tpu.enqueue_indirect_dma source(%dma_start3A_285 : memref<125xf32, #tpu.memory_space<vmem>>) target(%dma_start3A_290 : memref<10000xf32, #tpu.memory_space<vmem_shared>>) offsets(%dma_start3A_288 : memref<125xi32, #tpu.memory_space<vmem>>) semaphore(%run_scoped3A : memref<!tpu.dma_semaphore, #tpu.memory_space<semaphore_mem>>) {add = true}
          %dma_wait3A_291 = arith.constant 0 : i32
          %dma_wait3A_292 = tpu.memref_slice %arg28[%dma_wait3A_291] : memref<128xf32, #tpu.memory_space<vmem>> -> memref<125xf32, #tpu.memory_space<vmem>>
          %dma_wait3A_293 = arith.constant 0 : i32
          %dma_wait3A_294 = tpu.memref_slice %arg11[%add3A_144, %dma_wait3A_293] : memref<160x125xi32, #tpu.memory_space<vmem>> -> memref<1x125xi32, #tpu.memory_space<vmem>>
          %dma_wait3A_295 = tpu.memref_squeeze %dma_wait3A_294 : memref<1x125xi32, #tpu.memory_space<vmem>> -> memref<125xi32, #tpu.memory_space<vmem>>
          %dma_wait3A_296 = arith.constant 0 : i32
          %dma_wait3A_297 = tpu.memref_slice %arg30[%dma_wait3A_296] : memref<10000xf32, #tpu.memory_space<vmem_shared>> -> memref<10000xf32, #tpu.memory_space<vmem_shared>>
          tpu.wait_indirect_dma semaphore(%run_scoped3A : memref<!tpu.dma_semaphore, #tpu.memory_space<semaphore_mem>>) src(%dma_wait3A_292 : memref<125xf32, #tpu.memory_space<vmem>>) dst(%dma_wait3A_297 : memref<10000xf32, #tpu.memory_space<vmem_shared>>)
          tpu.yield
        }) : () -> ()
      } else {
      }
      %mul3A_165 = arith.constant 8 : i32
      %mul3A_166 = arith.muli %scan3A_96, %mul3A_165 : i32
      %add3A_167 = arith.constant 3 : i32
      %add3A_168 = arith.addi %mul3A_166, %add3A_167 : i32
      %add3A_169 = arith.constant 7 : i32
      %add3A_170 = arith.addi %add3A_168, %add3A_169 : i32
      %lt3A_171 = arith.constant 160 : i32
      %lt3A_172 = arith.cmpi slt, %add3A_170, %lt3A_171 : i32
      %convert_element_type3A_173 = arith.extui %lt3A_172 : i1 to i32
      %cond3A_174 = arith.constant 0 : i32
      %cond3A_175 = arith.cmpi ne, %convert_element_type3A_173, %cond3A_174 : i32
      scf.if %cond3A_175 {
        %add3A_285 = arith.constant 7 : i32
        %add3A_286 = arith.addi %add3A_168, %add3A_285 : i32
        %eq3A_287 = arith.constant 0 : i32
        %eq3A_288 = arith.cmpi eq, %arg0, %eq3A_287 : i32
        %convert_element_type3A_289 = arith.extui %eq3A_288 : i1 to i32
        %cond3A_290 = arith.constant 0 : i32
        %cond3A_291 = arith.cmpi ne, %convert_element_type3A_289, %cond3A_290 : i32
        scf.if %cond3A_291 {
          %dma_start3A = arith.constant 0 : i32
          %dma_start3A_297 = tpu.memref_slice %arg10[%add3A_286, %dma_start3A] : memref<160x125xi32, #tpu.memory_space<vmem>> -> memref<1x125xi32, #tpu.memory_space<vmem>>
          %dma_start3A_298 = tpu.memref_squeeze %dma_start3A_297 : memref<1x125xi32, #tpu.memory_space<vmem>> -> memref<125xi32, #tpu.memory_space<vmem>>
          %dma_start3A_299 = arith.constant 0 : i32
          %dma_start3A_300 = arith.constant 0 : i32
          %dma_start3A_301 = tpu.memref_slice %arg2[%dma_start3A_299, %dma_start3A_300] : memref<10000x64xbf16, #tpu.memory_space<hbm>> -> memref<10000x64xbf16, #tpu.memory_space<hbm>>
          tpu.enqueue_indirect_dma source(%dma_start3A_301 : memref<10000x64xbf16, #tpu.memory_space<hbm>>) target(%arg14 : memref<125x64xbf16, #tpu.memory_space<vmem>>) offsets(%dma_start3A_298 : memref<125xi32, #tpu.memory_space<vmem>>) semaphore(%arg22 : memref<!tpu.dma_semaphore, #tpu.memory_space<semaphore_mem>>)
        } else {
        }
        %eq3A_292 = arith.constant 1 : i32
        %eq3A_293 = arith.cmpi eq, %arg0, %eq3A_292 : i32
        %convert_element_type3A_294 = arith.extui %eq3A_293 : i1 to i32
        %cond3A_295 = arith.constant 0 : i32
        %cond3A_296 = arith.cmpi ne, %convert_element_type3A_294, %cond3A_295 : i32
        scf.if %cond3A_296 {
          %dma_start3A = arith.constant 0 : i32
          %dma_start3A_297 = tpu.memref_slice %arg10[%add3A_286, %dma_start3A] : memref<160x125xi32, #tpu.memory_space<vmem>> -> memref<1x125xi32, #tpu.memory_space<vmem>>
          %dma_start3A_298 = tpu.memref_squeeze %dma_start3A_297 : memref<1x125xi32, #tpu.memory_space<vmem>> -> memref<125xi32, #tpu.memory_space<vmem>>
          %dma_start3A_299 = arith.constant 0 : i32
          %dma_start3A_300 = arith.constant 0 : i32
          %dma_start3A_301 = tpu.memref_slice %arg3[%dma_start3A_299, %dma_start3A_300] : memref<10000x64xbf16, #tpu.memory_space<hbm>> -> memref<10000x64xbf16, #tpu.memory_space<hbm>>
          tpu.enqueue_indirect_dma source(%dma_start3A_301 : memref<10000x64xbf16, #tpu.memory_space<hbm>>) target(%arg14 : memref<125x64xbf16, #tpu.memory_space<vmem>>) offsets(%dma_start3A_298 : memref<125xi32, #tpu.memory_space<vmem>>) semaphore(%arg22 : memref<!tpu.dma_semaphore, #tpu.memory_space<semaphore_mem>>)
        } else {
        }
      } else {
      }
      %dma_wait3A_176 = arith.constant 0 : i32
      %dma_wait3A_177 = tpu.memref_slice %arg10[%add3A_168, %dma_wait3A_176] : memref<160x125xi32, #tpu.memory_space<vmem>> -> memref<1x125xi32, #tpu.memory_space<vmem>>
      %dma_wait3A_178 = tpu.memref_squeeze %dma_wait3A_177 : memref<1x125xi32, #tpu.memory_space<vmem>> -> memref<125xi32, #tpu.memory_space<vmem>>
      %dma_wait3A_179 = arith.constant 0 : i32
      %dma_wait3A_180 = arith.constant 0 : i32
      %dma_wait3A_181 = tpu.memref_slice %arg2[%dma_wait3A_179, %dma_wait3A_180] : memref<10000x64xbf16, #tpu.memory_space<hbm>> -> memref<10000x64xbf16, #tpu.memory_space<hbm>>
      tpu.wait_indirect_dma semaphore(%arg23 : memref<!tpu.dma_semaphore, #tpu.memory_space<semaphore_mem>>) src(%dma_wait3A_181 : memref<10000x64xbf16, #tpu.memory_space<hbm>>) dst(%arg15 : memref<125x64xbf16, #tpu.memory_space<vmem>>)
      "tpu.region"() ({
        %run_scoped3A = tpu.sem_alloc : memref<!tpu.dma_semaphore, #tpu.memory_space<semaphore_mem>>
        %dma_start3A = arith.constant 0 : i32
        %dma_start3A_285 = tpu.memref_slice %arg11[%add3A_168, %dma_start3A] : memref<160x125xi32, #tpu.memory_space<vmem>> -> memref<1x125xi32, #tpu.memory_space<vmem>>
        %dma_start3A_286 = tpu.memref_squeeze %dma_start3A_285 : memref<1x125xi32, #tpu.memory_space<vmem>> -> memref<125xi32, #tpu.memory_space<vmem>>
        %dma_start3A_287 = arith.constant 0 : i32
        %dma_start3A_288 = arith.constant 0 : i32
        %dma_start3A_289 = tpu.memref_slice %arg29[%dma_start3A_287, %dma_start3A_288] : memref<10112x64xbf16, #tpu.memory_space<vmem_shared>> -> memref<10112x64xbf16, #tpu.memory_space<vmem_shared>>
        tpu.enqueue_indirect_dma source(%arg15 : memref<125x64xbf16, #tpu.memory_space<vmem>>) target(%dma_start3A_289 : memref<10112x64xbf16, #tpu.memory_space<vmem_shared>>) offsets(%dma_start3A_286 : memref<125xi32, #tpu.memory_space<vmem>>) semaphore(%run_scoped3A : memref<!tpu.dma_semaphore, #tpu.memory_space<semaphore_mem>>) {add = true}
        %dma_wait3A_290 = arith.constant 0 : i32
        %dma_wait3A_291 = tpu.memref_slice %arg11[%add3A_168, %dma_wait3A_290] : memref<160x125xi32, #tpu.memory_space<vmem>> -> memref<1x125xi32, #tpu.memory_space<vmem>>
        %dma_wait3A_292 = tpu.memref_squeeze %dma_wait3A_291 : memref<1x125xi32, #tpu.memory_space<vmem>> -> memref<125xi32, #tpu.memory_space<vmem>>
        %dma_wait3A_293 = arith.constant 0 : i32
        %dma_wait3A_294 = arith.constant 0 : i32
        %dma_wait3A_295 = tpu.memref_slice %arg29[%dma_wait3A_293, %dma_wait3A_294] : memref<10112x64xbf16, #tpu.memory_space<vmem_shared>> -> memref<10112x64xbf16, #tpu.memory_space<vmem_shared>>
        tpu.wait_indirect_dma semaphore(%run_scoped3A : memref<!tpu.dma_semaphore, #tpu.memory_space<semaphore_mem>>) src(%arg15 : memref<125x64xbf16, #tpu.memory_space<vmem>>) dst(%dma_wait3A_295 : memref<10112x64xbf16, #tpu.memory_space<vmem_shared>>)
        tpu.yield
      }) : () -> ()
      %ge3A_182 = arith.constant 80 : i32
      %ge3A_183 = arith.cmpi sge, %add3A_168, %ge3A_182 : i32
      %convert_element_type3A_184 = arith.extui %ge3A_183 : i1 to i32
      %eq3A_185 = arith.cmpi eq, %arg0, %convert_element_type3A_184 : i32
      %convert_element_type3A_186 = arith.extui %eq3A_185 : i1 to i32
      %cond3A_187 = arith.constant 0 : i32
      %cond3A_188 = arith.cmpi ne, %convert_element_type3A_186, %cond3A_187 : i32
      scf.if %cond3A_188 {
        "tpu.region"() ({
          %run_scoped3A = tpu.sem_alloc : memref<!tpu.dma_semaphore, #tpu.memory_space<semaphore_mem>>
          %dma_start3A = arith.constant 0 : i32
          %dma_start3A_285 = tpu.memref_slice %arg28[%dma_start3A] : memref<128xf32, #tpu.memory_space<vmem>> -> memref<125xf32, #tpu.memory_space<vmem>>
          %dma_start3A_286 = arith.constant 0 : i32
          %dma_start3A_287 = tpu.memref_slice %arg11[%add3A_168, %dma_start3A_286] : memref<160x125xi32, #tpu.memory_space<vmem>> -> memref<1x125xi32, #tpu.memory_space<vmem>>
          %dma_start3A_288 = tpu.memref_squeeze %dma_start3A_287 : memref<1x125xi32, #tpu.memory_space<vmem>> -> memref<125xi32, #tpu.memory_space<vmem>>
          %dma_start3A_289 = arith.constant 0 : i32
          %dma_start3A_290 = tpu.memref_slice %arg30[%dma_start3A_289] : memref<10000xf32, #tpu.memory_space<vmem_shared>> -> memref<10000xf32, #tpu.memory_space<vmem_shared>>
          tpu.enqueue_indirect_dma source(%dma_start3A_285 : memref<125xf32, #tpu.memory_space<vmem>>) target(%dma_start3A_290 : memref<10000xf32, #tpu.memory_space<vmem_shared>>) offsets(%dma_start3A_288 : memref<125xi32, #tpu.memory_space<vmem>>) semaphore(%run_scoped3A : memref<!tpu.dma_semaphore, #tpu.memory_space<semaphore_mem>>) {add = true}
          %dma_wait3A_291 = arith.constant 0 : i32
          %dma_wait3A_292 = tpu.memref_slice %arg28[%dma_wait3A_291] : memref<128xf32, #tpu.memory_space<vmem>> -> memref<125xf32, #tpu.memory_space<vmem>>
          %dma_wait3A_293 = arith.constant 0 : i32
          %dma_wait3A_294 = tpu.memref_slice %arg11[%add3A_168, %dma_wait3A_293] : memref<160x125xi32, #tpu.memory_space<vmem>> -> memref<1x125xi32, #tpu.memory_space<vmem>>
          %dma_wait3A_295 = tpu.memref_squeeze %dma_wait3A_294 : memref<1x125xi32, #tpu.memory_space<vmem>> -> memref<125xi32, #tpu.memory_space<vmem>>
          %dma_wait3A_296 = arith.constant 0 : i32
          %dma_wait3A_297 = tpu.memref_slice %arg30[%dma_wait3A_296] : memref<10000xf32, #tpu.memory_space<vmem_shared>> -> memref<10000xf32, #tpu.memory_space<vmem_shared>>
          tpu.wait_indirect_dma semaphore(%run_scoped3A : memref<!tpu.dma_semaphore, #tpu.memory_space<semaphore_mem>>) src(%dma_wait3A_292 : memref<125xf32, #tpu.memory_space<vmem>>) dst(%dma_wait3A_297 : memref<10000xf32, #tpu.memory_space<vmem_shared>>)
          tpu.yield
        }) : () -> ()
      } else {
      }
      %mul3A_189 = arith.constant 8 : i32
      %mul3A_190 = arith.muli %scan3A_96, %mul3A_189 : i32
      %add3A_191 = arith.constant 4 : i32
      %add3A_192 = arith.addi %mul3A_190, %add3A_191 : i32
      %add3A_193 = arith.constant 7 : i32
      %add3A_194 = arith.addi %add3A_192, %add3A_193 : i32
      %lt3A_195 = arith.constant 160 : i32
      %lt3A_196 = arith.cmpi slt, %add3A_194, %lt3A_195 : i32
      %convert_element_type3A_197 = arith.extui %lt3A_196 : i1 to i32
      %cond3A_198 = arith.constant 0 : i32
      %cond3A_199 = arith.cmpi ne, %convert_element_type3A_197, %cond3A_198 : i32
      scf.if %cond3A_199 {
        %add3A_285 = arith.constant 7 : i32
        %add3A_286 = arith.addi %add3A_192, %add3A_285 : i32
        %eq3A_287 = arith.constant 0 : i32
        %eq3A_288 = arith.cmpi eq, %arg0, %eq3A_287 : i32
        %convert_element_type3A_289 = arith.extui %eq3A_288 : i1 to i32
        %cond3A_290 = arith.constant 0 : i32
        %cond3A_291 = arith.cmpi ne, %convert_element_type3A_289, %cond3A_290 : i32
        scf.if %cond3A_291 {
          %dma_start3A = arith.constant 0 : i32
          %dma_start3A_297 = tpu.memref_slice %arg10[%add3A_286, %dma_start3A] : memref<160x125xi32, #tpu.memory_space<vmem>> -> memref<1x125xi32, #tpu.memory_space<vmem>>
          %dma_start3A_298 = tpu.memref_squeeze %dma_start3A_297 : memref<1x125xi32, #tpu.memory_space<vmem>> -> memref<125xi32, #tpu.memory_space<vmem>>
          %dma_start3A_299 = arith.constant 0 : i32
          %dma_start3A_300 = arith.constant 0 : i32
          %dma_start3A_301 = tpu.memref_slice %arg2[%dma_start3A_299, %dma_start3A_300] : memref<10000x64xbf16, #tpu.memory_space<hbm>> -> memref<10000x64xbf16, #tpu.memory_space<hbm>>
          tpu.enqueue_indirect_dma source(%dma_start3A_301 : memref<10000x64xbf16, #tpu.memory_space<hbm>>) target(%arg15 : memref<125x64xbf16, #tpu.memory_space<vmem>>) offsets(%dma_start3A_298 : memref<125xi32, #tpu.memory_space<vmem>>) semaphore(%arg23 : memref<!tpu.dma_semaphore, #tpu.memory_space<semaphore_mem>>)
        } else {
        }
        %eq3A_292 = arith.constant 1 : i32
        %eq3A_293 = arith.cmpi eq, %arg0, %eq3A_292 : i32
        %convert_element_type3A_294 = arith.extui %eq3A_293 : i1 to i32
        %cond3A_295 = arith.constant 0 : i32
        %cond3A_296 = arith.cmpi ne, %convert_element_type3A_294, %cond3A_295 : i32
        scf.if %cond3A_296 {
          %dma_start3A = arith.constant 0 : i32
          %dma_start3A_297 = tpu.memref_slice %arg10[%add3A_286, %dma_start3A] : memref<160x125xi32, #tpu.memory_space<vmem>> -> memref<1x125xi32, #tpu.memory_space<vmem>>
          %dma_start3A_298 = tpu.memref_squeeze %dma_start3A_297 : memref<1x125xi32, #tpu.memory_space<vmem>> -> memref<125xi32, #tpu.memory_space<vmem>>
          %dma_start3A_299 = arith.constant 0 : i32
          %dma_start3A_300 = arith.constant 0 : i32
          %dma_start3A_301 = tpu.memref_slice %arg3[%dma_start3A_299, %dma_start3A_300] : memref<10000x64xbf16, #tpu.memory_space<hbm>> -> memref<10000x64xbf16, #tpu.memory_space<hbm>>
          tpu.enqueue_indirect_dma source(%dma_start3A_301 : memref<10000x64xbf16, #tpu.memory_space<hbm>>) target(%arg15 : memref<125x64xbf16, #tpu.memory_space<vmem>>) offsets(%dma_start3A_298 : memref<125xi32, #tpu.memory_space<vmem>>) semaphore(%arg23 : memref<!tpu.dma_semaphore, #tpu.memory_space<semaphore_mem>>)
        } else {
        }
      } else {
      }
      %dma_wait3A_200 = arith.constant 0 : i32
      %dma_wait3A_201 = tpu.memref_slice %arg10[%add3A_192, %dma_wait3A_200] : memref<160x125xi32, #tpu.memory_space<vmem>> -> memref<1x125xi32, #tpu.memory_space<vmem>>
      %dma_wait3A_202 = tpu.memref_squeeze %dma_wait3A_201 : memref<1x125xi32, #tpu.memory_space<vmem>> -> memref<125xi32, #tpu.memory_space<vmem>>
      %dma_wait3A_203 = arith.constant 0 : i32
      %dma_wait3A_204 = arith.constant 0 : i32
      %dma_wait3A_205 = tpu.memref_slice %arg2[%dma_wait3A_203, %dma_wait3A_204] : memref<10000x64xbf16, #tpu.memory_space<hbm>> -> memref<10000x64xbf16, #tpu.memory_space<hbm>>
      tpu.wait_indirect_dma semaphore(%arg24 : memref<!tpu.dma_semaphore, #tpu.memory_space<semaphore_mem>>) src(%dma_wait3A_205 : memref<10000x64xbf16, #tpu.memory_space<hbm>>) dst(%arg16 : memref<125x64xbf16, #tpu.memory_space<vmem>>)
      "tpu.region"() ({
        %run_scoped3A = tpu.sem_alloc : memref<!tpu.dma_semaphore, #tpu.memory_space<semaphore_mem>>
        %dma_start3A = arith.constant 0 : i32
        %dma_start3A_285 = tpu.memref_slice %arg11[%add3A_192, %dma_start3A] : memref<160x125xi32, #tpu.memory_space<vmem>> -> memref<1x125xi32, #tpu.memory_space<vmem>>
        %dma_start3A_286 = tpu.memref_squeeze %dma_start3A_285 : memref<1x125xi32, #tpu.memory_space<vmem>> -> memref<125xi32, #tpu.memory_space<vmem>>
        %dma_start3A_287 = arith.constant 0 : i32
        %dma_start3A_288 = arith.constant 0 : i32
        %dma_start3A_289 = tpu.memref_slice %arg29[%dma_start3A_287, %dma_start3A_288] : memref<10112x64xbf16, #tpu.memory_space<vmem_shared>> -> memref<10112x64xbf16, #tpu.memory_space<vmem_shared>>
        tpu.enqueue_indirect_dma source(%arg16 : memref<125x64xbf16, #tpu.memory_space<vmem>>) target(%dma_start3A_289 : memref<10112x64xbf16, #tpu.memory_space<vmem_shared>>) offsets(%dma_start3A_286 : memref<125xi32, #tpu.memory_space<vmem>>) semaphore(%run_scoped3A : memref<!tpu.dma_semaphore, #tpu.memory_space<semaphore_mem>>) {add = true}
        %dma_wait3A_290 = arith.constant 0 : i32
        %dma_wait3A_291 = tpu.memref_slice %arg11[%add3A_192, %dma_wait3A_290] : memref<160x125xi32, #tpu.memory_space<vmem>> -> memref<1x125xi32, #tpu.memory_space<vmem>>
        %dma_wait3A_292 = tpu.memref_squeeze %dma_wait3A_291 : memref<1x125xi32, #tpu.memory_space<vmem>> -> memref<125xi32, #tpu.memory_space<vmem>>
        %dma_wait3A_293 = arith.constant 0 : i32
        %dma_wait3A_294 = arith.constant 0 : i32
        %dma_wait3A_295 = tpu.memref_slice %arg29[%dma_wait3A_293, %dma_wait3A_294] : memref<10112x64xbf16, #tpu.memory_space<vmem_shared>> -> memref<10112x64xbf16, #tpu.memory_space<vmem_shared>>
        tpu.wait_indirect_dma semaphore(%run_scoped3A : memref<!tpu.dma_semaphore, #tpu.memory_space<semaphore_mem>>) src(%arg16 : memref<125x64xbf16, #tpu.memory_space<vmem>>) dst(%dma_wait3A_295 : memref<10112x64xbf16, #tpu.memory_space<vmem_shared>>)
        tpu.yield
      }) : () -> ()
      %ge3A_206 = arith.constant 80 : i32
      %ge3A_207 = arith.cmpi sge, %add3A_192, %ge3A_206 : i32
      %convert_element_type3A_208 = arith.extui %ge3A_207 : i1 to i32
      %eq3A_209 = arith.cmpi eq, %arg0, %convert_element_type3A_208 : i32
      %convert_element_type3A_210 = arith.extui %eq3A_209 : i1 to i32
      %cond3A_211 = arith.constant 0 : i32
      %cond3A_212 = arith.cmpi ne, %convert_element_type3A_210, %cond3A_211 : i32
      scf.if %cond3A_212 {
        "tpu.region"() ({
          %run_scoped3A = tpu.sem_alloc : memref<!tpu.dma_semaphore, #tpu.memory_space<semaphore_mem>>
          %dma_start3A = arith.constant 0 : i32
          %dma_start3A_285 = tpu.memref_slice %arg28[%dma_start3A] : memref<128xf32, #tpu.memory_space<vmem>> -> memref<125xf32, #tpu.memory_space<vmem>>
          %dma_start3A_286 = arith.constant 0 : i32
          %dma_start3A_287 = tpu.memref_slice %arg11[%add3A_192, %dma_start3A_286] : memref<160x125xi32, #tpu.memory_space<vmem>> -> memref<1x125xi32, #tpu.memory_space<vmem>>
          %dma_start3A_288 = tpu.memref_squeeze %dma_start3A_287 : memref<1x125xi32, #tpu.memory_space<vmem>> -> memref<125xi32, #tpu.memory_space<vmem>>
          %dma_start3A_289 = arith.constant 0 : i32
          %dma_start3A_290 = tpu.memref_slice %arg30[%dma_start3A_289] : memref<10000xf32, #tpu.memory_space<vmem_shared>> -> memref<10000xf32, #tpu.memory_space<vmem_shared>>
          tpu.enqueue_indirect_dma source(%dma_start3A_285 : memref<125xf32, #tpu.memory_space<vmem>>) target(%dma_start3A_290 : memref<10000xf32, #tpu.memory_space<vmem_shared>>) offsets(%dma_start3A_288 : memref<125xi32, #tpu.memory_space<vmem>>) semaphore(%run_scoped3A : memref<!tpu.dma_semaphore, #tpu.memory_space<semaphore_mem>>) {add = true}
          %dma_wait3A_291 = arith.constant 0 : i32
          %dma_wait3A_292 = tpu.memref_slice %arg28[%dma_wait3A_291] : memref<128xf32, #tpu.memory_space<vmem>> -> memref<125xf32, #tpu.memory_space<vmem>>
          %dma_wait3A_293 = arith.constant 0 : i32
          %dma_wait3A_294 = tpu.memref_slice %arg11[%add3A_192, %dma_wait3A_293] : memref<160x125xi32, #tpu.memory_space<vmem>> -> memref<1x125xi32, #tpu.memory_space<vmem>>
          %dma_wait3A_295 = tpu.memref_squeeze %dma_wait3A_294 : memref<1x125xi32, #tpu.memory_space<vmem>> -> memref<125xi32, #tpu.memory_space<vmem>>
          %dma_wait3A_296 = arith.constant 0 : i32
          %dma_wait3A_297 = tpu.memref_slice %arg30[%dma_wait3A_296] : memref<10000xf32, #tpu.memory_space<vmem_shared>> -> memref<10000xf32, #tpu.memory_space<vmem_shared>>
          tpu.wait_indirect_dma semaphore(%run_scoped3A : memref<!tpu.dma_semaphore, #tpu.memory_space<semaphore_mem>>) src(%dma_wait3A_292 : memref<125xf32, #tpu.memory_space<vmem>>) dst(%dma_wait3A_297 : memref<10000xf32, #tpu.memory_space<vmem_shared>>)
          tpu.yield
        }) : () -> ()
      } else {
      }
      %mul3A_213 = arith.constant 8 : i32
      %mul3A_214 = arith.muli %scan3A_96, %mul3A_213 : i32
      %add3A_215 = arith.constant 5 : i32
      %add3A_216 = arith.addi %mul3A_214, %add3A_215 : i32
      %add3A_217 = arith.constant 7 : i32
      %add3A_218 = arith.addi %add3A_216, %add3A_217 : i32
      %lt3A_219 = arith.constant 160 : i32
      %lt3A_220 = arith.cmpi slt, %add3A_218, %lt3A_219 : i32
      %convert_element_type3A_221 = arith.extui %lt3A_220 : i1 to i32
      %cond3A_222 = arith.constant 0 : i32
      %cond3A_223 = arith.cmpi ne, %convert_element_type3A_221, %cond3A_222 : i32
      scf.if %cond3A_223 {
        %add3A_285 = arith.constant 7 : i32
        %add3A_286 = arith.addi %add3A_216, %add3A_285 : i32
        %eq3A_287 = arith.constant 0 : i32
        %eq3A_288 = arith.cmpi eq, %arg0, %eq3A_287 : i32
        %convert_element_type3A_289 = arith.extui %eq3A_288 : i1 to i32
        %cond3A_290 = arith.constant 0 : i32
        %cond3A_291 = arith.cmpi ne, %convert_element_type3A_289, %cond3A_290 : i32
        scf.if %cond3A_291 {
          %dma_start3A = arith.constant 0 : i32
          %dma_start3A_297 = tpu.memref_slice %arg10[%add3A_286, %dma_start3A] : memref<160x125xi32, #tpu.memory_space<vmem>> -> memref<1x125xi32, #tpu.memory_space<vmem>>
          %dma_start3A_298 = tpu.memref_squeeze %dma_start3A_297 : memref<1x125xi32, #tpu.memory_space<vmem>> -> memref<125xi32, #tpu.memory_space<vmem>>
          %dma_start3A_299 = arith.constant 0 : i32
          %dma_start3A_300 = arith.constant 0 : i32
          %dma_start3A_301 = tpu.memref_slice %arg2[%dma_start3A_299, %dma_start3A_300] : memref<10000x64xbf16, #tpu.memory_space<hbm>> -> memref<10000x64xbf16, #tpu.memory_space<hbm>>
          tpu.enqueue_indirect_dma source(%dma_start3A_301 : memref<10000x64xbf16, #tpu.memory_space<hbm>>) target(%arg16 : memref<125x64xbf16, #tpu.memory_space<vmem>>) offsets(%dma_start3A_298 : memref<125xi32, #tpu.memory_space<vmem>>) semaphore(%arg24 : memref<!tpu.dma_semaphore, #tpu.memory_space<semaphore_mem>>)
        } else {
        }
        %eq3A_292 = arith.constant 1 : i32
        %eq3A_293 = arith.cmpi eq, %arg0, %eq3A_292 : i32
        %convert_element_type3A_294 = arith.extui %eq3A_293 : i1 to i32
        %cond3A_295 = arith.constant 0 : i32
        %cond3A_296 = arith.cmpi ne, %convert_element_type3A_294, %cond3A_295 : i32
        scf.if %cond3A_296 {
          %dma_start3A = arith.constant 0 : i32
          %dma_start3A_297 = tpu.memref_slice %arg10[%add3A_286, %dma_start3A] : memref<160x125xi32, #tpu.memory_space<vmem>> -> memref<1x125xi32, #tpu.memory_space<vmem>>
          %dma_start3A_298 = tpu.memref_squeeze %dma_start3A_297 : memref<1x125xi32, #tpu.memory_space<vmem>> -> memref<125xi32, #tpu.memory_space<vmem>>
          %dma_start3A_299 = arith.constant 0 : i32
          %dma_start3A_300 = arith.constant 0 : i32
          %dma_start3A_301 = tpu.memref_slice %arg3[%dma_start3A_299, %dma_start3A_300] : memref<10000x64xbf16, #tpu.memory_space<hbm>> -> memref<10000x64xbf16, #tpu.memory_space<hbm>>
          tpu.enqueue_indirect_dma source(%dma_start3A_301 : memref<10000x64xbf16, #tpu.memory_space<hbm>>) target(%arg16 : memref<125x64xbf16, #tpu.memory_space<vmem>>) offsets(%dma_start3A_298 : memref<125xi32, #tpu.memory_space<vmem>>) semaphore(%arg24 : memref<!tpu.dma_semaphore, #tpu.memory_space<semaphore_mem>>)
        } else {
        }
      } else {
      }
      %dma_wait3A_224 = arith.constant 0 : i32
      %dma_wait3A_225 = tpu.memref_slice %arg10[%add3A_216, %dma_wait3A_224] : memref<160x125xi32, #tpu.memory_space<vmem>> -> memref<1x125xi32, #tpu.memory_space<vmem>>
      %dma_wait3A_226 = tpu.memref_squeeze %dma_wait3A_225 : memref<1x125xi32, #tpu.memory_space<vmem>> -> memref<125xi32, #tpu.memory_space<vmem>>
      %dma_wait3A_227 = arith.constant 0 : i32
      %dma_wait3A_228 = arith.constant 0 : i32
      %dma_wait3A_229 = tpu.memref_slice %arg2[%dma_wait3A_227, %dma_wait3A_228] : memref<10000x64xbf16, #tpu.memory_space<hbm>> -> memref<10000x64xbf16, #tpu.memory_space<hbm>>
      tpu.wait_indirect_dma semaphore(%arg25 : memref<!tpu.dma_semaphore, #tpu.memory_space<semaphore_mem>>) src(%dma_wait3A_229 : memref<10000x64xbf16, #tpu.memory_space<hbm>>) dst(%arg17 : memref<125x64xbf16, #tpu.memory_space<vmem>>)
      "tpu.region"() ({
        %run_scoped3A = tpu.sem_alloc : memref<!tpu.dma_semaphore, #tpu.memory_space<semaphore_mem>>
        %dma_start3A = arith.constant 0 : i32
        %dma_start3A_285 = tpu.memref_slice %arg11[%add3A_216, %dma_start3A] : memref<160x125xi32, #tpu.memory_space<vmem>> -> memref<1x125xi32, #tpu.memory_space<vmem>>
        %dma_start3A_286 = tpu.memref_squeeze %dma_start3A_285 : memref<1x125xi32, #tpu.memory_space<vmem>> -> memref<125xi32, #tpu.memory_space<vmem>>
        %dma_start3A_287 = arith.constant 0 : i32
        %dma_start3A_288 = arith.constant 0 : i32
        %dma_start3A_289 = tpu.memref_slice %arg29[%dma_start3A_287, %dma_start3A_288] : memref<10112x64xbf16, #tpu.memory_space<vmem_shared>> -> memref<10112x64xbf16, #tpu.memory_space<vmem_shared>>
        tpu.enqueue_indirect_dma source(%arg17 : memref<125x64xbf16, #tpu.memory_space<vmem>>) target(%dma_start3A_289 : memref<10112x64xbf16, #tpu.memory_space<vmem_shared>>) offsets(%dma_start3A_286 : memref<125xi32, #tpu.memory_space<vmem>>) semaphore(%run_scoped3A : memref<!tpu.dma_semaphore, #tpu.memory_space<semaphore_mem>>) {add = true}
        %dma_wait3A_290 = arith.constant 0 : i32
        %dma_wait3A_291 = tpu.memref_slice %arg11[%add3A_216, %dma_wait3A_290] : memref<160x125xi32, #tpu.memory_space<vmem>> -> memref<1x125xi32, #tpu.memory_space<vmem>>
        %dma_wait3A_292 = tpu.memref_squeeze %dma_wait3A_291 : memref<1x125xi32, #tpu.memory_space<vmem>> -> memref<125xi32, #tpu.memory_space<vmem>>
        %dma_wait3A_293 = arith.constant 0 : i32
        %dma_wait3A_294 = arith.constant 0 : i32
        %dma_wait3A_295 = tpu.memref_slice %arg29[%dma_wait3A_293, %dma_wait3A_294] : memref<10112x64xbf16, #tpu.memory_space<vmem_shared>> -> memref<10112x64xbf16, #tpu.memory_space<vmem_shared>>
        tpu.wait_indirect_dma semaphore(%run_scoped3A : memref<!tpu.dma_semaphore, #tpu.memory_space<semaphore_mem>>) src(%arg17 : memref<125x64xbf16, #tpu.memory_space<vmem>>) dst(%dma_wait3A_295 : memref<10112x64xbf16, #tpu.memory_space<vmem_shared>>)
        tpu.yield
      }) : () -> ()
      %ge3A_230 = arith.constant 80 : i32
      %ge3A_231 = arith.cmpi sge, %add3A_216, %ge3A_230 : i32
      %convert_element_type3A_232 = arith.extui %ge3A_231 : i1 to i32
      %eq3A_233 = arith.cmpi eq, %arg0, %convert_element_type3A_232 : i32
      %convert_element_type3A_234 = arith.extui %eq3A_233 : i1 to i32
      %cond3A_235 = arith.constant 0 : i32
      %cond3A_236 = arith.cmpi ne, %convert_element_type3A_234, %cond3A_235 : i32
      scf.if %cond3A_236 {
        "tpu.region"() ({
          %run_scoped3A = tpu.sem_alloc : memref<!tpu.dma_semaphore, #tpu.memory_space<semaphore_mem>>
          %dma_start3A = arith.constant 0 : i32
          %dma_start3A_285 = tpu.memref_slice %arg28[%dma_start3A] : memref<128xf32, #tpu.memory_space<vmem>> -> memref<125xf32, #tpu.memory_space<vmem>>
          %dma_start3A_286 = arith.constant 0 : i32
          %dma_start3A_287 = tpu.memref_slice %arg11[%add3A_216, %dma_start3A_286] : memref<160x125xi32, #tpu.memory_space<vmem>> -> memref<1x125xi32, #tpu.memory_space<vmem>>
          %dma_start3A_288 = tpu.memref_squeeze %dma_start3A_287 : memref<1x125xi32, #tpu.memory_space<vmem>> -> memref<125xi32, #tpu.memory_space<vmem>>
          %dma_start3A_289 = arith.constant 0 : i32
          %dma_start3A_290 = tpu.memref_slice %arg30[%dma_start3A_289] : memref<10000xf32, #tpu.memory_space<vmem_shared>> -> memref<10000xf32, #tpu.memory_space<vmem_shared>>
          tpu.enqueue_indirect_dma source(%dma_start3A_285 : memref<125xf32, #tpu.memory_space<vmem>>) target(%dma_start3A_290 : memref<10000xf32, #tpu.memory_space<vmem_shared>>) offsets(%dma_start3A_288 : memref<125xi32, #tpu.memory_space<vmem>>) semaphore(%run_scoped3A : memref<!tpu.dma_semaphore, #tpu.memory_space<semaphore_mem>>) {add = true}
          %dma_wait3A_291 = arith.constant 0 : i32
          %dma_wait3A_292 = tpu.memref_slice %arg28[%dma_wait3A_291] : memref<128xf32, #tpu.memory_space<vmem>> -> memref<125xf32, #tpu.memory_space<vmem>>
          %dma_wait3A_293 = arith.constant 0 : i32
          %dma_wait3A_294 = tpu.memref_slice %arg11[%add3A_216, %dma_wait3A_293] : memref<160x125xi32, #tpu.memory_space<vmem>> -> memref<1x125xi32, #tpu.memory_space<vmem>>
          %dma_wait3A_295 = tpu.memref_squeeze %dma_wait3A_294 : memref<1x125xi32, #tpu.memory_space<vmem>> -> memref<125xi32, #tpu.memory_space<vmem>>
          %dma_wait3A_296 = arith.constant 0 : i32
          %dma_wait3A_297 = tpu.memref_slice %arg30[%dma_wait3A_296] : memref<10000xf32, #tpu.memory_space<vmem_shared>> -> memref<10000xf32, #tpu.memory_space<vmem_shared>>
          tpu.wait_indirect_dma semaphore(%run_scoped3A : memref<!tpu.dma_semaphore, #tpu.memory_space<semaphore_mem>>) src(%dma_wait3A_292 : memref<125xf32, #tpu.memory_space<vmem>>) dst(%dma_wait3A_297 : memref<10000xf32, #tpu.memory_space<vmem_shared>>)
          tpu.yield
        }) : () -> ()
      } else {
      }
      %mul3A_237 = arith.constant 8 : i32
      %mul3A_238 = arith.muli %scan3A_96, %mul3A_237 : i32
      %add3A_239 = arith.constant 6 : i32
      %add3A_240 = arith.addi %mul3A_238, %add3A_239 : i32
      %add3A_241 = arith.constant 7 : i32
      %add3A_242 = arith.addi %add3A_240, %add3A_241 : i32
      %lt3A_243 = arith.constant 160 : i32
      %lt3A_244 = arith.cmpi slt, %add3A_242, %lt3A_243 : i32
      %convert_element_type3A_245 = arith.extui %lt3A_244 : i1 to i32
      %cond3A_246 = arith.constant 0 : i32
      %cond3A_247 = arith.cmpi ne, %convert_element_type3A_245, %cond3A_246 : i32
      scf.if %cond3A_247 {
        %add3A_285 = arith.constant 7 : i32
        %add3A_286 = arith.addi %add3A_240, %add3A_285 : i32
        %eq3A_287 = arith.constant 0 : i32
        %eq3A_288 = arith.cmpi eq, %arg0, %eq3A_287 : i32
        %convert_element_type3A_289 = arith.extui %eq3A_288 : i1 to i32
        %cond3A_290 = arith.constant 0 : i32
        %cond3A_291 = arith.cmpi ne, %convert_element_type3A_289, %cond3A_290 : i32
        scf.if %cond3A_291 {
          %dma_start3A = arith.constant 0 : i32
          %dma_start3A_297 = tpu.memref_slice %arg10[%add3A_286, %dma_start3A] : memref<160x125xi32, #tpu.memory_space<vmem>> -> memref<1x125xi32, #tpu.memory_space<vmem>>
          %dma_start3A_298 = tpu.memref_squeeze %dma_start3A_297 : memref<1x125xi32, #tpu.memory_space<vmem>> -> memref<125xi32, #tpu.memory_space<vmem>>
          %dma_start3A_299 = arith.constant 0 : i32
          %dma_start3A_300 = arith.constant 0 : i32
          %dma_start3A_301 = tpu.memref_slice %arg2[%dma_start3A_299, %dma_start3A_300] : memref<10000x64xbf16, #tpu.memory_space<hbm>> -> memref<10000x64xbf16, #tpu.memory_space<hbm>>
          tpu.enqueue_indirect_dma source(%dma_start3A_301 : memref<10000x64xbf16, #tpu.memory_space<hbm>>) target(%arg17 : memref<125x64xbf16, #tpu.memory_space<vmem>>) offsets(%dma_start3A_298 : memref<125xi32, #tpu.memory_space<vmem>>) semaphore(%arg25 : memref<!tpu.dma_semaphore, #tpu.memory_space<semaphore_mem>>)
        } else {
        }
        %eq3A_292 = arith.constant 1 : i32
        %eq3A_293 = arith.cmpi eq, %arg0, %eq3A_292 : i32
        %convert_element_type3A_294 = arith.extui %eq3A_293 : i1 to i32
        %cond3A_295 = arith.constant 0 : i32
        %cond3A_296 = arith.cmpi ne, %convert_element_type3A_294, %cond3A_295 : i32
        scf.if %cond3A_296 {
          %dma_start3A = arith.constant 0 : i32
          %dma_start3A_297 = tpu.memref_slice %arg10[%add3A_286, %dma_start3A] : memref<160x125xi32, #tpu.memory_space<vmem>> -> memref<1x125xi32, #tpu.memory_space<vmem>>
          %dma_start3A_298 = tpu.memref_squeeze %dma_start3A_297 : memref<1x125xi32, #tpu.memory_space<vmem>> -> memref<125xi32, #tpu.memory_space<vmem>>
          %dma_start3A_299 = arith.constant 0 : i32
          %dma_start3A_300 = arith.constant 0 : i32
          %dma_start3A_301 = tpu.memref_slice %arg3[%dma_start3A_299, %dma_start3A_300] : memref<10000x64xbf16, #tpu.memory_space<hbm>> -> memref<10000x64xbf16, #tpu.memory_space<hbm>>
          tpu.enqueue_indirect_dma source(%dma_start3A_301 : memref<10000x64xbf16, #tpu.memory_space<hbm>>) target(%arg17 : memref<125x64xbf16, #tpu.memory_space<vmem>>) offsets(%dma_start3A_298 : memref<125xi32, #tpu.memory_space<vmem>>) semaphore(%arg25 : memref<!tpu.dma_semaphore, #tpu.memory_space<semaphore_mem>>)
        } else {
        }
      } else {
      }
      %dma_wait3A_248 = arith.constant 0 : i32
      %dma_wait3A_249 = tpu.memref_slice %arg10[%add3A_240, %dma_wait3A_248] : memref<160x125xi32, #tpu.memory_space<vmem>> -> memref<1x125xi32, #tpu.memory_space<vmem>>
      %dma_wait3A_250 = tpu.memref_squeeze %dma_wait3A_249 : memref<1x125xi32, #tpu.memory_space<vmem>> -> memref<125xi32, #tpu.memory_space<vmem>>
      %dma_wait3A_251 = arith.constant 0 : i32
      %dma_wait3A_252 = arith.constant 0 : i32
      %dma_wait3A_253 = tpu.memref_slice %arg2[%dma_wait3A_251, %dma_wait3A_252] : memref<10000x64xbf16, #tpu.memory_space<hbm>> -> memref<10000x64xbf16, #tpu.memory_space<hbm>>
      tpu.wait_indirect_dma semaphore(%arg26 : memref<!tpu.dma_semaphore, #tpu.memory_space<semaphore_mem>>) src(%dma_wait3A_253 : memref<10000x64xbf16, #tpu.memory_space<hbm>>) dst(%arg18 : memref<125x64xbf16, #tpu.memory_space<vmem>>)
      "tpu.region"() ({
        %run_scoped3A = tpu.sem_alloc : memref<!tpu.dma_semaphore, #tpu.memory_space<semaphore_mem>>
        %dma_start3A = arith.constant 0 : i32
        %dma_start3A_285 = tpu.memref_slice %arg11[%add3A_240, %dma_start3A] : memref<160x125xi32, #tpu.memory_space<vmem>> -> memref<1x125xi32, #tpu.memory_space<vmem>>
        %dma_start3A_286 = tpu.memref_squeeze %dma_start3A_285 : memref<1x125xi32, #tpu.memory_space<vmem>> -> memref<125xi32, #tpu.memory_space<vmem>>
        %dma_start3A_287 = arith.constant 0 : i32
        %dma_start3A_288 = arith.constant 0 : i32
        %dma_start3A_289 = tpu.memref_slice %arg29[%dma_start3A_287, %dma_start3A_288] : memref<10112x64xbf16, #tpu.memory_space<vmem_shared>> -> memref<10112x64xbf16, #tpu.memory_space<vmem_shared>>
        tpu.enqueue_indirect_dma source(%arg18 : memref<125x64xbf16, #tpu.memory_space<vmem>>) target(%dma_start3A_289 : memref<10112x64xbf16, #tpu.memory_space<vmem_shared>>) offsets(%dma_start3A_286 : memref<125xi32, #tpu.memory_space<vmem>>) semaphore(%run_scoped3A : memref<!tpu.dma_semaphore, #tpu.memory_space<semaphore_mem>>) {add = true}
        %dma_wait3A_290 = arith.constant 0 : i32
        %dma_wait3A_291 = tpu.memref_slice %arg11[%add3A_240, %dma_wait3A_290] : memref<160x125xi32, #tpu.memory_space<vmem>> -> memref<1x125xi32, #tpu.memory_space<vmem>>
        %dma_wait3A_292 = tpu.memref_squeeze %dma_wait3A_291 : memref<1x125xi32, #tpu.memory_space<vmem>> -> memref<125xi32, #tpu.memory_space<vmem>>
        %dma_wait3A_293 = arith.constant 0 : i32
        %dma_wait3A_294 = arith.constant 0 : i32
        %dma_wait3A_295 = tpu.memref_slice %arg29[%dma_wait3A_293, %dma_wait3A_294] : memref<10112x64xbf16, #tpu.memory_space<vmem_shared>> -> memref<10112x64xbf16, #tpu.memory_space<vmem_shared>>
        tpu.wait_indirect_dma semaphore(%run_scoped3A : memref<!tpu.dma_semaphore, #tpu.memory_space<semaphore_mem>>) src(%arg18 : memref<125x64xbf16, #tpu.memory_space<vmem>>) dst(%dma_wait3A_295 : memref<10112x64xbf16, #tpu.memory_space<vmem_shared>>)
        tpu.yield
      }) : () -> ()
      %ge3A_254 = arith.constant 80 : i32
      %ge3A_255 = arith.cmpi sge, %add3A_240, %ge3A_254 : i32
      %convert_element_type3A_256 = arith.extui %ge3A_255 : i1 to i32
      %eq3A_257 = arith.cmpi eq, %arg0, %convert_element_type3A_256 : i32
      %convert_element_type3A_258 = arith.extui %eq3A_257 : i1 to i32
      %cond3A_259 = arith.constant 0 : i32
      %cond3A_260 = arith.cmpi ne, %convert_element_type3A_258, %cond3A_259 : i32
      scf.if %cond3A_260 {
        "tpu.region"() ({
          %run_scoped3A = tpu.sem_alloc : memref<!tpu.dma_semaphore, #tpu.memory_space<semaphore_mem>>
          %dma_start3A = arith.constant 0 : i32
          %dma_start3A_285 = tpu.memref_slice %arg28[%dma_start3A] : memref<128xf32, #tpu.memory_space<vmem>> -> memref<125xf32, #tpu.memory_space<vmem>>
          %dma_start3A_286 = arith.constant 0 : i32
          %dma_start3A_287 = tpu.memref_slice %arg11[%add3A_240, %dma_start3A_286] : memref<160x125xi32, #tpu.memory_space<vmem>> -> memref<1x125xi32, #tpu.memory_space<vmem>>
          %dma_start3A_288 = tpu.memref_squeeze %dma_start3A_287 : memref<1x125xi32, #tpu.memory_space<vmem>> -> memref<125xi32, #tpu.memory_space<vmem>>
          %dma_start3A_289 = arith.constant 0 : i32
          %dma_start3A_290 = tpu.memref_slice %arg30[%dma_start3A_289] : memref<10000xf32, #tpu.memory_space<vmem_shared>> -> memref<10000xf32, #tpu.memory_space<vmem_shared>>
          tpu.enqueue_indirect_dma source(%dma_start3A_285 : memref<125xf32, #tpu.memory_space<vmem>>) target(%dma_start3A_290 : memref<10000xf32, #tpu.memory_space<vmem_shared>>) offsets(%dma_start3A_288 : memref<125xi32, #tpu.memory_space<vmem>>) semaphore(%run_scoped3A : memref<!tpu.dma_semaphore, #tpu.memory_space<semaphore_mem>>) {add = true}
          %dma_wait3A_291 = arith.constant 0 : i32
          %dma_wait3A_292 = tpu.memref_slice %arg28[%dma_wait3A_291] : memref<128xf32, #tpu.memory_space<vmem>> -> memref<125xf32, #tpu.memory_space<vmem>>
          %dma_wait3A_293 = arith.constant 0 : i32
          %dma_wait3A_294 = tpu.memref_slice %arg11[%add3A_240, %dma_wait3A_293] : memref<160x125xi32, #tpu.memory_space<vmem>> -> memref<1x125xi32, #tpu.memory_space<vmem>>
          %dma_wait3A_295 = tpu.memref_squeeze %dma_wait3A_294 : memref<1x125xi32, #tpu.memory_space<vmem>> -> memref<125xi32, #tpu.memory_space<vmem>>
          %dma_wait3A_296 = arith.constant 0 : i32
          %dma_wait3A_297 = tpu.memref_slice %arg30[%dma_wait3A_296] : memref<10000xf32, #tpu.memory_space<vmem_shared>> -> memref<10000xf32, #tpu.memory_space<vmem_shared>>
          tpu.wait_indirect_dma semaphore(%run_scoped3A : memref<!tpu.dma_semaphore, #tpu.memory_space<semaphore_mem>>) src(%dma_wait3A_292 : memref<125xf32, #tpu.memory_space<vmem>>) dst(%dma_wait3A_297 : memref<10000xf32, #tpu.memory_space<vmem_shared>>)
          tpu.yield
        }) : () -> ()
      } else {
      }
      %mul3A_261 = arith.constant 8 : i32
      %mul3A_262 = arith.muli %scan3A_96, %mul3A_261 : i32
      %add3A_263 = arith.constant 7 : i32
      %add3A_264 = arith.addi %mul3A_262, %add3A_263 : i32
      %add3A_265 = arith.constant 7 : i32
      %add3A_266 = arith.addi %add3A_264, %add3A_265 : i32
      %lt3A_267 = arith.constant 160 : i32
      %lt3A_268 = arith.cmpi slt, %add3A_266, %lt3A_267 : i32
      %convert_element_type3A_269 = arith.extui %lt3A_268 : i1 to i32
      %cond3A_270 = arith.constant 0 : i32
      %cond3A_271 = arith.cmpi ne, %convert_element_type3A_269, %cond3A_270 : i32
      scf.if %cond3A_271 {
        %add3A_285 = arith.constant 7 : i32
        %add3A_286 = arith.addi %add3A_264, %add3A_285 : i32
        %eq3A_287 = arith.constant 0 : i32
        %eq3A_288 = arith.cmpi eq, %arg0, %eq3A_287 : i32
        %convert_element_type3A_289 = arith.extui %eq3A_288 : i1 to i32
        %cond3A_290 = arith.constant 0 : i32
        %cond3A_291 = arith.cmpi ne, %convert_element_type3A_289, %cond3A_290 : i32
        scf.if %cond3A_291 {
          %dma_start3A = arith.constant 0 : i32
          %dma_start3A_297 = tpu.memref_slice %arg10[%add3A_286, %dma_start3A] : memref<160x125xi32, #tpu.memory_space<vmem>> -> memref<1x125xi32, #tpu.memory_space<vmem>>
          %dma_start3A_298 = tpu.memref_squeeze %dma_start3A_297 : memref<1x125xi32, #tpu.memory_space<vmem>> -> memref<125xi32, #tpu.memory_space<vmem>>
          %dma_start3A_299 = arith.constant 0 : i32
          %dma_start3A_300 = arith.constant 0 : i32
          %dma_start3A_301 = tpu.memref_slice %arg2[%dma_start3A_299, %dma_start3A_300] : memref<10000x64xbf16, #tpu.memory_space<hbm>> -> memref<10000x64xbf16, #tpu.memory_space<hbm>>
          tpu.enqueue_indirect_dma source(%dma_start3A_301 : memref<10000x64xbf16, #tpu.memory_space<hbm>>) target(%arg18 : memref<125x64xbf16, #tpu.memory_space<vmem>>) offsets(%dma_start3A_298 : memref<125xi32, #tpu.memory_space<vmem>>) semaphore(%arg26 : memref<!tpu.dma_semaphore, #tpu.memory_space<semaphore_mem>>)
        } else {
        }
        %eq3A_292 = arith.constant 1 : i32
        %eq3A_293 = arith.cmpi eq, %arg0, %eq3A_292 : i32
        %convert_element_type3A_294 = arith.extui %eq3A_293 : i1 to i32
        %cond3A_295 = arith.constant 0 : i32
        %cond3A_296 = arith.cmpi ne, %convert_element_type3A_294, %cond3A_295 : i32
        scf.if %cond3A_296 {
          %dma_start3A = arith.constant 0 : i32
          %dma_start3A_297 = tpu.memref_slice %arg10[%add3A_286, %dma_start3A] : memref<160x125xi32, #tpu.memory_space<vmem>> -> memref<1x125xi32, #tpu.memory_space<vmem>>
          %dma_start3A_298 = tpu.memref_squeeze %dma_start3A_297 : memref<1x125xi32, #tpu.memory_space<vmem>> -> memref<125xi32, #tpu.memory_space<vmem>>
          %dma_start3A_299 = arith.constant 0 : i32
          %dma_start3A_300 = arith.constant 0 : i32
          %dma_start3A_301 = tpu.memref_slice %arg3[%dma_start3A_299, %dma_start3A_300] : memref<10000x64xbf16, #tpu.memory_space<hbm>> -> memref<10000x64xbf16, #tpu.memory_space<hbm>>
          tpu.enqueue_indirect_dma source(%dma_start3A_301 : memref<10000x64xbf16, #tpu.memory_space<hbm>>) target(%arg18 : memref<125x64xbf16, #tpu.memory_space<vmem>>) offsets(%dma_start3A_298 : memref<125xi32, #tpu.memory_space<vmem>>) semaphore(%arg26 : memref<!tpu.dma_semaphore, #tpu.memory_space<semaphore_mem>>)
        } else {
        }
      } else {
      }
      %dma_wait3A_272 = arith.constant 0 : i32
      %dma_wait3A_273 = tpu.memref_slice %arg10[%add3A_264, %dma_wait3A_272] : memref<160x125xi32, #tpu.memory_space<vmem>> -> memref<1x125xi32, #tpu.memory_space<vmem>>
      %dma_wait3A_274 = tpu.memref_squeeze %dma_wait3A_273 : memref<1x125xi32, #tpu.memory_space<vmem>> -> memref<125xi32, #tpu.memory_space<vmem>>
      %dma_wait3A_275 = arith.constant 0 : i32
      %dma_wait3A_276 = arith.constant 0 : i32
      %dma_wait3A_277 = tpu.memref_slice %arg2[%dma_wait3A_275, %dma_wait3A_276] : memref<10000x64xbf16, #tpu.memory_space<hbm>> -> memref<10000x64xbf16, #tpu.memory_space<hbm>>
      tpu.wait_indirect_dma semaphore(%arg27 : memref<!tpu.dma_semaphore, #tpu.memory_space<semaphore_mem>>) src(%dma_wait3A_277 : memref<10000x64xbf16, #tpu.memory_space<hbm>>) dst(%arg19 : memref<125x64xbf16, #tpu.memory_space<vmem>>)
      "tpu.region"() ({
        %run_scoped3A = tpu.sem_alloc : memref<!tpu.dma_semaphore, #tpu.memory_space<semaphore_mem>>
        %dma_start3A = arith.constant 0 : i32
        %dma_start3A_285 = tpu.memref_slice %arg11[%add3A_264, %dma_start3A] : memref<160x125xi32, #tpu.memory_space<vmem>> -> memref<1x125xi32, #tpu.memory_space<vmem>>
        %dma_start3A_286 = tpu.memref_squeeze %dma_start3A_285 : memref<1x125xi32, #tpu.memory_space<vmem>> -> memref<125xi32, #tpu.memory_space<vmem>>
        %dma_start3A_287 = arith.constant 0 : i32
        %dma_start3A_288 = arith.constant 0 : i32
        %dma_start3A_289 = tpu.memref_slice %arg29[%dma_start3A_287, %dma_start3A_288] : memref<10112x64xbf16, #tpu.memory_space<vmem_shared>> -> memref<10112x64xbf16, #tpu.memory_space<vmem_shared>>
        tpu.enqueue_indirect_dma source(%arg19 : memref<125x64xbf16, #tpu.memory_space<vmem>>) target(%dma_start3A_289 : memref<10112x64xbf16, #tpu.memory_space<vmem_shared>>) offsets(%dma_start3A_286 : memref<125xi32, #tpu.memory_space<vmem>>) semaphore(%run_scoped3A : memref<!tpu.dma_semaphore, #tpu.memory_space<semaphore_mem>>) {add = true}
        %dma_wait3A_290 = arith.constant 0 : i32
        %dma_wait3A_291 = tpu.memref_slice %arg11[%add3A_264, %dma_wait3A_290] : memref<160x125xi32, #tpu.memory_space<vmem>> -> memref<1x125xi32, #tpu.memory_space<vmem>>
        %dma_wait3A_292 = tpu.memref_squeeze %dma_wait3A_291 : memref<1x125xi32, #tpu.memory_space<vmem>> -> memref<125xi32, #tpu.memory_space<vmem>>
        %dma_wait3A_293 = arith.constant 0 : i32
        %dma_wait3A_294 = arith.constant 0 : i32
        %dma_wait3A_295 = tpu.memref_slice %arg29[%dma_wait3A_293, %dma_wait3A_294] : memref<10112x64xbf16, #tpu.memory_space<vmem_shared>> -> memref<10112x64xbf16, #tpu.memory_space<vmem_shared>>
        tpu.wait_indirect_dma semaphore(%run_scoped3A : memref<!tpu.dma_semaphore, #tpu.memory_space<semaphore_mem>>) src(%arg19 : memref<125x64xbf16, #tpu.memory_space<vmem>>) dst(%dma_wait3A_295 : memref<10112x64xbf16, #tpu.memory_space<vmem_shared>>)
        tpu.yield
      }) : () -> ()
      %ge3A_278 = arith.constant 80 : i32
      %ge3A_279 = arith.cmpi sge, %add3A_264, %ge3A_278 : i32
      %convert_element_type3A_280 = arith.extui %ge3A_279 : i1 to i32
      %eq3A_281 = arith.cmpi eq, %arg0, %convert_element_type3A_280 : i32
      %convert_element_type3A_282 = arith.extui %eq3A_281 : i1 to i32
      %cond3A_283 = arith.constant 0 : i32
      %cond3A_284 = arith.cmpi ne, %convert_element_type3A_282, %cond3A_283 : i32
      scf.if %cond3A_284 {
        "tpu.region"() ({
          %run_scoped3A = tpu.sem_alloc : memref<!tpu.dma_semaphore, #tpu.memory_space<semaphore_mem>>
          %dma_start3A = arith.constant 0 : i32
          %dma_start3A_285 = tpu.memref_slice %arg28[%dma_start3A] : memref<128xf32, #tpu.memory_space<vmem>> -> memref<125xf32, #tpu.memory_space<vmem>>
          %dma_start3A_286 = arith.constant 0 : i32
          %dma_start3A_287 = tpu.memref_slice %arg11[%add3A_264, %dma_start3A_286] : memref<160x125xi32, #tpu.memory_space<vmem>> -> memref<1x125xi32, #tpu.memory_space<vmem>>
          %dma_start3A_288 = tpu.memref_squeeze %dma_start3A_287 : memref<1x125xi32, #tpu.memory_space<vmem>> -> memref<125xi32, #tpu.memory_space<vmem>>
          %dma_start3A_289 = arith.constant 0 : i32
          %dma_start3A_290 = tpu.memref_slice %arg30[%dma_start3A_289] : memref<10000xf32, #tpu.memory_space<vmem_shared>> -> memref<10000xf32, #tpu.memory_space<vmem_shared>>
          tpu.enqueue_indirect_dma source(%dma_start3A_285 : memref<125xf32, #tpu.memory_space<vmem>>) target(%dma_start3A_290 : memref<10000xf32, #tpu.memory_space<vmem_shared>>) offsets(%dma_start3A_288 : memref<125xi32, #tpu.memory_space<vmem>>) semaphore(%run_scoped3A : memref<!tpu.dma_semaphore, #tpu.memory_space<semaphore_mem>>) {add = true}
          %dma_wait3A_291 = arith.constant 0 : i32
          %dma_wait3A_292 = tpu.memref_slice %arg28[%dma_wait3A_291] : memref<128xf32, #tpu.memory_space<vmem>> -> memref<125xf32, #tpu.memory_space<vmem>>
          %dma_wait3A_293 = arith.constant 0 : i32
          %dma_wait3A_294 = tpu.memref_slice %arg11[%add3A_264, %dma_wait3A_293] : memref<160x125xi32, #tpu.memory_space<vmem>> -> memref<1x125xi32, #tpu.memory_space<vmem>>
          %dma_wait3A_295 = tpu.memref_squeeze %dma_wait3A_294 : memref<1x125xi32, #tpu.memory_space<vmem>> -> memref<125xi32, #tpu.memory_space<vmem>>
          %dma_wait3A_296 = arith.constant 0 : i32
          %dma_wait3A_297 = tpu.memref_slice %arg30[%dma_wait3A_296] : memref<10000xf32, #tpu.memory_space<vmem_shared>> -> memref<10000xf32, #tpu.memory_space<vmem_shared>>
          tpu.wait_indirect_dma semaphore(%run_scoped3A : memref<!tpu.dma_semaphore, #tpu.memory_space<semaphore_mem>>) src(%dma_wait3A_292 : memref<125xf32, #tpu.memory_space<vmem>>) dst(%dma_wait3A_297 : memref<10000xf32, #tpu.memory_space<vmem_shared>>)
          tpu.yield
        }) : () -> ()
      } else {
      }
    }
    %scan3A_85 = arith.constant 20 : i32
    %barrier3A_86 = arith.constant 0 : index
    tpu.barrier barrier_id(%barrier3A_86)
    %mul3A_87 = arith.constant 632 : i32
    %mul3A_88 = arith.muli %arg1, %mul3A_87 : i32
    %mul3A_89 = arith.constant 632 : i32
    %mul3A_90 = arith.muli %arg1, %mul3A_89 : i32
    "tpu.region"() ({
      %run_scoped3A = tpu.sem_alloc : memref<!tpu.dma_semaphore, #tpu.memory_space<semaphore_mem>>
      %dma_start3A = arith.constant 0 : i32
      %dma_start3A_96 = tpu.memref_slice %arg8[%arg0, %mul3A_90, %dma_start3A] : memref<2x10112x64xbf16, #tpu.memory_space<hbm>> -> memref<1x632x64xbf16, #tpu.memory_space<hbm>>
      %dma_start3A_97 = tpu.memref_squeeze %dma_start3A_96 : memref<1x632x64xbf16, #tpu.memory_space<hbm>> -> memref<632x64xbf16, #tpu.memory_space<hbm>>
      %dma_start3A_98 = arith.constant 0 : i32
      %dma_start3A_99 = tpu.memref_slice %arg29[%mul3A_88, %dma_start3A_98] : memref<10112x64xbf16, #tpu.memory_space<vmem_shared>> -> memref<632x64xbf16, #tpu.memory_space<vmem_shared>>
      tpu.enqueue_dma source(%dma_start3A_99 : memref<632x64xbf16, #tpu.memory_space<vmem_shared>>) target(%dma_start3A_97 : memref<632x64xbf16, #tpu.memory_space<hbm>>) target_semaphore(%run_scoped3A : memref<!tpu.dma_semaphore, #tpu.memory_space<semaphore_mem>>)
      %dma_wait3A = arith.constant 0 : i32
      %dma_wait3A_100 = tpu.memref_slice %arg8[%arg0, %mul3A_90, %dma_wait3A] : memref<2x10112x64xbf16, #tpu.memory_space<hbm>> -> memref<1x632x64xbf16, #tpu.memory_space<hbm>>
      %dma_wait3A_101 = tpu.memref_squeeze %dma_wait3A_100 : memref<1x632x64xbf16, #tpu.memory_space<hbm>> -> memref<632x64xbf16, #tpu.memory_space<hbm>>
      %dma_wait3A_102 = arith.constant 0 : i32
      %dma_wait3A_103 = tpu.memref_slice %arg29[%mul3A_88, %dma_wait3A_102] : memref<10112x64xbf16, #tpu.memory_space<vmem_shared>> -> memref<632x64xbf16, #tpu.memory_space<vmem_shared>>
      tpu.wait_dma2 semaphore(%run_scoped3A : memref<!tpu.dma_semaphore, #tpu.memory_space<semaphore_mem>>) src(%dma_wait3A_103 : memref<632x64xbf16, #tpu.memory_space<vmem_shared>>) dst(%dma_wait3A_101 : memref<632x64xbf16, #tpu.memory_space<hbm>>)
      tpu.yield
    }) : () -> ()
    %eq3A_91 = arith.constant 0 : i32
    %eq3A_92 = arith.cmpi eq, %arg1, %eq3A_91 : i32
    %convert_element_type3A_93 = arith.extui %eq3A_92 : i1 to i32
    %cond3A_94 = arith.constant 0 : i32
    %cond3A_95 = arith.cmpi ne, %convert_element_type3A_93, %cond3A_94 : i32
    scf.if %cond3A_95 {
      "tpu.region"() ({
        %run_scoped3A = tpu.sem_alloc : memref<!tpu.dma_semaphore, #tpu.memory_space<semaphore_mem>>
        %dma_start3A = arith.constant 0 : i32
        %dma_start3A_96 = tpu.memref_slice %arg9[%arg0, %dma_start3A] : memref<2x10000xf32, #tpu.memory_space<hbm>> -> memref<1x10000xf32, #tpu.memory_space<hbm>>
        %dma_start3A_97 = tpu.memref_squeeze %dma_start3A_96 : memref<1x10000xf32, #tpu.memory_space<hbm>> -> memref<10000xf32, #tpu.memory_space<hbm>>
        tpu.enqueue_dma source(%arg30 : memref<10000xf32, #tpu.memory_space<vmem_shared>>) target(%dma_start3A_97 : memref<10000xf32, #tpu.memory_space<hbm>>) target_semaphore(%run_scoped3A : memref<!tpu.dma_semaphore, #tpu.memory_space<semaphore_mem>>)
        %dma_wait3A = arith.constant 0 : i32
        %dma_wait3A_98 = tpu.memref_slice %arg9[%arg0, %dma_wait3A] : memref<2x10000xf32, #tpu.memory_space<hbm>> -> memref<1x10000xf32, #tpu.memory_space<hbm>>
        %dma_wait3A_99 = tpu.memref_squeeze %dma_wait3A_98 : memref<1x10000xf32, #tpu.memory_space<hbm>> -> memref<10000xf32, #tpu.memory_space<hbm>>
        tpu.wait_dma2 semaphore(%run_scoped3A : memref<!tpu.dma_semaphore, #tpu.memory_space<semaphore_mem>>) src(%arg30 : memref<10000xf32, #tpu.memory_space<vmem_shared>>) dst(%dma_wait3A_99 : memref<10000xf32, #tpu.memory_space<hbm>>)
        tpu.yield
      }) : () -> ()
    } else {
    }
    return
  }
}

#map = affine_map<(d0, d1) -> (0, 0)>
#map1 = affine_map<(d0, d1) -> (0, 0, 0)>
module attributes {stable_mosaic.version = 14 : i64} {
  func.func @_agg_body(%arg0: i32, %arg1: i32, %arg2: memref<10000x64xbf16, #tpu.memory_space<hbm>>, %arg3: memref<10000x64xbf16, #tpu.memory_space<hbm>>, %arg4: memref<16x160x125xi32, #tpu.memory_space<hbm>>, %arg5: memref<16x160x125xi32, #tpu.memory_space<hbm>>, %arg6: memref<10112x64xbf16, #tpu.memory_space<hbm>>, %arg7: memref<2x10112x64xbf16, #tpu.memory_space<hbm>>, %arg8: memref<160x125xi32, #tpu.memory_space<vmem>>, %arg9: memref<160x125xi32, #tpu.memory_space<vmem>>, %arg10: memref<125x64xbf16, #tpu.memory_space<vmem>>, %arg11: memref<125x64xbf16, #tpu.memory_space<vmem>>, %arg12: memref<125x64xbf16, #tpu.memory_space<vmem>>, %arg13: memref<125x64xbf16, #tpu.memory_space<vmem>>, %arg14: memref<125x64xbf16, #tpu.memory_space<vmem>>, %arg15: memref<125x64xbf16, #tpu.memory_space<vmem>>, %arg16: memref<125x64xbf16, #tpu.memory_space<vmem>>, %arg17: memref<125x64xbf16, #tpu.memory_space<vmem>>, %arg18: memref<!tpu.dma_semaphore, #tpu.memory_space<semaphore_mem>>, %arg19: memref<!tpu.dma_semaphore, #tpu.memory_space<semaphore_mem>>, %arg20: memref<!tpu.dma_semaphore, #tpu.memory_space<semaphore_mem>>, %arg21: memref<!tpu.dma_semaphore, #tpu.memory_space<semaphore_mem>>, %arg22: memref<!tpu.dma_semaphore, #tpu.memory_space<semaphore_mem>>, %arg23: memref<!tpu.dma_semaphore, #tpu.memory_space<semaphore_mem>>, %arg24: memref<!tpu.dma_semaphore, #tpu.memory_space<semaphore_mem>>, %arg25: memref<!tpu.dma_semaphore, #tpu.memory_space<semaphore_mem>>, %arg26: memref<10112x64xbf16, #tpu.memory_space<vmem_shared>>) attributes {dimension_semantics = [#tpu.dimension_semantics<core_parallel>, #tpu.dimension_semantics<subcore_parallel>], iteration_bounds = array<i64: 2, 16>, scalar_prefetch = 0 : i64, scratch_operands = 19 : i64, tpu.core_type = #tpu.core_type<sc_vector_subcore>, window_params = [{transform_indices = #map}, {transform_indices = #map}, {transform_indices = #map1}, {transform_indices = #map1}, {transform_indices = #map}, {transform_indices = #map1}]} {
    "tpu.region"() ({
      %run_scoped3A = tpu.sem_alloc : memref<!tpu.dma_semaphore, #tpu.memory_space<semaphore_mem>>
      %dma_start3A = arith.constant 0 : i32
      %dma_start3A_80 = arith.constant 0 : i32
      %dma_start3A_81 = tpu.memref_slice %arg4[%arg1, %dma_start3A, %dma_start3A_80] : memref<16x160x125xi32, #tpu.memory_space<hbm>> -> memref<1x160x125xi32, #tpu.memory_space<hbm>>
      %dma_start3A_82 = tpu.memref_squeeze %dma_start3A_81 : memref<1x160x125xi32, #tpu.memory_space<hbm>> -> memref<160x125xi32, #tpu.memory_space<hbm>>
      %dma_start3A_83 = arith.constant 0 : i32
      %dma_start3A_84 = arith.constant 0 : i32
      %dma_start3A_85 = tpu.memref_slice %arg4[%arg1, %dma_start3A_83, %dma_start3A_84] : memref<16x160x125xi32, #tpu.memory_space<hbm>> -> memref<1x160x125xi32, #tpu.memory_space<hbm>>
      %dma_start3A_86 = tpu.memref_squeeze %dma_start3A_85 : memref<1x160x125xi32, #tpu.memory_space<hbm>> -> memref<160x125xi32, #tpu.memory_space<hbm>>
      tpu.enqueue_dma source(%dma_start3A_86 : memref<160x125xi32, #tpu.memory_space<hbm>>) target(%arg8 : memref<160x125xi32, #tpu.memory_space<vmem>>) target_semaphore(%run_scoped3A : memref<!tpu.dma_semaphore, #tpu.memory_space<semaphore_mem>>)
      %dma_wait3A = arith.constant 0 : i32
      %dma_wait3A_87 = arith.constant 0 : i32
      %dma_wait3A_88 = tpu.memref_slice %arg4[%arg1, %dma_wait3A, %dma_wait3A_87] : memref<16x160x125xi32, #tpu.memory_space<hbm>> -> memref<1x160x125xi32, #tpu.memory_space<hbm>>
      %dma_wait3A_89 = tpu.memref_squeeze %dma_wait3A_88 : memref<1x160x125xi32, #tpu.memory_space<hbm>> -> memref<160x125xi32, #tpu.memory_space<hbm>>
      %dma_wait3A_90 = arith.constant 0 : i32
      %dma_wait3A_91 = arith.constant 0 : i32
      %dma_wait3A_92 = tpu.memref_slice %arg4[%arg1, %dma_wait3A_90, %dma_wait3A_91] : memref<16x160x125xi32, #tpu.memory_space<hbm>> -> memref<1x160x125xi32, #tpu.memory_space<hbm>>
      %dma_wait3A_93 = tpu.memref_squeeze %dma_wait3A_92 : memref<1x160x125xi32, #tpu.memory_space<hbm>> -> memref<160x125xi32, #tpu.memory_space<hbm>>
      tpu.wait_dma2 semaphore(%run_scoped3A : memref<!tpu.dma_semaphore, #tpu.memory_space<semaphore_mem>>) src(%dma_wait3A_93 : memref<160x125xi32, #tpu.memory_space<hbm>>) dst(%arg8 : memref<160x125xi32, #tpu.memory_space<vmem>>)
      tpu.yield
    }) : () -> ()
    %eq3A = arith.constant 0 : i32
    %eq3A_0 = arith.cmpi eq, %arg0, %eq3A : i32
    %convert_element_type3A = arith.extui %eq3A_0 : i1 to i32
    %cond3A = arith.constant 0 : i32
    %cond3A_1 = arith.cmpi ne, %convert_element_type3A, %cond3A : i32
    scf.if %cond3A_1 {
      %dma_start3A = arith.constant 0 : i32
      %dma_start3A_80 = arith.constant 0 : i32
      %dma_start3A_81 = tpu.memref_slice %arg8[%dma_start3A, %dma_start3A_80] : memref<160x125xi32, #tpu.memory_space<vmem>> -> memref<1x125xi32, #tpu.memory_space<vmem>>
      %dma_start3A_82 = tpu.memref_squeeze %dma_start3A_81 : memref<1x125xi32, #tpu.memory_space<vmem>> -> memref<125xi32, #tpu.memory_space<vmem>>
      %dma_start3A_83 = arith.constant 0 : i32
      %dma_start3A_84 = arith.constant 0 : i32
      %dma_start3A_85 = tpu.memref_slice %arg2[%dma_start3A_83, %dma_start3A_84] : memref<10000x64xbf16, #tpu.memory_space<hbm>> -> memref<10000x64xbf16, #tpu.memory_space<hbm>>
      tpu.enqueue_indirect_dma source(%dma_start3A_85 : memref<10000x64xbf16, #tpu.memory_space<hbm>>) target(%arg10 : memref<125x64xbf16, #tpu.memory_space<vmem>>) offsets(%dma_start3A_82 : memref<125xi32, #tpu.memory_space<vmem>>) semaphore(%arg18 : memref<!tpu.dma_semaphore, #tpu.memory_space<semaphore_mem>>)
    } else {
    }
    %eq3A_2 = arith.constant 1 : i32
    %eq3A_3 = arith.cmpi eq, %arg0, %eq3A_2 : i32
    %convert_element_type3A_4 = arith.extui %eq3A_3 : i1 to i32
    %cond3A_5 = arith.constant 0 : i32
    %cond3A_6 = arith.cmpi ne, %convert_element_type3A_4, %cond3A_5 : i32
    scf.if %cond3A_6 {
      %dma_start3A = arith.constant 0 : i32
      %dma_start3A_80 = arith.constant 0 : i32
      %dma_start3A_81 = tpu.memref_slice %arg8[%dma_start3A, %dma_start3A_80] : memref<160x125xi32, #tpu.memory_space<vmem>> -> memref<1x125xi32, #tpu.memory_space<vmem>>
      %dma_start3A_82 = tpu.memref_squeeze %dma_start3A_81 : memref<1x125xi32, #tpu.memory_space<vmem>> -> memref<125xi32, #tpu.memory_space<vmem>>
      %dma_start3A_83 = arith.constant 0 : i32
      %dma_start3A_84 = arith.constant 0 : i32
      %dma_start3A_85 = tpu.memref_slice %arg3[%dma_start3A_83, %dma_start3A_84] : memref<10000x64xbf16, #tpu.memory_space<hbm>> -> memref<10000x64xbf16, #tpu.memory_space<hbm>>
      tpu.enqueue_indirect_dma source(%dma_start3A_85 : memref<10000x64xbf16, #tpu.memory_space<hbm>>) target(%arg10 : memref<125x64xbf16, #tpu.memory_space<vmem>>) offsets(%dma_start3A_82 : memref<125xi32, #tpu.memory_space<vmem>>) semaphore(%arg18 : memref<!tpu.dma_semaphore, #tpu.memory_space<semaphore_mem>>)
    } else {
    }
    %eq3A_7 = arith.constant 0 : i32
    %eq3A_8 = arith.cmpi eq, %arg0, %eq3A_7 : i32
    %convert_element_type3A_9 = arith.extui %eq3A_8 : i1 to i32
    %cond3A_10 = arith.constant 0 : i32
    %cond3A_11 = arith.cmpi ne, %convert_element_type3A_9, %cond3A_10 : i32
    scf.if %cond3A_11 {
      %dma_start3A = arith.constant 1 : i32
      %dma_start3A_80 = arith.constant 0 : i32
      %dma_start3A_81 = tpu.memref_slice %arg8[%dma_start3A, %dma_start3A_80] : memref<160x125xi32, #tpu.memory_space<vmem>> -> memref<1x125xi32, #tpu.memory_space<vmem>>
      %dma_start3A_82 = tpu.memref_squeeze %dma_start3A_81 : memref<1x125xi32, #tpu.memory_space<vmem>> -> memref<125xi32, #tpu.memory_space<vmem>>
      %dma_start3A_83 = arith.constant 0 : i32
      %dma_start3A_84 = arith.constant 0 : i32
      %dma_start3A_85 = tpu.memref_slice %arg2[%dma_start3A_83, %dma_start3A_84] : memref<10000x64xbf16, #tpu.memory_space<hbm>> -> memref<10000x64xbf16, #tpu.memory_space<hbm>>
      tpu.enqueue_indirect_dma source(%dma_start3A_85 : memref<10000x64xbf16, #tpu.memory_space<hbm>>) target(%arg11 : memref<125x64xbf16, #tpu.memory_space<vmem>>) offsets(%dma_start3A_82 : memref<125xi32, #tpu.memory_space<vmem>>) semaphore(%arg19 : memref<!tpu.dma_semaphore, #tpu.memory_space<semaphore_mem>>)
    } else {
    }
    %eq3A_12 = arith.constant 1 : i32
    %eq3A_13 = arith.cmpi eq, %arg0, %eq3A_12 : i32
    %convert_element_type3A_14 = arith.extui %eq3A_13 : i1 to i32
    %cond3A_15 = arith.constant 0 : i32
    %cond3A_16 = arith.cmpi ne, %convert_element_type3A_14, %cond3A_15 : i32
    scf.if %cond3A_16 {
      %dma_start3A = arith.constant 1 : i32
      %dma_start3A_80 = arith.constant 0 : i32
      %dma_start3A_81 = tpu.memref_slice %arg8[%dma_start3A, %dma_start3A_80] : memref<160x125xi32, #tpu.memory_space<vmem>> -> memref<1x125xi32, #tpu.memory_space<vmem>>
      %dma_start3A_82 = tpu.memref_squeeze %dma_start3A_81 : memref<1x125xi32, #tpu.memory_space<vmem>> -> memref<125xi32, #tpu.memory_space<vmem>>
      %dma_start3A_83 = arith.constant 0 : i32
      %dma_start3A_84 = arith.constant 0 : i32
      %dma_start3A_85 = tpu.memref_slice %arg3[%dma_start3A_83, %dma_start3A_84] : memref<10000x64xbf16, #tpu.memory_space<hbm>> -> memref<10000x64xbf16, #tpu.memory_space<hbm>>
      tpu.enqueue_indirect_dma source(%dma_start3A_85 : memref<10000x64xbf16, #tpu.memory_space<hbm>>) target(%arg11 : memref<125x64xbf16, #tpu.memory_space<vmem>>) offsets(%dma_start3A_82 : memref<125xi32, #tpu.memory_space<vmem>>) semaphore(%arg19 : memref<!tpu.dma_semaphore, #tpu.memory_space<semaphore_mem>>)
    } else {
    }
    %eq3A_17 = arith.constant 0 : i32
    %eq3A_18 = arith.cmpi eq, %arg0, %eq3A_17 : i32
    %convert_element_type3A_19 = arith.extui %eq3A_18 : i1 to i32
    %cond3A_20 = arith.constant 0 : i32
    %cond3A_21 = arith.cmpi ne, %convert_element_type3A_19, %cond3A_20 : i32
    scf.if %cond3A_21 {
      %dma_start3A = arith.constant 2 : i32
      %dma_start3A_80 = arith.constant 0 : i32
      %dma_start3A_81 = tpu.memref_slice %arg8[%dma_start3A, %dma_start3A_80] : memref<160x125xi32, #tpu.memory_space<vmem>> -> memref<1x125xi32, #tpu.memory_space<vmem>>
      %dma_start3A_82 = tpu.memref_squeeze %dma_start3A_81 : memref<1x125xi32, #tpu.memory_space<vmem>> -> memref<125xi32, #tpu.memory_space<vmem>>
      %dma_start3A_83 = arith.constant 0 : i32
      %dma_start3A_84 = arith.constant 0 : i32
      %dma_start3A_85 = tpu.memref_slice %arg2[%dma_start3A_83, %dma_start3A_84] : memref<10000x64xbf16, #tpu.memory_space<hbm>> -> memref<10000x64xbf16, #tpu.memory_space<hbm>>
      tpu.enqueue_indirect_dma source(%dma_start3A_85 : memref<10000x64xbf16, #tpu.memory_space<hbm>>) target(%arg12 : memref<125x64xbf16, #tpu.memory_space<vmem>>) offsets(%dma_start3A_82 : memref<125xi32, #tpu.memory_space<vmem>>) semaphore(%arg20 : memref<!tpu.dma_semaphore, #tpu.memory_space<semaphore_mem>>)
    } else {
    }
    %eq3A_22 = arith.constant 1 : i32
    %eq3A_23 = arith.cmpi eq, %arg0, %eq3A_22 : i32
    %convert_element_type3A_24 = arith.extui %eq3A_23 : i1 to i32
    %cond3A_25 = arith.constant 0 : i32
    %cond3A_26 = arith.cmpi ne, %convert_element_type3A_24, %cond3A_25 : i32
    scf.if %cond3A_26 {
      %dma_start3A = arith.constant 2 : i32
      %dma_start3A_80 = arith.constant 0 : i32
      %dma_start3A_81 = tpu.memref_slice %arg8[%dma_start3A, %dma_start3A_80] : memref<160x125xi32, #tpu.memory_space<vmem>> -> memref<1x125xi32, #tpu.memory_space<vmem>>
      %dma_start3A_82 = tpu.memref_squeeze %dma_start3A_81 : memref<1x125xi32, #tpu.memory_space<vmem>> -> memref<125xi32, #tpu.memory_space<vmem>>
      %dma_start3A_83 = arith.constant 0 : i32
      %dma_start3A_84 = arith.constant 0 : i32
      %dma_start3A_85 = tpu.memref_slice %arg3[%dma_start3A_83, %dma_start3A_84] : memref<10000x64xbf16, #tpu.memory_space<hbm>> -> memref<10000x64xbf16, #tpu.memory_space<hbm>>
      tpu.enqueue_indirect_dma source(%dma_start3A_85 : memref<10000x64xbf16, #tpu.memory_space<hbm>>) target(%arg12 : memref<125x64xbf16, #tpu.memory_space<vmem>>) offsets(%dma_start3A_82 : memref<125xi32, #tpu.memory_space<vmem>>) semaphore(%arg20 : memref<!tpu.dma_semaphore, #tpu.memory_space<semaphore_mem>>)
    } else {
    }
    %eq3A_27 = arith.constant 0 : i32
    %eq3A_28 = arith.cmpi eq, %arg0, %eq3A_27 : i32
    %convert_element_type3A_29 = arith.extui %eq3A_28 : i1 to i32
    %cond3A_30 = arith.constant 0 : i32
    %cond3A_31 = arith.cmpi ne, %convert_element_type3A_29, %cond3A_30 : i32
    scf.if %cond3A_31 {
      %dma_start3A = arith.constant 3 : i32
      %dma_start3A_80 = arith.constant 0 : i32
      %dma_start3A_81 = tpu.memref_slice %arg8[%dma_start3A, %dma_start3A_80] : memref<160x125xi32, #tpu.memory_space<vmem>> -> memref<1x125xi32, #tpu.memory_space<vmem>>
      %dma_start3A_82 = tpu.memref_squeeze %dma_start3A_81 : memref<1x125xi32, #tpu.memory_space<vmem>> -> memref<125xi32, #tpu.memory_space<vmem>>
      %dma_start3A_83 = arith.constant 0 : i32
      %dma_start3A_84 = arith.constant 0 : i32
      %dma_start3A_85 = tpu.memref_slice %arg2[%dma_start3A_83, %dma_start3A_84] : memref<10000x64xbf16, #tpu.memory_space<hbm>> -> memref<10000x64xbf16, #tpu.memory_space<hbm>>
      tpu.enqueue_indirect_dma source(%dma_start3A_85 : memref<10000x64xbf16, #tpu.memory_space<hbm>>) target(%arg13 : memref<125x64xbf16, #tpu.memory_space<vmem>>) offsets(%dma_start3A_82 : memref<125xi32, #tpu.memory_space<vmem>>) semaphore(%arg21 : memref<!tpu.dma_semaphore, #tpu.memory_space<semaphore_mem>>)
    } else {
    }
    %eq3A_32 = arith.constant 1 : i32
    %eq3A_33 = arith.cmpi eq, %arg0, %eq3A_32 : i32
    %convert_element_type3A_34 = arith.extui %eq3A_33 : i1 to i32
    %cond3A_35 = arith.constant 0 : i32
    %cond3A_36 = arith.cmpi ne, %convert_element_type3A_34, %cond3A_35 : i32
    scf.if %cond3A_36 {
      %dma_start3A = arith.constant 3 : i32
      %dma_start3A_80 = arith.constant 0 : i32
      %dma_start3A_81 = tpu.memref_slice %arg8[%dma_start3A, %dma_start3A_80] : memref<160x125xi32, #tpu.memory_space<vmem>> -> memref<1x125xi32, #tpu.memory_space<vmem>>
      %dma_start3A_82 = tpu.memref_squeeze %dma_start3A_81 : memref<1x125xi32, #tpu.memory_space<vmem>> -> memref<125xi32, #tpu.memory_space<vmem>>
      %dma_start3A_83 = arith.constant 0 : i32
      %dma_start3A_84 = arith.constant 0 : i32
      %dma_start3A_85 = tpu.memref_slice %arg3[%dma_start3A_83, %dma_start3A_84] : memref<10000x64xbf16, #tpu.memory_space<hbm>> -> memref<10000x64xbf16, #tpu.memory_space<hbm>>
      tpu.enqueue_indirect_dma source(%dma_start3A_85 : memref<10000x64xbf16, #tpu.memory_space<hbm>>) target(%arg13 : memref<125x64xbf16, #tpu.memory_space<vmem>>) offsets(%dma_start3A_82 : memref<125xi32, #tpu.memory_space<vmem>>) semaphore(%arg21 : memref<!tpu.dma_semaphore, #tpu.memory_space<semaphore_mem>>)
    } else {
    }
    %eq3A_37 = arith.constant 0 : i32
    %eq3A_38 = arith.cmpi eq, %arg0, %eq3A_37 : i32
    %convert_element_type3A_39 = arith.extui %eq3A_38 : i1 to i32
    %cond3A_40 = arith.constant 0 : i32
    %cond3A_41 = arith.cmpi ne, %convert_element_type3A_39, %cond3A_40 : i32
    scf.if %cond3A_41 {
      %dma_start3A = arith.constant 4 : i32
      %dma_start3A_80 = arith.constant 0 : i32
      %dma_start3A_81 = tpu.memref_slice %arg8[%dma_start3A, %dma_start3A_80] : memref<160x125xi32, #tpu.memory_space<vmem>> -> memref<1x125xi32, #tpu.memory_space<vmem>>
      %dma_start3A_82 = tpu.memref_squeeze %dma_start3A_81 : memref<1x125xi32, #tpu.memory_space<vmem>> -> memref<125xi32, #tpu.memory_space<vmem>>
      %dma_start3A_83 = arith.constant 0 : i32
      %dma_start3A_84 = arith.constant 0 : i32
      %dma_start3A_85 = tpu.memref_slice %arg2[%dma_start3A_83, %dma_start3A_84] : memref<10000x64xbf16, #tpu.memory_space<hbm>> -> memref<10000x64xbf16, #tpu.memory_space<hbm>>
      tpu.enqueue_indirect_dma source(%dma_start3A_85 : memref<10000x64xbf16, #tpu.memory_space<hbm>>) target(%arg14 : memref<125x64xbf16, #tpu.memory_space<vmem>>) offsets(%dma_start3A_82 : memref<125xi32, #tpu.memory_space<vmem>>) semaphore(%arg22 : memref<!tpu.dma_semaphore, #tpu.memory_space<semaphore_mem>>)
    } else {
    }
    %eq3A_42 = arith.constant 1 : i32
    %eq3A_43 = arith.cmpi eq, %arg0, %eq3A_42 : i32
    %convert_element_type3A_44 = arith.extui %eq3A_43 : i1 to i32
    %cond3A_45 = arith.constant 0 : i32
    %cond3A_46 = arith.cmpi ne, %convert_element_type3A_44, %cond3A_45 : i32
    scf.if %cond3A_46 {
      %dma_start3A = arith.constant 4 : i32
      %dma_start3A_80 = arith.constant 0 : i32
      %dma_start3A_81 = tpu.memref_slice %arg8[%dma_start3A, %dma_start3A_80] : memref<160x125xi32, #tpu.memory_space<vmem>> -> memref<1x125xi32, #tpu.memory_space<vmem>>
      %dma_start3A_82 = tpu.memref_squeeze %dma_start3A_81 : memref<1x125xi32, #tpu.memory_space<vmem>> -> memref<125xi32, #tpu.memory_space<vmem>>
      %dma_start3A_83 = arith.constant 0 : i32
      %dma_start3A_84 = arith.constant 0 : i32
      %dma_start3A_85 = tpu.memref_slice %arg3[%dma_start3A_83, %dma_start3A_84] : memref<10000x64xbf16, #tpu.memory_space<hbm>> -> memref<10000x64xbf16, #tpu.memory_space<hbm>>
      tpu.enqueue_indirect_dma source(%dma_start3A_85 : memref<10000x64xbf16, #tpu.memory_space<hbm>>) target(%arg14 : memref<125x64xbf16, #tpu.memory_space<vmem>>) offsets(%dma_start3A_82 : memref<125xi32, #tpu.memory_space<vmem>>) semaphore(%arg22 : memref<!tpu.dma_semaphore, #tpu.memory_space<semaphore_mem>>)
    } else {
    }
    %eq3A_47 = arith.constant 0 : i32
    %eq3A_48 = arith.cmpi eq, %arg0, %eq3A_47 : i32
    %convert_element_type3A_49 = arith.extui %eq3A_48 : i1 to i32
    %cond3A_50 = arith.constant 0 : i32
    %cond3A_51 = arith.cmpi ne, %convert_element_type3A_49, %cond3A_50 : i32
    scf.if %cond3A_51 {
      %dma_start3A = arith.constant 5 : i32
      %dma_start3A_80 = arith.constant 0 : i32
      %dma_start3A_81 = tpu.memref_slice %arg8[%dma_start3A, %dma_start3A_80] : memref<160x125xi32, #tpu.memory_space<vmem>> -> memref<1x125xi32, #tpu.memory_space<vmem>>
      %dma_start3A_82 = tpu.memref_squeeze %dma_start3A_81 : memref<1x125xi32, #tpu.memory_space<vmem>> -> memref<125xi32, #tpu.memory_space<vmem>>
      %dma_start3A_83 = arith.constant 0 : i32
      %dma_start3A_84 = arith.constant 0 : i32
      %dma_start3A_85 = tpu.memref_slice %arg2[%dma_start3A_83, %dma_start3A_84] : memref<10000x64xbf16, #tpu.memory_space<hbm>> -> memref<10000x64xbf16, #tpu.memory_space<hbm>>
      tpu.enqueue_indirect_dma source(%dma_start3A_85 : memref<10000x64xbf16, #tpu.memory_space<hbm>>) target(%arg15 : memref<125x64xbf16, #tpu.memory_space<vmem>>) offsets(%dma_start3A_82 : memref<125xi32, #tpu.memory_space<vmem>>) semaphore(%arg23 : memref<!tpu.dma_semaphore, #tpu.memory_space<semaphore_mem>>)
    } else {
    }
    %eq3A_52 = arith.constant 1 : i32
    %eq3A_53 = arith.cmpi eq, %arg0, %eq3A_52 : i32
    %convert_element_type3A_54 = arith.extui %eq3A_53 : i1 to i32
    %cond3A_55 = arith.constant 0 : i32
    %cond3A_56 = arith.cmpi ne, %convert_element_type3A_54, %cond3A_55 : i32
    scf.if %cond3A_56 {
      %dma_start3A = arith.constant 5 : i32
      %dma_start3A_80 = arith.constant 0 : i32
      %dma_start3A_81 = tpu.memref_slice %arg8[%dma_start3A, %dma_start3A_80] : memref<160x125xi32, #tpu.memory_space<vmem>> -> memref<1x125xi32, #tpu.memory_space<vmem>>
      %dma_start3A_82 = tpu.memref_squeeze %dma_start3A_81 : memref<1x125xi32, #tpu.memory_space<vmem>> -> memref<125xi32, #tpu.memory_space<vmem>>
      %dma_start3A_83 = arith.constant 0 : i32
      %dma_start3A_84 = arith.constant 0 : i32
      %dma_start3A_85 = tpu.memref_slice %arg3[%dma_start3A_83, %dma_start3A_84] : memref<10000x64xbf16, #tpu.memory_space<hbm>> -> memref<10000x64xbf16, #tpu.memory_space<hbm>>
      tpu.enqueue_indirect_dma source(%dma_start3A_85 : memref<10000x64xbf16, #tpu.memory_space<hbm>>) target(%arg15 : memref<125x64xbf16, #tpu.memory_space<vmem>>) offsets(%dma_start3A_82 : memref<125xi32, #tpu.memory_space<vmem>>) semaphore(%arg23 : memref<!tpu.dma_semaphore, #tpu.memory_space<semaphore_mem>>)
    } else {
    }
    %eq3A_57 = arith.constant 0 : i32
    %eq3A_58 = arith.cmpi eq, %arg0, %eq3A_57 : i32
    %convert_element_type3A_59 = arith.extui %eq3A_58 : i1 to i32
    %cond3A_60 = arith.constant 0 : i32
    %cond3A_61 = arith.cmpi ne, %convert_element_type3A_59, %cond3A_60 : i32
    scf.if %cond3A_61 {
      %dma_start3A = arith.constant 6 : i32
      %dma_start3A_80 = arith.constant 0 : i32
      %dma_start3A_81 = tpu.memref_slice %arg8[%dma_start3A, %dma_start3A_80] : memref<160x125xi32, #tpu.memory_space<vmem>> -> memref<1x125xi32, #tpu.memory_space<vmem>>
      %dma_start3A_82 = tpu.memref_squeeze %dma_start3A_81 : memref<1x125xi32, #tpu.memory_space<vmem>> -> memref<125xi32, #tpu.memory_space<vmem>>
      %dma_start3A_83 = arith.constant 0 : i32
      %dma_start3A_84 = arith.constant 0 : i32
      %dma_start3A_85 = tpu.memref_slice %arg2[%dma_start3A_83, %dma_start3A_84] : memref<10000x64xbf16, #tpu.memory_space<hbm>> -> memref<10000x64xbf16, #tpu.memory_space<hbm>>
      tpu.enqueue_indirect_dma source(%dma_start3A_85 : memref<10000x64xbf16, #tpu.memory_space<hbm>>) target(%arg16 : memref<125x64xbf16, #tpu.memory_space<vmem>>) offsets(%dma_start3A_82 : memref<125xi32, #tpu.memory_space<vmem>>) semaphore(%arg24 : memref<!tpu.dma_semaphore, #tpu.memory_space<semaphore_mem>>)
    } else {
    }
    %eq3A_62 = arith.constant 1 : i32
    %eq3A_63 = arith.cmpi eq, %arg0, %eq3A_62 : i32
    %convert_element_type3A_64 = arith.extui %eq3A_63 : i1 to i32
    %cond3A_65 = arith.constant 0 : i32
    %cond3A_66 = arith.cmpi ne, %convert_element_type3A_64, %cond3A_65 : i32
    scf.if %cond3A_66 {
      %dma_start3A = arith.constant 6 : i32
      %dma_start3A_80 = arith.constant 0 : i32
      %dma_start3A_81 = tpu.memref_slice %arg8[%dma_start3A, %dma_start3A_80] : memref<160x125xi32, #tpu.memory_space<vmem>> -> memref<1x125xi32, #tpu.memory_space<vmem>>
      %dma_start3A_82 = tpu.memref_squeeze %dma_start3A_81 : memref<1x125xi32, #tpu.memory_space<vmem>> -> memref<125xi32, #tpu.memory_space<vmem>>
      %dma_start3A_83 = arith.constant 0 : i32
      %dma_start3A_84 = arith.constant 0 : i32
      %dma_start3A_85 = tpu.memref_slice %arg3[%dma_start3A_83, %dma_start3A_84] : memref<10000x64xbf16, #tpu.memory_space<hbm>> -> memref<10000x64xbf16, #tpu.memory_space<hbm>>
      tpu.enqueue_indirect_dma source(%dma_start3A_85 : memref<10000x64xbf16, #tpu.memory_space<hbm>>) target(%arg16 : memref<125x64xbf16, #tpu.memory_space<vmem>>) offsets(%dma_start3A_82 : memref<125xi32, #tpu.memory_space<vmem>>) semaphore(%arg24 : memref<!tpu.dma_semaphore, #tpu.memory_space<semaphore_mem>>)
    } else {
    }
    "tpu.region"() ({
      %run_scoped3A = tpu.sem_alloc : memref<!tpu.dma_semaphore, #tpu.memory_space<semaphore_mem>>
      %dma_start3A = arith.constant 0 : i32
      %dma_start3A_80 = arith.constant 0 : i32
      %dma_start3A_81 = tpu.memref_slice %arg5[%arg1, %dma_start3A, %dma_start3A_80] : memref<16x160x125xi32, #tpu.memory_space<hbm>> -> memref<1x160x125xi32, #tpu.memory_space<hbm>>
      %dma_start3A_82 = tpu.memref_squeeze %dma_start3A_81 : memref<1x160x125xi32, #tpu.memory_space<hbm>> -> memref<160x125xi32, #tpu.memory_space<hbm>>
      %dma_start3A_83 = arith.constant 0 : i32
      %dma_start3A_84 = arith.constant 0 : i32
      %dma_start3A_85 = tpu.memref_slice %arg5[%arg1, %dma_start3A_83, %dma_start3A_84] : memref<16x160x125xi32, #tpu.memory_space<hbm>> -> memref<1x160x125xi32, #tpu.memory_space<hbm>>
      %dma_start3A_86 = tpu.memref_squeeze %dma_start3A_85 : memref<1x160x125xi32, #tpu.memory_space<hbm>> -> memref<160x125xi32, #tpu.memory_space<hbm>>
      tpu.enqueue_dma source(%dma_start3A_86 : memref<160x125xi32, #tpu.memory_space<hbm>>) target(%arg9 : memref<160x125xi32, #tpu.memory_space<vmem>>) target_semaphore(%run_scoped3A : memref<!tpu.dma_semaphore, #tpu.memory_space<semaphore_mem>>)
      %dma_wait3A = arith.constant 0 : i32
      %dma_wait3A_87 = arith.constant 0 : i32
      %dma_wait3A_88 = tpu.memref_slice %arg5[%arg1, %dma_wait3A, %dma_wait3A_87] : memref<16x160x125xi32, #tpu.memory_space<hbm>> -> memref<1x160x125xi32, #tpu.memory_space<hbm>>
      %dma_wait3A_89 = tpu.memref_squeeze %dma_wait3A_88 : memref<1x160x125xi32, #tpu.memory_space<hbm>> -> memref<160x125xi32, #tpu.memory_space<hbm>>
      %dma_wait3A_90 = arith.constant 0 : i32
      %dma_wait3A_91 = arith.constant 0 : i32
      %dma_wait3A_92 = tpu.memref_slice %arg5[%arg1, %dma_wait3A_90, %dma_wait3A_91] : memref<16x160x125xi32, #tpu.memory_space<hbm>> -> memref<1x160x125xi32, #tpu.memory_space<hbm>>
      %dma_wait3A_93 = tpu.memref_squeeze %dma_wait3A_92 : memref<1x160x125xi32, #tpu.memory_space<hbm>> -> memref<160x125xi32, #tpu.memory_space<hbm>>
      tpu.wait_dma2 semaphore(%run_scoped3A : memref<!tpu.dma_semaphore, #tpu.memory_space<semaphore_mem>>) src(%dma_wait3A_93 : memref<160x125xi32, #tpu.memory_space<hbm>>) dst(%arg9 : memref<160x125xi32, #tpu.memory_space<vmem>>)
      tpu.yield
    }) : () -> ()
    %mul3A = arith.constant 632 : i32
    %mul3A_67 = arith.muli %arg1, %mul3A : i32
    %mul3A_68 = arith.constant 632 : i32
    %mul3A_69 = arith.muli %arg1, %mul3A_68 : i32
    "tpu.region"() ({
      %run_scoped3A = tpu.sem_alloc : memref<!tpu.dma_semaphore, #tpu.memory_space<semaphore_mem>>
      %dma_start3A = arith.constant 0 : i32
      %dma_start3A_80 = tpu.memref_slice %arg26[%mul3A_69, %dma_start3A] : memref<10112x64xbf16, #tpu.memory_space<vmem_shared>> -> memref<632x64xbf16, #tpu.memory_space<vmem_shared>>
      %dma_start3A_81 = arith.constant 0 : i32
      %dma_start3A_82 = tpu.memref_slice %arg6[%mul3A_67, %dma_start3A_81] : memref<10112x64xbf16, #tpu.memory_space<hbm>> -> memref<632x64xbf16, #tpu.memory_space<hbm>>
      tpu.enqueue_dma source(%dma_start3A_82 : memref<632x64xbf16, #tpu.memory_space<hbm>>) target(%dma_start3A_80 : memref<632x64xbf16, #tpu.memory_space<vmem_shared>>) target_semaphore(%run_scoped3A : memref<!tpu.dma_semaphore, #tpu.memory_space<semaphore_mem>>)
      %dma_wait3A = arith.constant 0 : i32
      %dma_wait3A_83 = tpu.memref_slice %arg26[%mul3A_69, %dma_wait3A] : memref<10112x64xbf16, #tpu.memory_space<vmem_shared>> -> memref<632x64xbf16, #tpu.memory_space<vmem_shared>>
      %dma_wait3A_84 = arith.constant 0 : i32
      %dma_wait3A_85 = tpu.memref_slice %arg6[%mul3A_67, %dma_wait3A_84] : memref<10112x64xbf16, #tpu.memory_space<hbm>> -> memref<632x64xbf16, #tpu.memory_space<hbm>>
      tpu.wait_dma2 semaphore(%run_scoped3A : memref<!tpu.dma_semaphore, #tpu.memory_space<semaphore_mem>>) src(%dma_wait3A_85 : memref<632x64xbf16, #tpu.memory_space<hbm>>) dst(%dma_wait3A_83 : memref<632x64xbf16, #tpu.memory_space<vmem_shared>>)
      tpu.yield
    }) : () -> ()
    %barrier3A = arith.constant 0 : index
    tpu.barrier barrier_id(%barrier3A)
    %scan3A = arith.constant 0 : i32
    %scan3A_70 = arith.constant 0 : i32
    %scan3A_71 = arith.constant 20 : i32
    %scan3A_72 = arith.addi %scan3A_70, %scan3A_71 : i32
    %scan3A_73 = arith.constant 1 : i32
    scf.for %scan3A_80 = %scan3A_70 to %scan3A_72 step %scan3A_73  : i32 {
      %mul3A_81 = arith.constant 8 : i32
      %mul3A_82 = arith.muli %scan3A_80, %mul3A_81 : i32
      %add3A = arith.constant 0 : i32
      %add3A_83 = arith.addi %mul3A_82, %add3A : i32
      %add3A_84 = arith.constant 7 : i32
      %add3A_85 = arith.addi %add3A_83, %add3A_84 : i32
      %lt3A = arith.constant 160 : i32
      %lt3A_86 = arith.cmpi slt, %add3A_85, %lt3A : i32
      %convert_element_type3A_87 = arith.extui %lt3A_86 : i1 to i32
      %cond3A_88 = arith.constant 0 : i32
      %cond3A_89 = arith.cmpi ne, %convert_element_type3A_87, %cond3A_88 : i32
      scf.if %cond3A_89 {
        %add3A_214 = arith.constant 7 : i32
        %add3A_215 = arith.addi %add3A_83, %add3A_214 : i32
        %eq3A_216 = arith.constant 0 : i32
        %eq3A_217 = arith.cmpi eq, %arg0, %eq3A_216 : i32
        %convert_element_type3A_218 = arith.extui %eq3A_217 : i1 to i32
        %cond3A_219 = arith.constant 0 : i32
        %cond3A_220 = arith.cmpi ne, %convert_element_type3A_218, %cond3A_219 : i32
        scf.if %cond3A_220 {
          %dma_start3A = arith.constant 0 : i32
          %dma_start3A_226 = tpu.memref_slice %arg8[%add3A_215, %dma_start3A] : memref<160x125xi32, #tpu.memory_space<vmem>> -> memref<1x125xi32, #tpu.memory_space<vmem>>
          %dma_start3A_227 = tpu.memref_squeeze %dma_start3A_226 : memref<1x125xi32, #tpu.memory_space<vmem>> -> memref<125xi32, #tpu.memory_space<vmem>>
          %dma_start3A_228 = arith.constant 0 : i32
          %dma_start3A_229 = arith.constant 0 : i32
          %dma_start3A_230 = tpu.memref_slice %arg2[%dma_start3A_228, %dma_start3A_229] : memref<10000x64xbf16, #tpu.memory_space<hbm>> -> memref<10000x64xbf16, #tpu.memory_space<hbm>>
          tpu.enqueue_indirect_dma source(%dma_start3A_230 : memref<10000x64xbf16, #tpu.memory_space<hbm>>) target(%arg17 : memref<125x64xbf16, #tpu.memory_space<vmem>>) offsets(%dma_start3A_227 : memref<125xi32, #tpu.memory_space<vmem>>) semaphore(%arg25 : memref<!tpu.dma_semaphore, #tpu.memory_space<semaphore_mem>>)
        } else {
        }
        %eq3A_221 = arith.constant 1 : i32
        %eq3A_222 = arith.cmpi eq, %arg0, %eq3A_221 : i32
        %convert_element_type3A_223 = arith.extui %eq3A_222 : i1 to i32
        %cond3A_224 = arith.constant 0 : i32
        %cond3A_225 = arith.cmpi ne, %convert_element_type3A_223, %cond3A_224 : i32
        scf.if %cond3A_225 {
          %dma_start3A = arith.constant 0 : i32
          %dma_start3A_226 = tpu.memref_slice %arg8[%add3A_215, %dma_start3A] : memref<160x125xi32, #tpu.memory_space<vmem>> -> memref<1x125xi32, #tpu.memory_space<vmem>>
          %dma_start3A_227 = tpu.memref_squeeze %dma_start3A_226 : memref<1x125xi32, #tpu.memory_space<vmem>> -> memref<125xi32, #tpu.memory_space<vmem>>
          %dma_start3A_228 = arith.constant 0 : i32
          %dma_start3A_229 = arith.constant 0 : i32
          %dma_start3A_230 = tpu.memref_slice %arg3[%dma_start3A_228, %dma_start3A_229] : memref<10000x64xbf16, #tpu.memory_space<hbm>> -> memref<10000x64xbf16, #tpu.memory_space<hbm>>
          tpu.enqueue_indirect_dma source(%dma_start3A_230 : memref<10000x64xbf16, #tpu.memory_space<hbm>>) target(%arg17 : memref<125x64xbf16, #tpu.memory_space<vmem>>) offsets(%dma_start3A_227 : memref<125xi32, #tpu.memory_space<vmem>>) semaphore(%arg25 : memref<!tpu.dma_semaphore, #tpu.memory_space<semaphore_mem>>)
        } else {
        }
      } else {
      }
      %dma_wait3A = arith.constant 0 : i32
      %dma_wait3A_90 = tpu.memref_slice %arg8[%add3A_83, %dma_wait3A] : memref<160x125xi32, #tpu.memory_space<vmem>> -> memref<1x125xi32, #tpu.memory_space<vmem>>
      %dma_wait3A_91 = tpu.memref_squeeze %dma_wait3A_90 : memref<1x125xi32, #tpu.memory_space<vmem>> -> memref<125xi32, #tpu.memory_space<vmem>>
      %dma_wait3A_92 = arith.constant 0 : i32
      %dma_wait3A_93 = arith.constant 0 : i32
      %dma_wait3A_94 = tpu.memref_slice %arg2[%dma_wait3A_92, %dma_wait3A_93] : memref<10000x64xbf16, #tpu.memory_space<hbm>> -> memref<10000x64xbf16, #tpu.memory_space<hbm>>
      tpu.wait_indirect_dma semaphore(%arg18 : memref<!tpu.dma_semaphore, #tpu.memory_space<semaphore_mem>>) src(%dma_wait3A_94 : memref<10000x64xbf16, #tpu.memory_space<hbm>>) dst(%arg10 : memref<125x64xbf16, #tpu.memory_space<vmem>>)
      "tpu.region"() ({
        %run_scoped3A = tpu.sem_alloc : memref<!tpu.dma_semaphore, #tpu.memory_space<semaphore_mem>>
        %dma_start3A = arith.constant 0 : i32
        %dma_start3A_214 = tpu.memref_slice %arg9[%add3A_83, %dma_start3A] : memref<160x125xi32, #tpu.memory_space<vmem>> -> memref<1x125xi32, #tpu.memory_space<vmem>>
        %dma_start3A_215 = tpu.memref_squeeze %dma_start3A_214 : memref<1x125xi32, #tpu.memory_space<vmem>> -> memref<125xi32, #tpu.memory_space<vmem>>
        %dma_start3A_216 = arith.constant 0 : i32
        %dma_start3A_217 = arith.constant 0 : i32
        %dma_start3A_218 = tpu.memref_slice %arg26[%dma_start3A_216, %dma_start3A_217] : memref<10112x64xbf16, #tpu.memory_space<vmem_shared>> -> memref<10112x64xbf16, #tpu.memory_space<vmem_shared>>
        tpu.enqueue_indirect_dma source(%arg10 : memref<125x64xbf16, #tpu.memory_space<vmem>>) target(%dma_start3A_218 : memref<10112x64xbf16, #tpu.memory_space<vmem_shared>>) offsets(%dma_start3A_215 : memref<125xi32, #tpu.memory_space<vmem>>) semaphore(%run_scoped3A : memref<!tpu.dma_semaphore, #tpu.memory_space<semaphore_mem>>) {add = true}
        %dma_wait3A_219 = arith.constant 0 : i32
        %dma_wait3A_220 = tpu.memref_slice %arg9[%add3A_83, %dma_wait3A_219] : memref<160x125xi32, #tpu.memory_space<vmem>> -> memref<1x125xi32, #tpu.memory_space<vmem>>
        %dma_wait3A_221 = tpu.memref_squeeze %dma_wait3A_220 : memref<1x125xi32, #tpu.memory_space<vmem>> -> memref<125xi32, #tpu.memory_space<vmem>>
        %dma_wait3A_222 = arith.constant 0 : i32
        %dma_wait3A_223 = arith.constant 0 : i32
        %dma_wait3A_224 = tpu.memref_slice %arg26[%dma_wait3A_222, %dma_wait3A_223] : memref<10112x64xbf16, #tpu.memory_space<vmem_shared>> -> memref<10112x64xbf16, #tpu.memory_space<vmem_shared>>
        tpu.wait_indirect_dma semaphore(%run_scoped3A : memref<!tpu.dma_semaphore, #tpu.memory_space<semaphore_mem>>) src(%arg10 : memref<125x64xbf16, #tpu.memory_space<vmem>>) dst(%dma_wait3A_224 : memref<10112x64xbf16, #tpu.memory_space<vmem_shared>>)
        tpu.yield
      }) : () -> ()
      %mul3A_95 = arith.constant 8 : i32
      %mul3A_96 = arith.muli %scan3A_80, %mul3A_95 : i32
      %add3A_97 = arith.constant 1 : i32
      %add3A_98 = arith.addi %mul3A_96, %add3A_97 : i32
      %add3A_99 = arith.constant 7 : i32
      %add3A_100 = arith.addi %add3A_98, %add3A_99 : i32
      %lt3A_101 = arith.constant 160 : i32
      %lt3A_102 = arith.cmpi slt, %add3A_100, %lt3A_101 : i32
      %convert_element_type3A_103 = arith.extui %lt3A_102 : i1 to i32
      %cond3A_104 = arith.constant 0 : i32
      %cond3A_105 = arith.cmpi ne, %convert_element_type3A_103, %cond3A_104 : i32
      scf.if %cond3A_105 {
        %add3A_214 = arith.constant 7 : i32
        %add3A_215 = arith.addi %add3A_98, %add3A_214 : i32
        %eq3A_216 = arith.constant 0 : i32
        %eq3A_217 = arith.cmpi eq, %arg0, %eq3A_216 : i32
        %convert_element_type3A_218 = arith.extui %eq3A_217 : i1 to i32
        %cond3A_219 = arith.constant 0 : i32
        %cond3A_220 = arith.cmpi ne, %convert_element_type3A_218, %cond3A_219 : i32
        scf.if %cond3A_220 {
          %dma_start3A = arith.constant 0 : i32
          %dma_start3A_226 = tpu.memref_slice %arg8[%add3A_215, %dma_start3A] : memref<160x125xi32, #tpu.memory_space<vmem>> -> memref<1x125xi32, #tpu.memory_space<vmem>>
          %dma_start3A_227 = tpu.memref_squeeze %dma_start3A_226 : memref<1x125xi32, #tpu.memory_space<vmem>> -> memref<125xi32, #tpu.memory_space<vmem>>
          %dma_start3A_228 = arith.constant 0 : i32
          %dma_start3A_229 = arith.constant 0 : i32
          %dma_start3A_230 = tpu.memref_slice %arg2[%dma_start3A_228, %dma_start3A_229] : memref<10000x64xbf16, #tpu.memory_space<hbm>> -> memref<10000x64xbf16, #tpu.memory_space<hbm>>
          tpu.enqueue_indirect_dma source(%dma_start3A_230 : memref<10000x64xbf16, #tpu.memory_space<hbm>>) target(%arg10 : memref<125x64xbf16, #tpu.memory_space<vmem>>) offsets(%dma_start3A_227 : memref<125xi32, #tpu.memory_space<vmem>>) semaphore(%arg18 : memref<!tpu.dma_semaphore, #tpu.memory_space<semaphore_mem>>)
        } else {
        }
        %eq3A_221 = arith.constant 1 : i32
        %eq3A_222 = arith.cmpi eq, %arg0, %eq3A_221 : i32
        %convert_element_type3A_223 = arith.extui %eq3A_222 : i1 to i32
        %cond3A_224 = arith.constant 0 : i32
        %cond3A_225 = arith.cmpi ne, %convert_element_type3A_223, %cond3A_224 : i32
        scf.if %cond3A_225 {
          %dma_start3A = arith.constant 0 : i32
          %dma_start3A_226 = tpu.memref_slice %arg8[%add3A_215, %dma_start3A] : memref<160x125xi32, #tpu.memory_space<vmem>> -> memref<1x125xi32, #tpu.memory_space<vmem>>
          %dma_start3A_227 = tpu.memref_squeeze %dma_start3A_226 : memref<1x125xi32, #tpu.memory_space<vmem>> -> memref<125xi32, #tpu.memory_space<vmem>>
          %dma_start3A_228 = arith.constant 0 : i32
          %dma_start3A_229 = arith.constant 0 : i32
          %dma_start3A_230 = tpu.memref_slice %arg3[%dma_start3A_228, %dma_start3A_229] : memref<10000x64xbf16, #tpu.memory_space<hbm>> -> memref<10000x64xbf16, #tpu.memory_space<hbm>>
          tpu.enqueue_indirect_dma source(%dma_start3A_230 : memref<10000x64xbf16, #tpu.memory_space<hbm>>) target(%arg10 : memref<125x64xbf16, #tpu.memory_space<vmem>>) offsets(%dma_start3A_227 : memref<125xi32, #tpu.memory_space<vmem>>) semaphore(%arg18 : memref<!tpu.dma_semaphore, #tpu.memory_space<semaphore_mem>>)
        } else {
        }
      } else {
      }
      %dma_wait3A_106 = arith.constant 0 : i32
      %dma_wait3A_107 = tpu.memref_slice %arg8[%add3A_98, %dma_wait3A_106] : memref<160x125xi32, #tpu.memory_space<vmem>> -> memref<1x125xi32, #tpu.memory_space<vmem>>
      %dma_wait3A_108 = tpu.memref_squeeze %dma_wait3A_107 : memref<1x125xi32, #tpu.memory_space<vmem>> -> memref<125xi32, #tpu.memory_space<vmem>>
      %dma_wait3A_109 = arith.constant 0 : i32
      %dma_wait3A_110 = arith.constant 0 : i32
      %dma_wait3A_111 = tpu.memref_slice %arg2[%dma_wait3A_109, %dma_wait3A_110] : memref<10000x64xbf16, #tpu.memory_space<hbm>> -> memref<10000x64xbf16, #tpu.memory_space<hbm>>
      tpu.wait_indirect_dma semaphore(%arg19 : memref<!tpu.dma_semaphore, #tpu.memory_space<semaphore_mem>>) src(%dma_wait3A_111 : memref<10000x64xbf16, #tpu.memory_space<hbm>>) dst(%arg11 : memref<125x64xbf16, #tpu.memory_space<vmem>>)
      "tpu.region"() ({
        %run_scoped3A = tpu.sem_alloc : memref<!tpu.dma_semaphore, #tpu.memory_space<semaphore_mem>>
        %dma_start3A = arith.constant 0 : i32
        %dma_start3A_214 = tpu.memref_slice %arg9[%add3A_98, %dma_start3A] : memref<160x125xi32, #tpu.memory_space<vmem>> -> memref<1x125xi32, #tpu.memory_space<vmem>>
        %dma_start3A_215 = tpu.memref_squeeze %dma_start3A_214 : memref<1x125xi32, #tpu.memory_space<vmem>> -> memref<125xi32, #tpu.memory_space<vmem>>
        %dma_start3A_216 = arith.constant 0 : i32
        %dma_start3A_217 = arith.constant 0 : i32
        %dma_start3A_218 = tpu.memref_slice %arg26[%dma_start3A_216, %dma_start3A_217] : memref<10112x64xbf16, #tpu.memory_space<vmem_shared>> -> memref<10112x64xbf16, #tpu.memory_space<vmem_shared>>
        tpu.enqueue_indirect_dma source(%arg11 : memref<125x64xbf16, #tpu.memory_space<vmem>>) target(%dma_start3A_218 : memref<10112x64xbf16, #tpu.memory_space<vmem_shared>>) offsets(%dma_start3A_215 : memref<125xi32, #tpu.memory_space<vmem>>) semaphore(%run_scoped3A : memref<!tpu.dma_semaphore, #tpu.memory_space<semaphore_mem>>) {add = true}
        %dma_wait3A_219 = arith.constant 0 : i32
        %dma_wait3A_220 = tpu.memref_slice %arg9[%add3A_98, %dma_wait3A_219] : memref<160x125xi32, #tpu.memory_space<vmem>> -> memref<1x125xi32, #tpu.memory_space<vmem>>
        %dma_wait3A_221 = tpu.memref_squeeze %dma_wait3A_220 : memref<1x125xi32, #tpu.memory_space<vmem>> -> memref<125xi32, #tpu.memory_space<vmem>>
        %dma_wait3A_222 = arith.constant 0 : i32
        %dma_wait3A_223 = arith.constant 0 : i32
        %dma_wait3A_224 = tpu.memref_slice %arg26[%dma_wait3A_222, %dma_wait3A_223] : memref<10112x64xbf16, #tpu.memory_space<vmem_shared>> -> memref<10112x64xbf16, #tpu.memory_space<vmem_shared>>
        tpu.wait_indirect_dma semaphore(%run_scoped3A : memref<!tpu.dma_semaphore, #tpu.memory_space<semaphore_mem>>) src(%arg11 : memref<125x64xbf16, #tpu.memory_space<vmem>>) dst(%dma_wait3A_224 : memref<10112x64xbf16, #tpu.memory_space<vmem_shared>>)
        tpu.yield
      }) : () -> ()
      %mul3A_112 = arith.constant 8 : i32
      %mul3A_113 = arith.muli %scan3A_80, %mul3A_112 : i32
      %add3A_114 = arith.constant 2 : i32
      %add3A_115 = arith.addi %mul3A_113, %add3A_114 : i32
      %add3A_116 = arith.constant 7 : i32
      %add3A_117 = arith.addi %add3A_115, %add3A_116 : i32
      %lt3A_118 = arith.constant 160 : i32
      %lt3A_119 = arith.cmpi slt, %add3A_117, %lt3A_118 : i32
      %convert_element_type3A_120 = arith.extui %lt3A_119 : i1 to i32
      %cond3A_121 = arith.constant 0 : i32
      %cond3A_122 = arith.cmpi ne, %convert_element_type3A_120, %cond3A_121 : i32
      scf.if %cond3A_122 {
        %add3A_214 = arith.constant 7 : i32
        %add3A_215 = arith.addi %add3A_115, %add3A_214 : i32
        %eq3A_216 = arith.constant 0 : i32
        %eq3A_217 = arith.cmpi eq, %arg0, %eq3A_216 : i32
        %convert_element_type3A_218 = arith.extui %eq3A_217 : i1 to i32
        %cond3A_219 = arith.constant 0 : i32
        %cond3A_220 = arith.cmpi ne, %convert_element_type3A_218, %cond3A_219 : i32
        scf.if %cond3A_220 {
          %dma_start3A = arith.constant 0 : i32
          %dma_start3A_226 = tpu.memref_slice %arg8[%add3A_215, %dma_start3A] : memref<160x125xi32, #tpu.memory_space<vmem>> -> memref<1x125xi32, #tpu.memory_space<vmem>>
          %dma_start3A_227 = tpu.memref_squeeze %dma_start3A_226 : memref<1x125xi32, #tpu.memory_space<vmem>> -> memref<125xi32, #tpu.memory_space<vmem>>
          %dma_start3A_228 = arith.constant 0 : i32
          %dma_start3A_229 = arith.constant 0 : i32
          %dma_start3A_230 = tpu.memref_slice %arg2[%dma_start3A_228, %dma_start3A_229] : memref<10000x64xbf16, #tpu.memory_space<hbm>> -> memref<10000x64xbf16, #tpu.memory_space<hbm>>
          tpu.enqueue_indirect_dma source(%dma_start3A_230 : memref<10000x64xbf16, #tpu.memory_space<hbm>>) target(%arg11 : memref<125x64xbf16, #tpu.memory_space<vmem>>) offsets(%dma_start3A_227 : memref<125xi32, #tpu.memory_space<vmem>>) semaphore(%arg19 : memref<!tpu.dma_semaphore, #tpu.memory_space<semaphore_mem>>)
        } else {
        }
        %eq3A_221 = arith.constant 1 : i32
        %eq3A_222 = arith.cmpi eq, %arg0, %eq3A_221 : i32
        %convert_element_type3A_223 = arith.extui %eq3A_222 : i1 to i32
        %cond3A_224 = arith.constant 0 : i32
        %cond3A_225 = arith.cmpi ne, %convert_element_type3A_223, %cond3A_224 : i32
        scf.if %cond3A_225 {
          %dma_start3A = arith.constant 0 : i32
          %dma_start3A_226 = tpu.memref_slice %arg8[%add3A_215, %dma_start3A] : memref<160x125xi32, #tpu.memory_space<vmem>> -> memref<1x125xi32, #tpu.memory_space<vmem>>
          %dma_start3A_227 = tpu.memref_squeeze %dma_start3A_226 : memref<1x125xi32, #tpu.memory_space<vmem>> -> memref<125xi32, #tpu.memory_space<vmem>>
          %dma_start3A_228 = arith.constant 0 : i32
          %dma_start3A_229 = arith.constant 0 : i32
          %dma_start3A_230 = tpu.memref_slice %arg3[%dma_start3A_228, %dma_start3A_229] : memref<10000x64xbf16, #tpu.memory_space<hbm>> -> memref<10000x64xbf16, #tpu.memory_space<hbm>>
          tpu.enqueue_indirect_dma source(%dma_start3A_230 : memref<10000x64xbf16, #tpu.memory_space<hbm>>) target(%arg11 : memref<125x64xbf16, #tpu.memory_space<vmem>>) offsets(%dma_start3A_227 : memref<125xi32, #tpu.memory_space<vmem>>) semaphore(%arg19 : memref<!tpu.dma_semaphore, #tpu.memory_space<semaphore_mem>>)
        } else {
        }
      } else {
      }
      %dma_wait3A_123 = arith.constant 0 : i32
      %dma_wait3A_124 = tpu.memref_slice %arg8[%add3A_115, %dma_wait3A_123] : memref<160x125xi32, #tpu.memory_space<vmem>> -> memref<1x125xi32, #tpu.memory_space<vmem>>
      %dma_wait3A_125 = tpu.memref_squeeze %dma_wait3A_124 : memref<1x125xi32, #tpu.memory_space<vmem>> -> memref<125xi32, #tpu.memory_space<vmem>>
      %dma_wait3A_126 = arith.constant 0 : i32
      %dma_wait3A_127 = arith.constant 0 : i32
      %dma_wait3A_128 = tpu.memref_slice %arg2[%dma_wait3A_126, %dma_wait3A_127] : memref<10000x64xbf16, #tpu.memory_space<hbm>> -> memref<10000x64xbf16, #tpu.memory_space<hbm>>
      tpu.wait_indirect_dma semaphore(%arg20 : memref<!tpu.dma_semaphore, #tpu.memory_space<semaphore_mem>>) src(%dma_wait3A_128 : memref<10000x64xbf16, #tpu.memory_space<hbm>>) dst(%arg12 : memref<125x64xbf16, #tpu.memory_space<vmem>>)
      "tpu.region"() ({
        %run_scoped3A = tpu.sem_alloc : memref<!tpu.dma_semaphore, #tpu.memory_space<semaphore_mem>>
        %dma_start3A = arith.constant 0 : i32
        %dma_start3A_214 = tpu.memref_slice %arg9[%add3A_115, %dma_start3A] : memref<160x125xi32, #tpu.memory_space<vmem>> -> memref<1x125xi32, #tpu.memory_space<vmem>>
        %dma_start3A_215 = tpu.memref_squeeze %dma_start3A_214 : memref<1x125xi32, #tpu.memory_space<vmem>> -> memref<125xi32, #tpu.memory_space<vmem>>
        %dma_start3A_216 = arith.constant 0 : i32
        %dma_start3A_217 = arith.constant 0 : i32
        %dma_start3A_218 = tpu.memref_slice %arg26[%dma_start3A_216, %dma_start3A_217] : memref<10112x64xbf16, #tpu.memory_space<vmem_shared>> -> memref<10112x64xbf16, #tpu.memory_space<vmem_shared>>
        tpu.enqueue_indirect_dma source(%arg12 : memref<125x64xbf16, #tpu.memory_space<vmem>>) target(%dma_start3A_218 : memref<10112x64xbf16, #tpu.memory_space<vmem_shared>>) offsets(%dma_start3A_215 : memref<125xi32, #tpu.memory_space<vmem>>) semaphore(%run_scoped3A : memref<!tpu.dma_semaphore, #tpu.memory_space<semaphore_mem>>) {add = true}
        %dma_wait3A_219 = arith.constant 0 : i32
        %dma_wait3A_220 = tpu.memref_slice %arg9[%add3A_115, %dma_wait3A_219] : memref<160x125xi32, #tpu.memory_space<vmem>> -> memref<1x125xi32, #tpu.memory_space<vmem>>
        %dma_wait3A_221 = tpu.memref_squeeze %dma_wait3A_220 : memref<1x125xi32, #tpu.memory_space<vmem>> -> memref<125xi32, #tpu.memory_space<vmem>>
        %dma_wait3A_222 = arith.constant 0 : i32
        %dma_wait3A_223 = arith.constant 0 : i32
        %dma_wait3A_224 = tpu.memref_slice %arg26[%dma_wait3A_222, %dma_wait3A_223] : memref<10112x64xbf16, #tpu.memory_space<vmem_shared>> -> memref<10112x64xbf16, #tpu.memory_space<vmem_shared>>
        tpu.wait_indirect_dma semaphore(%run_scoped3A : memref<!tpu.dma_semaphore, #tpu.memory_space<semaphore_mem>>) src(%arg12 : memref<125x64xbf16, #tpu.memory_space<vmem>>) dst(%dma_wait3A_224 : memref<10112x64xbf16, #tpu.memory_space<vmem_shared>>)
        tpu.yield
      }) : () -> ()
      %mul3A_129 = arith.constant 8 : i32
      %mul3A_130 = arith.muli %scan3A_80, %mul3A_129 : i32
      %add3A_131 = arith.constant 3 : i32
      %add3A_132 = arith.addi %mul3A_130, %add3A_131 : i32
      %add3A_133 = arith.constant 7 : i32
      %add3A_134 = arith.addi %add3A_132, %add3A_133 : i32
      %lt3A_135 = arith.constant 160 : i32
      %lt3A_136 = arith.cmpi slt, %add3A_134, %lt3A_135 : i32
      %convert_element_type3A_137 = arith.extui %lt3A_136 : i1 to i32
      %cond3A_138 = arith.constant 0 : i32
      %cond3A_139 = arith.cmpi ne, %convert_element_type3A_137, %cond3A_138 : i32
      scf.if %cond3A_139 {
        %add3A_214 = arith.constant 7 : i32
        %add3A_215 = arith.addi %add3A_132, %add3A_214 : i32
        %eq3A_216 = arith.constant 0 : i32
        %eq3A_217 = arith.cmpi eq, %arg0, %eq3A_216 : i32
        %convert_element_type3A_218 = arith.extui %eq3A_217 : i1 to i32
        %cond3A_219 = arith.constant 0 : i32
        %cond3A_220 = arith.cmpi ne, %convert_element_type3A_218, %cond3A_219 : i32
        scf.if %cond3A_220 {
          %dma_start3A = arith.constant 0 : i32
          %dma_start3A_226 = tpu.memref_slice %arg8[%add3A_215, %dma_start3A] : memref<160x125xi32, #tpu.memory_space<vmem>> -> memref<1x125xi32, #tpu.memory_space<vmem>>
          %dma_start3A_227 = tpu.memref_squeeze %dma_start3A_226 : memref<1x125xi32, #tpu.memory_space<vmem>> -> memref<125xi32, #tpu.memory_space<vmem>>
          %dma_start3A_228 = arith.constant 0 : i32
          %dma_start3A_229 = arith.constant 0 : i32
          %dma_start3A_230 = tpu.memref_slice %arg2[%dma_start3A_228, %dma_start3A_229] : memref<10000x64xbf16, #tpu.memory_space<hbm>> -> memref<10000x64xbf16, #tpu.memory_space<hbm>>
          tpu.enqueue_indirect_dma source(%dma_start3A_230 : memref<10000x64xbf16, #tpu.memory_space<hbm>>) target(%arg12 : memref<125x64xbf16, #tpu.memory_space<vmem>>) offsets(%dma_start3A_227 : memref<125xi32, #tpu.memory_space<vmem>>) semaphore(%arg20 : memref<!tpu.dma_semaphore, #tpu.memory_space<semaphore_mem>>)
        } else {
        }
        %eq3A_221 = arith.constant 1 : i32
        %eq3A_222 = arith.cmpi eq, %arg0, %eq3A_221 : i32
        %convert_element_type3A_223 = arith.extui %eq3A_222 : i1 to i32
        %cond3A_224 = arith.constant 0 : i32
        %cond3A_225 = arith.cmpi ne, %convert_element_type3A_223, %cond3A_224 : i32
        scf.if %cond3A_225 {
          %dma_start3A = arith.constant 0 : i32
          %dma_start3A_226 = tpu.memref_slice %arg8[%add3A_215, %dma_start3A] : memref<160x125xi32, #tpu.memory_space<vmem>> -> memref<1x125xi32, #tpu.memory_space<vmem>>
          %dma_start3A_227 = tpu.memref_squeeze %dma_start3A_226 : memref<1x125xi32, #tpu.memory_space<vmem>> -> memref<125xi32, #tpu.memory_space<vmem>>
          %dma_start3A_228 = arith.constant 0 : i32
          %dma_start3A_229 = arith.constant 0 : i32
          %dma_start3A_230 = tpu.memref_slice %arg3[%dma_start3A_228, %dma_start3A_229] : memref<10000x64xbf16, #tpu.memory_space<hbm>> -> memref<10000x64xbf16, #tpu.memory_space<hbm>>
          tpu.enqueue_indirect_dma source(%dma_start3A_230 : memref<10000x64xbf16, #tpu.memory_space<hbm>>) target(%arg12 : memref<125x64xbf16, #tpu.memory_space<vmem>>) offsets(%dma_start3A_227 : memref<125xi32, #tpu.memory_space<vmem>>) semaphore(%arg20 : memref<!tpu.dma_semaphore, #tpu.memory_space<semaphore_mem>>)
        } else {
        }
      } else {
      }
      %dma_wait3A_140 = arith.constant 0 : i32
      %dma_wait3A_141 = tpu.memref_slice %arg8[%add3A_132, %dma_wait3A_140] : memref<160x125xi32, #tpu.memory_space<vmem>> -> memref<1x125xi32, #tpu.memory_space<vmem>>
      %dma_wait3A_142 = tpu.memref_squeeze %dma_wait3A_141 : memref<1x125xi32, #tpu.memory_space<vmem>> -> memref<125xi32, #tpu.memory_space<vmem>>
      %dma_wait3A_143 = arith.constant 0 : i32
      %dma_wait3A_144 = arith.constant 0 : i32
      %dma_wait3A_145 = tpu.memref_slice %arg2[%dma_wait3A_143, %dma_wait3A_144] : memref<10000x64xbf16, #tpu.memory_space<hbm>> -> memref<10000x64xbf16, #tpu.memory_space<hbm>>
      tpu.wait_indirect_dma semaphore(%arg21 : memref<!tpu.dma_semaphore, #tpu.memory_space<semaphore_mem>>) src(%dma_wait3A_145 : memref<10000x64xbf16, #tpu.memory_space<hbm>>) dst(%arg13 : memref<125x64xbf16, #tpu.memory_space<vmem>>)
      "tpu.region"() ({
        %run_scoped3A = tpu.sem_alloc : memref<!tpu.dma_semaphore, #tpu.memory_space<semaphore_mem>>
        %dma_start3A = arith.constant 0 : i32
        %dma_start3A_214 = tpu.memref_slice %arg9[%add3A_132, %dma_start3A] : memref<160x125xi32, #tpu.memory_space<vmem>> -> memref<1x125xi32, #tpu.memory_space<vmem>>
        %dma_start3A_215 = tpu.memref_squeeze %dma_start3A_214 : memref<1x125xi32, #tpu.memory_space<vmem>> -> memref<125xi32, #tpu.memory_space<vmem>>
        %dma_start3A_216 = arith.constant 0 : i32
        %dma_start3A_217 = arith.constant 0 : i32
        %dma_start3A_218 = tpu.memref_slice %arg26[%dma_start3A_216, %dma_start3A_217] : memref<10112x64xbf16, #tpu.memory_space<vmem_shared>> -> memref<10112x64xbf16, #tpu.memory_space<vmem_shared>>
        tpu.enqueue_indirect_dma source(%arg13 : memref<125x64xbf16, #tpu.memory_space<vmem>>) target(%dma_start3A_218 : memref<10112x64xbf16, #tpu.memory_space<vmem_shared>>) offsets(%dma_start3A_215 : memref<125xi32, #tpu.memory_space<vmem>>) semaphore(%run_scoped3A : memref<!tpu.dma_semaphore, #tpu.memory_space<semaphore_mem>>) {add = true}
        %dma_wait3A_219 = arith.constant 0 : i32
        %dma_wait3A_220 = tpu.memref_slice %arg9[%add3A_132, %dma_wait3A_219] : memref<160x125xi32, #tpu.memory_space<vmem>> -> memref<1x125xi32, #tpu.memory_space<vmem>>
        %dma_wait3A_221 = tpu.memref_squeeze %dma_wait3A_220 : memref<1x125xi32, #tpu.memory_space<vmem>> -> memref<125xi32, #tpu.memory_space<vmem>>
        %dma_wait3A_222 = arith.constant 0 : i32
        %dma_wait3A_223 = arith.constant 0 : i32
        %dma_wait3A_224 = tpu.memref_slice %arg26[%dma_wait3A_222, %dma_wait3A_223] : memref<10112x64xbf16, #tpu.memory_space<vmem_shared>> -> memref<10112x64xbf16, #tpu.memory_space<vmem_shared>>
        tpu.wait_indirect_dma semaphore(%run_scoped3A : memref<!tpu.dma_semaphore, #tpu.memory_space<semaphore_mem>>) src(%arg13 : memref<125x64xbf16, #tpu.memory_space<vmem>>) dst(%dma_wait3A_224 : memref<10112x64xbf16, #tpu.memory_space<vmem_shared>>)
        tpu.yield
      }) : () -> ()
      %mul3A_146 = arith.constant 8 : i32
      %mul3A_147 = arith.muli %scan3A_80, %mul3A_146 : i32
      %add3A_148 = arith.constant 4 : i32
      %add3A_149 = arith.addi %mul3A_147, %add3A_148 : i32
      %add3A_150 = arith.constant 7 : i32
      %add3A_151 = arith.addi %add3A_149, %add3A_150 : i32
      %lt3A_152 = arith.constant 160 : i32
      %lt3A_153 = arith.cmpi slt, %add3A_151, %lt3A_152 : i32
      %convert_element_type3A_154 = arith.extui %lt3A_153 : i1 to i32
      %cond3A_155 = arith.constant 0 : i32
      %cond3A_156 = arith.cmpi ne, %convert_element_type3A_154, %cond3A_155 : i32
      scf.if %cond3A_156 {
        %add3A_214 = arith.constant 7 : i32
        %add3A_215 = arith.addi %add3A_149, %add3A_214 : i32
        %eq3A_216 = arith.constant 0 : i32
        %eq3A_217 = arith.cmpi eq, %arg0, %eq3A_216 : i32
        %convert_element_type3A_218 = arith.extui %eq3A_217 : i1 to i32
        %cond3A_219 = arith.constant 0 : i32
        %cond3A_220 = arith.cmpi ne, %convert_element_type3A_218, %cond3A_219 : i32
        scf.if %cond3A_220 {
          %dma_start3A = arith.constant 0 : i32
          %dma_start3A_226 = tpu.memref_slice %arg8[%add3A_215, %dma_start3A] : memref<160x125xi32, #tpu.memory_space<vmem>> -> memref<1x125xi32, #tpu.memory_space<vmem>>
          %dma_start3A_227 = tpu.memref_squeeze %dma_start3A_226 : memref<1x125xi32, #tpu.memory_space<vmem>> -> memref<125xi32, #tpu.memory_space<vmem>>
          %dma_start3A_228 = arith.constant 0 : i32
          %dma_start3A_229 = arith.constant 0 : i32
          %dma_start3A_230 = tpu.memref_slice %arg2[%dma_start3A_228, %dma_start3A_229] : memref<10000x64xbf16, #tpu.memory_space<hbm>> -> memref<10000x64xbf16, #tpu.memory_space<hbm>>
          tpu.enqueue_indirect_dma source(%dma_start3A_230 : memref<10000x64xbf16, #tpu.memory_space<hbm>>) target(%arg13 : memref<125x64xbf16, #tpu.memory_space<vmem>>) offsets(%dma_start3A_227 : memref<125xi32, #tpu.memory_space<vmem>>) semaphore(%arg21 : memref<!tpu.dma_semaphore, #tpu.memory_space<semaphore_mem>>)
        } else {
        }
        %eq3A_221 = arith.constant 1 : i32
        %eq3A_222 = arith.cmpi eq, %arg0, %eq3A_221 : i32
        %convert_element_type3A_223 = arith.extui %eq3A_222 : i1 to i32
        %cond3A_224 = arith.constant 0 : i32
        %cond3A_225 = arith.cmpi ne, %convert_element_type3A_223, %cond3A_224 : i32
        scf.if %cond3A_225 {
          %dma_start3A = arith.constant 0 : i32
          %dma_start3A_226 = tpu.memref_slice %arg8[%add3A_215, %dma_start3A] : memref<160x125xi32, #tpu.memory_space<vmem>> -> memref<1x125xi32, #tpu.memory_space<vmem>>
          %dma_start3A_227 = tpu.memref_squeeze %dma_start3A_226 : memref<1x125xi32, #tpu.memory_space<vmem>> -> memref<125xi32, #tpu.memory_space<vmem>>
          %dma_start3A_228 = arith.constant 0 : i32
          %dma_start3A_229 = arith.constant 0 : i32
          %dma_start3A_230 = tpu.memref_slice %arg3[%dma_start3A_228, %dma_start3A_229] : memref<10000x64xbf16, #tpu.memory_space<hbm>> -> memref<10000x64xbf16, #tpu.memory_space<hbm>>
          tpu.enqueue_indirect_dma source(%dma_start3A_230 : memref<10000x64xbf16, #tpu.memory_space<hbm>>) target(%arg13 : memref<125x64xbf16, #tpu.memory_space<vmem>>) offsets(%dma_start3A_227 : memref<125xi32, #tpu.memory_space<vmem>>) semaphore(%arg21 : memref<!tpu.dma_semaphore, #tpu.memory_space<semaphore_mem>>)
        } else {
        }
      } else {
      }
      %dma_wait3A_157 = arith.constant 0 : i32
      %dma_wait3A_158 = tpu.memref_slice %arg8[%add3A_149, %dma_wait3A_157] : memref<160x125xi32, #tpu.memory_space<vmem>> -> memref<1x125xi32, #tpu.memory_space<vmem>>
      %dma_wait3A_159 = tpu.memref_squeeze %dma_wait3A_158 : memref<1x125xi32, #tpu.memory_space<vmem>> -> memref<125xi32, #tpu.memory_space<vmem>>
      %dma_wait3A_160 = arith.constant 0 : i32
      %dma_wait3A_161 = arith.constant 0 : i32
      %dma_wait3A_162 = tpu.memref_slice %arg2[%dma_wait3A_160, %dma_wait3A_161] : memref<10000x64xbf16, #tpu.memory_space<hbm>> -> memref<10000x64xbf16, #tpu.memory_space<hbm>>
      tpu.wait_indirect_dma semaphore(%arg22 : memref<!tpu.dma_semaphore, #tpu.memory_space<semaphore_mem>>) src(%dma_wait3A_162 : memref<10000x64xbf16, #tpu.memory_space<hbm>>) dst(%arg14 : memref<125x64xbf16, #tpu.memory_space<vmem>>)
      "tpu.region"() ({
        %run_scoped3A = tpu.sem_alloc : memref<!tpu.dma_semaphore, #tpu.memory_space<semaphore_mem>>
        %dma_start3A = arith.constant 0 : i32
        %dma_start3A_214 = tpu.memref_slice %arg9[%add3A_149, %dma_start3A] : memref<160x125xi32, #tpu.memory_space<vmem>> -> memref<1x125xi32, #tpu.memory_space<vmem>>
        %dma_start3A_215 = tpu.memref_squeeze %dma_start3A_214 : memref<1x125xi32, #tpu.memory_space<vmem>> -> memref<125xi32, #tpu.memory_space<vmem>>
        %dma_start3A_216 = arith.constant 0 : i32
        %dma_start3A_217 = arith.constant 0 : i32
        %dma_start3A_218 = tpu.memref_slice %arg26[%dma_start3A_216, %dma_start3A_217] : memref<10112x64xbf16, #tpu.memory_space<vmem_shared>> -> memref<10112x64xbf16, #tpu.memory_space<vmem_shared>>
        tpu.enqueue_indirect_dma source(%arg14 : memref<125x64xbf16, #tpu.memory_space<vmem>>) target(%dma_start3A_218 : memref<10112x64xbf16, #tpu.memory_space<vmem_shared>>) offsets(%dma_start3A_215 : memref<125xi32, #tpu.memory_space<vmem>>) semaphore(%run_scoped3A : memref<!tpu.dma_semaphore, #tpu.memory_space<semaphore_mem>>) {add = true}
        %dma_wait3A_219 = arith.constant 0 : i32
        %dma_wait3A_220 = tpu.memref_slice %arg9[%add3A_149, %dma_wait3A_219] : memref<160x125xi32, #tpu.memory_space<vmem>> -> memref<1x125xi32, #tpu.memory_space<vmem>>
        %dma_wait3A_221 = tpu.memref_squeeze %dma_wait3A_220 : memref<1x125xi32, #tpu.memory_space<vmem>> -> memref<125xi32, #tpu.memory_space<vmem>>
        %dma_wait3A_222 = arith.constant 0 : i32
        %dma_wait3A_223 = arith.constant 0 : i32
        %dma_wait3A_224 = tpu.memref_slice %arg26[%dma_wait3A_222, %dma_wait3A_223] : memref<10112x64xbf16, #tpu.memory_space<vmem_shared>> -> memref<10112x64xbf16, #tpu.memory_space<vmem_shared>>
        tpu.wait_indirect_dma semaphore(%run_scoped3A : memref<!tpu.dma_semaphore, #tpu.memory_space<semaphore_mem>>) src(%arg14 : memref<125x64xbf16, #tpu.memory_space<vmem>>) dst(%dma_wait3A_224 : memref<10112x64xbf16, #tpu.memory_space<vmem_shared>>)
        tpu.yield
      }) : () -> ()
      %mul3A_163 = arith.constant 8 : i32
      %mul3A_164 = arith.muli %scan3A_80, %mul3A_163 : i32
      %add3A_165 = arith.constant 5 : i32
      %add3A_166 = arith.addi %mul3A_164, %add3A_165 : i32
      %add3A_167 = arith.constant 7 : i32
      %add3A_168 = arith.addi %add3A_166, %add3A_167 : i32
      %lt3A_169 = arith.constant 160 : i32
      %lt3A_170 = arith.cmpi slt, %add3A_168, %lt3A_169 : i32
      %convert_element_type3A_171 = arith.extui %lt3A_170 : i1 to i32
      %cond3A_172 = arith.constant 0 : i32
      %cond3A_173 = arith.cmpi ne, %convert_element_type3A_171, %cond3A_172 : i32
      scf.if %cond3A_173 {
        %add3A_214 = arith.constant 7 : i32
        %add3A_215 = arith.addi %add3A_166, %add3A_214 : i32
        %eq3A_216 = arith.constant 0 : i32
        %eq3A_217 = arith.cmpi eq, %arg0, %eq3A_216 : i32
        %convert_element_type3A_218 = arith.extui %eq3A_217 : i1 to i32
        %cond3A_219 = arith.constant 0 : i32
        %cond3A_220 = arith.cmpi ne, %convert_element_type3A_218, %cond3A_219 : i32
        scf.if %cond3A_220 {
          %dma_start3A = arith.constant 0 : i32
          %dma_start3A_226 = tpu.memref_slice %arg8[%add3A_215, %dma_start3A] : memref<160x125xi32, #tpu.memory_space<vmem>> -> memref<1x125xi32, #tpu.memory_space<vmem>>
          %dma_start3A_227 = tpu.memref_squeeze %dma_start3A_226 : memref<1x125xi32, #tpu.memory_space<vmem>> -> memref<125xi32, #tpu.memory_space<vmem>>
          %dma_start3A_228 = arith.constant 0 : i32
          %dma_start3A_229 = arith.constant 0 : i32
          %dma_start3A_230 = tpu.memref_slice %arg2[%dma_start3A_228, %dma_start3A_229] : memref<10000x64xbf16, #tpu.memory_space<hbm>> -> memref<10000x64xbf16, #tpu.memory_space<hbm>>
          tpu.enqueue_indirect_dma source(%dma_start3A_230 : memref<10000x64xbf16, #tpu.memory_space<hbm>>) target(%arg14 : memref<125x64xbf16, #tpu.memory_space<vmem>>) offsets(%dma_start3A_227 : memref<125xi32, #tpu.memory_space<vmem>>) semaphore(%arg22 : memref<!tpu.dma_semaphore, #tpu.memory_space<semaphore_mem>>)
        } else {
        }
        %eq3A_221 = arith.constant 1 : i32
        %eq3A_222 = arith.cmpi eq, %arg0, %eq3A_221 : i32
        %convert_element_type3A_223 = arith.extui %eq3A_222 : i1 to i32
        %cond3A_224 = arith.constant 0 : i32
        %cond3A_225 = arith.cmpi ne, %convert_element_type3A_223, %cond3A_224 : i32
        scf.if %cond3A_225 {
          %dma_start3A = arith.constant 0 : i32
          %dma_start3A_226 = tpu.memref_slice %arg8[%add3A_215, %dma_start3A] : memref<160x125xi32, #tpu.memory_space<vmem>> -> memref<1x125xi32, #tpu.memory_space<vmem>>
          %dma_start3A_227 = tpu.memref_squeeze %dma_start3A_226 : memref<1x125xi32, #tpu.memory_space<vmem>> -> memref<125xi32, #tpu.memory_space<vmem>>
          %dma_start3A_228 = arith.constant 0 : i32
          %dma_start3A_229 = arith.constant 0 : i32
          %dma_start3A_230 = tpu.memref_slice %arg3[%dma_start3A_228, %dma_start3A_229] : memref<10000x64xbf16, #tpu.memory_space<hbm>> -> memref<10000x64xbf16, #tpu.memory_space<hbm>>
          tpu.enqueue_indirect_dma source(%dma_start3A_230 : memref<10000x64xbf16, #tpu.memory_space<hbm>>) target(%arg14 : memref<125x64xbf16, #tpu.memory_space<vmem>>) offsets(%dma_start3A_227 : memref<125xi32, #tpu.memory_space<vmem>>) semaphore(%arg22 : memref<!tpu.dma_semaphore, #tpu.memory_space<semaphore_mem>>)
        } else {
        }
      } else {
      }
      %dma_wait3A_174 = arith.constant 0 : i32
      %dma_wait3A_175 = tpu.memref_slice %arg8[%add3A_166, %dma_wait3A_174] : memref<160x125xi32, #tpu.memory_space<vmem>> -> memref<1x125xi32, #tpu.memory_space<vmem>>
      %dma_wait3A_176 = tpu.memref_squeeze %dma_wait3A_175 : memref<1x125xi32, #tpu.memory_space<vmem>> -> memref<125xi32, #tpu.memory_space<vmem>>
      %dma_wait3A_177 = arith.constant 0 : i32
      %dma_wait3A_178 = arith.constant 0 : i32
      %dma_wait3A_179 = tpu.memref_slice %arg2[%dma_wait3A_177, %dma_wait3A_178] : memref<10000x64xbf16, #tpu.memory_space<hbm>> -> memref<10000x64xbf16, #tpu.memory_space<hbm>>
      tpu.wait_indirect_dma semaphore(%arg23 : memref<!tpu.dma_semaphore, #tpu.memory_space<semaphore_mem>>) src(%dma_wait3A_179 : memref<10000x64xbf16, #tpu.memory_space<hbm>>) dst(%arg15 : memref<125x64xbf16, #tpu.memory_space<vmem>>)
      "tpu.region"() ({
        %run_scoped3A = tpu.sem_alloc : memref<!tpu.dma_semaphore, #tpu.memory_space<semaphore_mem>>
        %dma_start3A = arith.constant 0 : i32
        %dma_start3A_214 = tpu.memref_slice %arg9[%add3A_166, %dma_start3A] : memref<160x125xi32, #tpu.memory_space<vmem>> -> memref<1x125xi32, #tpu.memory_space<vmem>>
        %dma_start3A_215 = tpu.memref_squeeze %dma_start3A_214 : memref<1x125xi32, #tpu.memory_space<vmem>> -> memref<125xi32, #tpu.memory_space<vmem>>
        %dma_start3A_216 = arith.constant 0 : i32
        %dma_start3A_217 = arith.constant 0 : i32
        %dma_start3A_218 = tpu.memref_slice %arg26[%dma_start3A_216, %dma_start3A_217] : memref<10112x64xbf16, #tpu.memory_space<vmem_shared>> -> memref<10112x64xbf16, #tpu.memory_space<vmem_shared>>
        tpu.enqueue_indirect_dma source(%arg15 : memref<125x64xbf16, #tpu.memory_space<vmem>>) target(%dma_start3A_218 : memref<10112x64xbf16, #tpu.memory_space<vmem_shared>>) offsets(%dma_start3A_215 : memref<125xi32, #tpu.memory_space<vmem>>) semaphore(%run_scoped3A : memref<!tpu.dma_semaphore, #tpu.memory_space<semaphore_mem>>) {add = true}
        %dma_wait3A_219 = arith.constant 0 : i32
        %dma_wait3A_220 = tpu.memref_slice %arg9[%add3A_166, %dma_wait3A_219] : memref<160x125xi32, #tpu.memory_space<vmem>> -> memref<1x125xi32, #tpu.memory_space<vmem>>
        %dma_wait3A_221 = tpu.memref_squeeze %dma_wait3A_220 : memref<1x125xi32, #tpu.memory_space<vmem>> -> memref<125xi32, #tpu.memory_space<vmem>>
        %dma_wait3A_222 = arith.constant 0 : i32
        %dma_wait3A_223 = arith.constant 0 : i32
        %dma_wait3A_224 = tpu.memref_slice %arg26[%dma_wait3A_222, %dma_wait3A_223] : memref<10112x64xbf16, #tpu.memory_space<vmem_shared>> -> memref<10112x64xbf16, #tpu.memory_space<vmem_shared>>
        tpu.wait_indirect_dma semaphore(%run_scoped3A : memref<!tpu.dma_semaphore, #tpu.memory_space<semaphore_mem>>) src(%arg15 : memref<125x64xbf16, #tpu.memory_space<vmem>>) dst(%dma_wait3A_224 : memref<10112x64xbf16, #tpu.memory_space<vmem_shared>>)
        tpu.yield
      }) : () -> ()
      %mul3A_180 = arith.constant 8 : i32
      %mul3A_181 = arith.muli %scan3A_80, %mul3A_180 : i32
      %add3A_182 = arith.constant 6 : i32
      %add3A_183 = arith.addi %mul3A_181, %add3A_182 : i32
      %add3A_184 = arith.constant 7 : i32
      %add3A_185 = arith.addi %add3A_183, %add3A_184 : i32
      %lt3A_186 = arith.constant 160 : i32
      %lt3A_187 = arith.cmpi slt, %add3A_185, %lt3A_186 : i32
      %convert_element_type3A_188 = arith.extui %lt3A_187 : i1 to i32
      %cond3A_189 = arith.constant 0 : i32
      %cond3A_190 = arith.cmpi ne, %convert_element_type3A_188, %cond3A_189 : i32
      scf.if %cond3A_190 {
        %add3A_214 = arith.constant 7 : i32
        %add3A_215 = arith.addi %add3A_183, %add3A_214 : i32
        %eq3A_216 = arith.constant 0 : i32
        %eq3A_217 = arith.cmpi eq, %arg0, %eq3A_216 : i32
        %convert_element_type3A_218 = arith.extui %eq3A_217 : i1 to i32
        %cond3A_219 = arith.constant 0 : i32
        %cond3A_220 = arith.cmpi ne, %convert_element_type3A_218, %cond3A_219 : i32
        scf.if %cond3A_220 {
          %dma_start3A = arith.constant 0 : i32
          %dma_start3A_226 = tpu.memref_slice %arg8[%add3A_215, %dma_start3A] : memref<160x125xi32, #tpu.memory_space<vmem>> -> memref<1x125xi32, #tpu.memory_space<vmem>>
          %dma_start3A_227 = tpu.memref_squeeze %dma_start3A_226 : memref<1x125xi32, #tpu.memory_space<vmem>> -> memref<125xi32, #tpu.memory_space<vmem>>
          %dma_start3A_228 = arith.constant 0 : i32
          %dma_start3A_229 = arith.constant 0 : i32
          %dma_start3A_230 = tpu.memref_slice %arg2[%dma_start3A_228, %dma_start3A_229] : memref<10000x64xbf16, #tpu.memory_space<hbm>> -> memref<10000x64xbf16, #tpu.memory_space<hbm>>
          tpu.enqueue_indirect_dma source(%dma_start3A_230 : memref<10000x64xbf16, #tpu.memory_space<hbm>>) target(%arg15 : memref<125x64xbf16, #tpu.memory_space<vmem>>) offsets(%dma_start3A_227 : memref<125xi32, #tpu.memory_space<vmem>>) semaphore(%arg23 : memref<!tpu.dma_semaphore, #tpu.memory_space<semaphore_mem>>)
        } else {
        }
        %eq3A_221 = arith.constant 1 : i32
        %eq3A_222 = arith.cmpi eq, %arg0, %eq3A_221 : i32
        %convert_element_type3A_223 = arith.extui %eq3A_222 : i1 to i32
        %cond3A_224 = arith.constant 0 : i32
        %cond3A_225 = arith.cmpi ne, %convert_element_type3A_223, %cond3A_224 : i32
        scf.if %cond3A_225 {
          %dma_start3A = arith.constant 0 : i32
          %dma_start3A_226 = tpu.memref_slice %arg8[%add3A_215, %dma_start3A] : memref<160x125xi32, #tpu.memory_space<vmem>> -> memref<1x125xi32, #tpu.memory_space<vmem>>
          %dma_start3A_227 = tpu.memref_squeeze %dma_start3A_226 : memref<1x125xi32, #tpu.memory_space<vmem>> -> memref<125xi32, #tpu.memory_space<vmem>>
          %dma_start3A_228 = arith.constant 0 : i32
          %dma_start3A_229 = arith.constant 0 : i32
          %dma_start3A_230 = tpu.memref_slice %arg3[%dma_start3A_228, %dma_start3A_229] : memref<10000x64xbf16, #tpu.memory_space<hbm>> -> memref<10000x64xbf16, #tpu.memory_space<hbm>>
          tpu.enqueue_indirect_dma source(%dma_start3A_230 : memref<10000x64xbf16, #tpu.memory_space<hbm>>) target(%arg15 : memref<125x64xbf16, #tpu.memory_space<vmem>>) offsets(%dma_start3A_227 : memref<125xi32, #tpu.memory_space<vmem>>) semaphore(%arg23 : memref<!tpu.dma_semaphore, #tpu.memory_space<semaphore_mem>>)
        } else {
        }
      } else {
      }
      %dma_wait3A_191 = arith.constant 0 : i32
      %dma_wait3A_192 = tpu.memref_slice %arg8[%add3A_183, %dma_wait3A_191] : memref<160x125xi32, #tpu.memory_space<vmem>> -> memref<1x125xi32, #tpu.memory_space<vmem>>
      %dma_wait3A_193 = tpu.memref_squeeze %dma_wait3A_192 : memref<1x125xi32, #tpu.memory_space<vmem>> -> memref<125xi32, #tpu.memory_space<vmem>>
      %dma_wait3A_194 = arith.constant 0 : i32
      %dma_wait3A_195 = arith.constant 0 : i32
      %dma_wait3A_196 = tpu.memref_slice %arg2[%dma_wait3A_194, %dma_wait3A_195] : memref<10000x64xbf16, #tpu.memory_space<hbm>> -> memref<10000x64xbf16, #tpu.memory_space<hbm>>
      tpu.wait_indirect_dma semaphore(%arg24 : memref<!tpu.dma_semaphore, #tpu.memory_space<semaphore_mem>>) src(%dma_wait3A_196 : memref<10000x64xbf16, #tpu.memory_space<hbm>>) dst(%arg16 : memref<125x64xbf16, #tpu.memory_space<vmem>>)
      "tpu.region"() ({
        %run_scoped3A = tpu.sem_alloc : memref<!tpu.dma_semaphore, #tpu.memory_space<semaphore_mem>>
        %dma_start3A = arith.constant 0 : i32
        %dma_start3A_214 = tpu.memref_slice %arg9[%add3A_183, %dma_start3A] : memref<160x125xi32, #tpu.memory_space<vmem>> -> memref<1x125xi32, #tpu.memory_space<vmem>>
        %dma_start3A_215 = tpu.memref_squeeze %dma_start3A_214 : memref<1x125xi32, #tpu.memory_space<vmem>> -> memref<125xi32, #tpu.memory_space<vmem>>
        %dma_start3A_216 = arith.constant 0 : i32
        %dma_start3A_217 = arith.constant 0 : i32
        %dma_start3A_218 = tpu.memref_slice %arg26[%dma_start3A_216, %dma_start3A_217] : memref<10112x64xbf16, #tpu.memory_space<vmem_shared>> -> memref<10112x64xbf16, #tpu.memory_space<vmem_shared>>
        tpu.enqueue_indirect_dma source(%arg16 : memref<125x64xbf16, #tpu.memory_space<vmem>>) target(%dma_start3A_218 : memref<10112x64xbf16, #tpu.memory_space<vmem_shared>>) offsets(%dma_start3A_215 : memref<125xi32, #tpu.memory_space<vmem>>) semaphore(%run_scoped3A : memref<!tpu.dma_semaphore, #tpu.memory_space<semaphore_mem>>) {add = true}
        %dma_wait3A_219 = arith.constant 0 : i32
        %dma_wait3A_220 = tpu.memref_slice %arg9[%add3A_183, %dma_wait3A_219] : memref<160x125xi32, #tpu.memory_space<vmem>> -> memref<1x125xi32, #tpu.memory_space<vmem>>
        %dma_wait3A_221 = tpu.memref_squeeze %dma_wait3A_220 : memref<1x125xi32, #tpu.memory_space<vmem>> -> memref<125xi32, #tpu.memory_space<vmem>>
        %dma_wait3A_222 = arith.constant 0 : i32
        %dma_wait3A_223 = arith.constant 0 : i32
        %dma_wait3A_224 = tpu.memref_slice %arg26[%dma_wait3A_222, %dma_wait3A_223] : memref<10112x64xbf16, #tpu.memory_space<vmem_shared>> -> memref<10112x64xbf16, #tpu.memory_space<vmem_shared>>
        tpu.wait_indirect_dma semaphore(%run_scoped3A : memref<!tpu.dma_semaphore, #tpu.memory_space<semaphore_mem>>) src(%arg16 : memref<125x64xbf16, #tpu.memory_space<vmem>>) dst(%dma_wait3A_224 : memref<10112x64xbf16, #tpu.memory_space<vmem_shared>>)
        tpu.yield
      }) : () -> ()
      %mul3A_197 = arith.constant 8 : i32
      %mul3A_198 = arith.muli %scan3A_80, %mul3A_197 : i32
      %add3A_199 = arith.constant 7 : i32
      %add3A_200 = arith.addi %mul3A_198, %add3A_199 : i32
      %add3A_201 = arith.constant 7 : i32
      %add3A_202 = arith.addi %add3A_200, %add3A_201 : i32
      %lt3A_203 = arith.constant 160 : i32
      %lt3A_204 = arith.cmpi slt, %add3A_202, %lt3A_203 : i32
      %convert_element_type3A_205 = arith.extui %lt3A_204 : i1 to i32
      %cond3A_206 = arith.constant 0 : i32
      %cond3A_207 = arith.cmpi ne, %convert_element_type3A_205, %cond3A_206 : i32
      scf.if %cond3A_207 {
        %add3A_214 = arith.constant 7 : i32
        %add3A_215 = arith.addi %add3A_200, %add3A_214 : i32
        %eq3A_216 = arith.constant 0 : i32
        %eq3A_217 = arith.cmpi eq, %arg0, %eq3A_216 : i32
        %convert_element_type3A_218 = arith.extui %eq3A_217 : i1 to i32
        %cond3A_219 = arith.constant 0 : i32
        %cond3A_220 = arith.cmpi ne, %convert_element_type3A_218, %cond3A_219 : i32
        scf.if %cond3A_220 {
          %dma_start3A = arith.constant 0 : i32
          %dma_start3A_226 = tpu.memref_slice %arg8[%add3A_215, %dma_start3A] : memref<160x125xi32, #tpu.memory_space<vmem>> -> memref<1x125xi32, #tpu.memory_space<vmem>>
          %dma_start3A_227 = tpu.memref_squeeze %dma_start3A_226 : memref<1x125xi32, #tpu.memory_space<vmem>> -> memref<125xi32, #tpu.memory_space<vmem>>
          %dma_start3A_228 = arith.constant 0 : i32
          %dma_start3A_229 = arith.constant 0 : i32
          %dma_start3A_230 = tpu.memref_slice %arg2[%dma_start3A_228, %dma_start3A_229] : memref<10000x64xbf16, #tpu.memory_space<hbm>> -> memref<10000x64xbf16, #tpu.memory_space<hbm>>
          tpu.enqueue_indirect_dma source(%dma_start3A_230 : memref<10000x64xbf16, #tpu.memory_space<hbm>>) target(%arg16 : memref<125x64xbf16, #tpu.memory_space<vmem>>) offsets(%dma_start3A_227 : memref<125xi32, #tpu.memory_space<vmem>>) semaphore(%arg24 : memref<!tpu.dma_semaphore, #tpu.memory_space<semaphore_mem>>)
        } else {
        }
        %eq3A_221 = arith.constant 1 : i32
        %eq3A_222 = arith.cmpi eq, %arg0, %eq3A_221 : i32
        %convert_element_type3A_223 = arith.extui %eq3A_222 : i1 to i32
        %cond3A_224 = arith.constant 0 : i32
        %cond3A_225 = arith.cmpi ne, %convert_element_type3A_223, %cond3A_224 : i32
        scf.if %cond3A_225 {
          %dma_start3A = arith.constant 0 : i32
          %dma_start3A_226 = tpu.memref_slice %arg8[%add3A_215, %dma_start3A] : memref<160x125xi32, #tpu.memory_space<vmem>> -> memref<1x125xi32, #tpu.memory_space<vmem>>
          %dma_start3A_227 = tpu.memref_squeeze %dma_start3A_226 : memref<1x125xi32, #tpu.memory_space<vmem>> -> memref<125xi32, #tpu.memory_space<vmem>>
          %dma_start3A_228 = arith.constant 0 : i32
          %dma_start3A_229 = arith.constant 0 : i32
          %dma_start3A_230 = tpu.memref_slice %arg3[%dma_start3A_228, %dma_start3A_229] : memref<10000x64xbf16, #tpu.memory_space<hbm>> -> memref<10000x64xbf16, #tpu.memory_space<hbm>>
          tpu.enqueue_indirect_dma source(%dma_start3A_230 : memref<10000x64xbf16, #tpu.memory_space<hbm>>) target(%arg16 : memref<125x64xbf16, #tpu.memory_space<vmem>>) offsets(%dma_start3A_227 : memref<125xi32, #tpu.memory_space<vmem>>) semaphore(%arg24 : memref<!tpu.dma_semaphore, #tpu.memory_space<semaphore_mem>>)
        } else {
        }
      } else {
      }
      %dma_wait3A_208 = arith.constant 0 : i32
      %dma_wait3A_209 = tpu.memref_slice %arg8[%add3A_200, %dma_wait3A_208] : memref<160x125xi32, #tpu.memory_space<vmem>> -> memref<1x125xi32, #tpu.memory_space<vmem>>
      %dma_wait3A_210 = tpu.memref_squeeze %dma_wait3A_209 : memref<1x125xi32, #tpu.memory_space<vmem>> -> memref<125xi32, #tpu.memory_space<vmem>>
      %dma_wait3A_211 = arith.constant 0 : i32
      %dma_wait3A_212 = arith.constant 0 : i32
      %dma_wait3A_213 = tpu.memref_slice %arg2[%dma_wait3A_211, %dma_wait3A_212] : memref<10000x64xbf16, #tpu.memory_space<hbm>> -> memref<10000x64xbf16, #tpu.memory_space<hbm>>
      tpu.wait_indirect_dma semaphore(%arg25 : memref<!tpu.dma_semaphore, #tpu.memory_space<semaphore_mem>>) src(%dma_wait3A_213 : memref<10000x64xbf16, #tpu.memory_space<hbm>>) dst(%arg17 : memref<125x64xbf16, #tpu.memory_space<vmem>>)
      "tpu.region"() ({
        %run_scoped3A = tpu.sem_alloc : memref<!tpu.dma_semaphore, #tpu.memory_space<semaphore_mem>>
        %dma_start3A = arith.constant 0 : i32
        %dma_start3A_214 = tpu.memref_slice %arg9[%add3A_200, %dma_start3A] : memref<160x125xi32, #tpu.memory_space<vmem>> -> memref<1x125xi32, #tpu.memory_space<vmem>>
        %dma_start3A_215 = tpu.memref_squeeze %dma_start3A_214 : memref<1x125xi32, #tpu.memory_space<vmem>> -> memref<125xi32, #tpu.memory_space<vmem>>
        %dma_start3A_216 = arith.constant 0 : i32
        %dma_start3A_217 = arith.constant 0 : i32
        %dma_start3A_218 = tpu.memref_slice %arg26[%dma_start3A_216, %dma_start3A_217] : memref<10112x64xbf16, #tpu.memory_space<vmem_shared>> -> memref<10112x64xbf16, #tpu.memory_space<vmem_shared>>
        tpu.enqueue_indirect_dma source(%arg17 : memref<125x64xbf16, #tpu.memory_space<vmem>>) target(%dma_start3A_218 : memref<10112x64xbf16, #tpu.memory_space<vmem_shared>>) offsets(%dma_start3A_215 : memref<125xi32, #tpu.memory_space<vmem>>) semaphore(%run_scoped3A : memref<!tpu.dma_semaphore, #tpu.memory_space<semaphore_mem>>) {add = true}
        %dma_wait3A_219 = arith.constant 0 : i32
        %dma_wait3A_220 = tpu.memref_slice %arg9[%add3A_200, %dma_wait3A_219] : memref<160x125xi32, #tpu.memory_space<vmem>> -> memref<1x125xi32, #tpu.memory_space<vmem>>
        %dma_wait3A_221 = tpu.memref_squeeze %dma_wait3A_220 : memref<1x125xi32, #tpu.memory_space<vmem>> -> memref<125xi32, #tpu.memory_space<vmem>>
        %dma_wait3A_222 = arith.constant 0 : i32
        %dma_wait3A_223 = arith.constant 0 : i32
        %dma_wait3A_224 = tpu.memref_slice %arg26[%dma_wait3A_222, %dma_wait3A_223] : memref<10112x64xbf16, #tpu.memory_space<vmem_shared>> -> memref<10112x64xbf16, #tpu.memory_space<vmem_shared>>
        tpu.wait_indirect_dma semaphore(%run_scoped3A : memref<!tpu.dma_semaphore, #tpu.memory_space<semaphore_mem>>) src(%arg17 : memref<125x64xbf16, #tpu.memory_space<vmem>>) dst(%dma_wait3A_224 : memref<10112x64xbf16, #tpu.memory_space<vmem_shared>>)
        tpu.yield
      }) : () -> ()
    }
    %scan3A_74 = arith.constant 20 : i32
    %barrier3A_75 = arith.constant 0 : index
    tpu.barrier barrier_id(%barrier3A_75)
    %mul3A_76 = arith.constant 632 : i32
    %mul3A_77 = arith.muli %arg1, %mul3A_76 : i32
    %mul3A_78 = arith.constant 632 : i32
    %mul3A_79 = arith.muli %arg1, %mul3A_78 : i32
    "tpu.region"() ({
      %run_scoped3A = tpu.sem_alloc : memref<!tpu.dma_semaphore, #tpu.memory_space<semaphore_mem>>
      %dma_start3A = arith.constant 0 : i32
      %dma_start3A_80 = tpu.memref_slice %arg7[%arg0, %mul3A_79, %dma_start3A] : memref<2x10112x64xbf16, #tpu.memory_space<hbm>> -> memref<1x632x64xbf16, #tpu.memory_space<hbm>>
      %dma_start3A_81 = tpu.memref_squeeze %dma_start3A_80 : memref<1x632x64xbf16, #tpu.memory_space<hbm>> -> memref<632x64xbf16, #tpu.memory_space<hbm>>
      %dma_start3A_82 = arith.constant 0 : i32
      %dma_start3A_83 = tpu.memref_slice %arg26[%mul3A_77, %dma_start3A_82] : memref<10112x64xbf16, #tpu.memory_space<vmem_shared>> -> memref<632x64xbf16, #tpu.memory_space<vmem_shared>>
      tpu.enqueue_dma source(%dma_start3A_83 : memref<632x64xbf16, #tpu.memory_space<vmem_shared>>) target(%dma_start3A_81 : memref<632x64xbf16, #tpu.memory_space<hbm>>) target_semaphore(%run_scoped3A : memref<!tpu.dma_semaphore, #tpu.memory_space<semaphore_mem>>)
      %dma_wait3A = arith.constant 0 : i32
      %dma_wait3A_84 = tpu.memref_slice %arg7[%arg0, %mul3A_79, %dma_wait3A] : memref<2x10112x64xbf16, #tpu.memory_space<hbm>> -> memref<1x632x64xbf16, #tpu.memory_space<hbm>>
      %dma_wait3A_85 = tpu.memref_squeeze %dma_wait3A_84 : memref<1x632x64xbf16, #tpu.memory_space<hbm>> -> memref<632x64xbf16, #tpu.memory_space<hbm>>
      %dma_wait3A_86 = arith.constant 0 : i32
      %dma_wait3A_87 = tpu.memref_slice %arg26[%mul3A_77, %dma_wait3A_86] : memref<10112x64xbf16, #tpu.memory_space<vmem_shared>> -> memref<632x64xbf16, #tpu.memory_space<vmem_shared>>
      tpu.wait_dma2 semaphore(%run_scoped3A : memref<!tpu.dma_semaphore, #tpu.memory_space<semaphore_mem>>) src(%dma_wait3A_87 : memref<632x64xbf16, #tpu.memory_space<vmem_shared>>) dst(%dma_wait3A_85 : memref<632x64xbf16, #tpu.memory_space<hbm>>)
      tpu.yield
    }) : () -> ()
    return
  }
}

module attributes {stable_mosaic.version = 14 : i64} {
  func.func @_tc1_body(%arg0: i32, %arg1: memref<2x2000x64xbf16, #tpu.memory_space<vmem>>, %arg2: memref<2000x2xf32, #tpu.memory_space<vmem>>, %arg3: memref<2000x128xf32, #tpu.memory_space<vmem>>, %arg4: memref<128x64xf32, #tpu.memory_space<vmem>>, %arg5: memref<128x64xf32, #tpu.memory_space<vmem>>, %arg6: memref<1x128xf32, #tpu.memory_space<vmem>>, %arg7: memref<128x128xf32, #tpu.memory_space<vmem>>, %arg8: memref<1x128xf32, #tpu.memory_space<vmem>>, %arg9: memref<1x128xf32, #tpu.memory_space<vmem>>, %arg10: memref<2000x64xbf16, #tpu.memory_space<vmem>>, %arg11: memref<2000x64xbf16, #tpu.memory_space<vmem>>) attributes {dimension_semantics = [#tpu.dimension_semantics<arbitrary>], iteration_bounds = array<i64: 5>, scalar_prefetch = 0 : i64, scratch_operands = 0 : i64, tpu.core_type = #tpu.core_type<tc>, window_params = [{transform_indices = @transform_0, window_bounds = array<i64: 2, 2000, 64>}, {transform_indices = @transform_1, window_bounds = array<i64: 2000, 2>}, {transform_indices = @transform_2, window_bounds = array<i64: 2000, 128>}, {pipeline_mode = #tpu.pipeline_mode<synchronous>, transform_indices = @transform_3, window_bounds = array<i64: 128, 64>}, {pipeline_mode = #tpu.pipeline_mode<synchronous>, transform_indices = @transform_4, window_bounds = array<i64: 128, 64>}, {pipeline_mode = #tpu.pipeline_mode<synchronous>, transform_indices = @transform_5, window_bounds = array<i64: 1, 128>}, {pipeline_mode = #tpu.pipeline_mode<synchronous>, transform_indices = @transform_6, window_bounds = array<i64: 128, 128>}, {pipeline_mode = #tpu.pipeline_mode<synchronous>, transform_indices = @transform_7, window_bounds = array<i64: 1, 128>}, {pipeline_mode = #tpu.pipeline_mode<synchronous>, transform_indices = @transform_8, window_bounds = array<i64: 1, 128>}, {transform_indices = @transform_9, window_bounds = array<i64: 2000, 64>}, {transform_indices = @transform_10, window_bounds = array<i64: 2000, 64>}]} {
    %get3A = arith.constant 0 : index
    %get3A_0 = arith.constant 0 : index
    %get3A_1 = vector.load %arg2[%get3A, %get3A_0] : memref<2000x2xf32, #tpu.memory_space<vmem>>, vector<2000x2xf32>
    %reduce_sum3A = arith.constant dense<0.000000e+00> : vector<2000xf32>
    %reduce_sum3A_2 = vector.multi_reduction <add>, %get3A_1, %reduce_sum3A [1] : vector<2000x2xf32> to vector<2000xf32>
    %broadcast_in_dim3A = vector.shape_cast %reduce_sum3A_2 : vector<2000xf32> to vector<2000x1xf32>
    %max3A = arith.constant 1.000000e+00 : f32
    %max3A_3 = vector.broadcast %max3A : f32 to vector<2000x1xf32>
    %max3A_4 = arith.maximumf %broadcast_in_dim3A, %max3A_3 : vector<2000x1xf32>
    %div3A = arith.constant 1.000000e+00 : f32
    %div3A_5 = vector.broadcast %div3A : f32 to vector<2000x1xf32>
    %div3A_6 = arith.divf %div3A_5, %max3A_4 : vector<2000x1xf32>
    %get3A_7 = arith.constant 0 : index
    %get3A_8 = arith.constant 0 : index
    %get3A_9 = arith.constant 0 : index
    %get3A_10 = vector.load %arg1[%get3A_7, %get3A_8, %get3A_9] : memref<2x2000x64xbf16, #tpu.memory_space<vmem>>, vector<1x2000x64xbf16>
    %get3A_11 = vector.shape_cast %get3A_10 : vector<1x2000x64xbf16> to vector<2000x64xbf16>
    %convert_element_type3A = arith.extf %get3A_11 : vector<2000x64xbf16> to vector<2000x64xf32>
    %mul3A = vector.broadcast %div3A_6 : vector<2000x1xf32> to vector<2000x64xf32>
    %mul3A_12 = arith.mulf %convert_element_type3A, %mul3A : vector<2000x64xf32>
    %get3A_13 = arith.constant 1 : index
    %get3A_14 = arith.constant 0 : index
    %get3A_15 = arith.constant 0 : index
    %get3A_16 = vector.load %arg1[%get3A_13, %get3A_14, %get3A_15] : memref<2x2000x64xbf16, #tpu.memory_space<vmem>>, vector<1x2000x64xbf16>
    %get3A_17 = vector.shape_cast %get3A_16 : vector<1x2000x64xbf16> to vector<2000x64xbf16>
    %convert_element_type3A_18 = arith.extf %get3A_17 : vector<2000x64xbf16> to vector<2000x64xf32>
    %mul3A_19 = vector.broadcast %div3A_6 : vector<2000x1xf32> to vector<2000x64xf32>
    %mul3A_20 = arith.mulf %convert_element_type3A_18, %mul3A_19 : vector<2000x64xf32>
    %get3A_21 = arith.constant 0 : index
    %get3A_22 = arith.constant 0 : index
    %get3A_23 = vector.load %arg4[%get3A_21, %get3A_22] : memref<128x64xf32, #tpu.memory_space<vmem>>, vector<128x64xf32>
    %dot_general3A = arith.constant dense<0.000000e+00> : vector<2000x128xf32>
    %dot_general3A_24 = tpu.matmul %mul3A_12, %get3A_23, %dot_general3A {dimension_numbers = #tpu.dot_dimension_numbers<[1], [1], [0], [0], [0, 0, 1, 0], [], []>, transpose_lhs_hint = false} : vector<2000x64xf32>, vector<128x64xf32>, vector<2000x128xf32> -> vector<2000x128xf32>
    %get3A_25 = arith.constant 0 : index
    %get3A_26 = arith.constant 0 : index
    %get3A_27 = vector.load %arg5[%get3A_25, %get3A_26] : memref<128x64xf32, #tpu.memory_space<vmem>>, vector<128x64xf32>
    %dot_general3A_28 = arith.constant dense<0.000000e+00> : vector<2000x128xf32>
    %dot_general3A_29 = tpu.matmul %mul3A_20, %get3A_27, %dot_general3A_28 {dimension_numbers = #tpu.dot_dimension_numbers<[1], [1], [0], [0], [0, 0, 1, 0], [], []>, transpose_lhs_hint = false} : vector<2000x64xf32>, vector<128x64xf32>, vector<2000x128xf32> -> vector<2000x128xf32>
    %add3A = arith.addf %dot_general3A_24, %dot_general3A_29 : vector<2000x128xf32>
    %get3A_30 = arith.constant 0 : index
    %get3A_31 = arith.constant 0 : index
    %get3A_32 = vector.load %arg6[%get3A_30, %get3A_31] : memref<1x128xf32, #tpu.memory_space<vmem>>, vector<1x128xf32>
    %add3A_33 = vector.broadcast %get3A_32 : vector<1x128xf32> to vector<2000x128xf32>
    %add3A_34 = arith.addf %add3A, %add3A_33 : vector<2000x128xf32>
    %get3A_35 = arith.constant 0 : index
    %get3A_36 = arith.constant 0 : index
    %get3A_37 = vector.load %arg3[%get3A_35, %get3A_36] : memref<2000x128xf32, #tpu.memory_space<vmem>>, vector<2000x128xf32>
    %get3A_38 = arith.constant 0 : index
    %get3A_39 = arith.constant 0 : index
    %get3A_40 = vector.load %arg7[%get3A_38, %get3A_39] : memref<128x128xf32, #tpu.memory_space<vmem>>, vector<128x128xf32>
    %dot_general3A_41 = arith.constant dense<0.000000e+00> : vector<2000x128xf32>
    %dot_general3A_42 = tpu.matmul %get3A_37, %get3A_40, %dot_general3A_41 {dimension_numbers = #tpu.dot_dimension_numbers<[1], [1], [0], [0], [0, 0, 1, 0], [], []>, transpose_lhs_hint = false} : vector<2000x128xf32>, vector<128x128xf32>, vector<2000x128xf32> -> vector<2000x128xf32>
    %add3A_43 = arith.addf %add3A_34, %dot_general3A_42 : vector<2000x128xf32>
    %reduce_sum3A_44 = arith.constant dense<0.000000e+00> : vector<2000xf32>
    %reduce_sum3A_45 = vector.multi_reduction <add>, %add3A_43, %reduce_sum3A_44 [1] : vector<2000x128xf32> to vector<2000xf32>
    %broadcast_in_dim3A_46 = vector.shape_cast %reduce_sum3A_45 : vector<2000xf32> to vector<2000x1xf32>
    %div3A_47 = arith.constant 1.280000e+02 : f32
    %div3A_48 = vector.broadcast %div3A_47 : f32 to vector<2000x1xf32>
    %div3A_49 = arith.divf %broadcast_in_dim3A_46, %div3A_48 : vector<2000x1xf32>
    %sub3A = vector.broadcast %div3A_49 : vector<2000x1xf32> to vector<2000x128xf32>
    %sub3A_50 = arith.subf %add3A_43, %sub3A : vector<2000x128xf32>
    %integer_pow3A = arith.mulf %sub3A_50, %sub3A_50 : vector<2000x128xf32>
    %reduce_sum3A_51 = arith.constant dense<0.000000e+00> : vector<2000xf32>
    %reduce_sum3A_52 = vector.multi_reduction <add>, %integer_pow3A, %reduce_sum3A_51 [1] : vector<2000x128xf32> to vector<2000xf32>
    %broadcast_in_dim3A_53 = vector.shape_cast %reduce_sum3A_52 : vector<2000xf32> to vector<2000x1xf32>
    %div3A_54 = arith.constant 1.280000e+02 : f32
    %div3A_55 = vector.broadcast %div3A_54 : f32 to vector<2000x1xf32>
    %div3A_56 = arith.divf %broadcast_in_dim3A_53, %div3A_55 : vector<2000x1xf32>
    %sub3A_57 = vector.broadcast %div3A_49 : vector<2000x1xf32> to vector<2000x128xf32>
    %sub3A_58 = arith.subf %add3A_43, %sub3A_57 : vector<2000x128xf32>
    %add3A_59 = arith.constant 9.99999974E-6 : f32
    %add3A_60 = vector.broadcast %add3A_59 : f32 to vector<2000x1xf32>
    %add3A_61 = arith.addf %div3A_56, %add3A_60 : vector<2000x1xf32>
    %sqrt3A = math.sqrt %add3A_61 : vector<2000x1xf32>
    %div3A_62 = vector.broadcast %sqrt3A : vector<2000x1xf32> to vector<2000x128xf32>
    %div3A_63 = arith.divf %sub3A_58, %div3A_62 : vector<2000x128xf32>
    %get3A_64 = arith.constant 0 : index
    %get3A_65 = arith.constant 0 : index
    %get3A_66 = vector.load %arg8[%get3A_64, %get3A_65] : memref<1x128xf32, #tpu.memory_space<vmem>>, vector<1x128xf32>
    %mul3A_67 = vector.broadcast %get3A_66 : vector<1x128xf32> to vector<2000x128xf32>
    %mul3A_68 = arith.mulf %div3A_63, %mul3A_67 : vector<2000x128xf32>
    %get3A_69 = arith.constant 0 : index
    %get3A_70 = arith.constant 0 : index
    %get3A_71 = vector.load %arg9[%get3A_69, %get3A_70] : memref<1x128xf32, #tpu.memory_space<vmem>>, vector<1x128xf32>
    %add3A_72 = vector.broadcast %get3A_71 : vector<1x128xf32> to vector<2000x128xf32>
    %add3A_73 = arith.addf %mul3A_68, %add3A_72 : vector<2000x128xf32>
    %max3A_74 = arith.constant 0.000000e+00 : f32
    %max3A_75 = vector.broadcast %max3A_74 : f32 to vector<2000x128xf32>
    %max3A_76 = arith.maximumf %add3A_73, %max3A_75 : vector<2000x128xf32>
    %slice3A = vector.extract_strided_slice %max3A_76 {offsets = [0, 0], sizes = [2000, 64], strides = [1, 1]} : vector<2000x128xf32> to vector<2000x64xf32>
    %convert_element_type3A_77 = arith.truncf %slice3A : vector<2000x64xf32> to vector<2000x64xbf16>
    %swap3A = arith.constant 0 : index
    %swap3A_78 = arith.constant 0 : index
    %swap3A_79 = vector.load %arg10[%swap3A, %swap3A_78] : memref<2000x64xbf16, #tpu.memory_space<vmem>>, vector<2000x64xbf16>
    tpu.vector_store %arg10[%swap3A, %swap3A_78], %convert_element_type3A_77 {strides = array<i32>} : memref<2000x64xbf16, #tpu.memory_space<vmem>>, vector<2000x64xbf16>,
    %slice3A_80 = vector.extract_strided_slice %max3A_76 {offsets = [0, 64], sizes = [2000, 64], strides = [1, 1]} : vector<2000x128xf32> to vector<2000x64xf32>
    %convert_element_type3A_81 = arith.truncf %slice3A_80 : vector<2000x64xf32> to vector<2000x64xbf16>
    %swap3A_82 = arith.constant 0 : index
    %swap3A_83 = arith.constant 0 : index
    %swap3A_84 = vector.load %arg11[%swap3A_82, %swap3A_83] : memref<2000x64xbf16, #tpu.memory_space<vmem>>, vector<2000x64xbf16>
    tpu.vector_store %arg11[%swap3A_82, %swap3A_83], %convert_element_type3A_81 {strides = array<i32>} : memref<2000x64xbf16, #tpu.memory_space<vmem>>, vector<2000x64xbf16>,
    return
  }
  func.func @transform_0(%arg0: i32) -> (i32, i32, i32) {
    %c0_i32 = arith.constant 0 : i32
    %c0_i32_0 = arith.constant 0 : i32
    %c0_i32_1 = arith.constant 0 : i32
    return %c0_i32, %arg0, %c0_i32_0 : i32, i32, i32
  }
  func.func @transform_1(%arg0: i32) -> (i32, i32) {
    %c0_i32 = arith.constant 0 : i32
    %c0_i32_0 = arith.constant 0 : i32
    return %arg0, %c0_i32 : i32, i32
  }
  func.func @transform_2(%arg0: i32) -> (i32, i32) {
    %c0_i32 = arith.constant 0 : i32
    %c0_i32_0 = arith.constant 0 : i32
    return %arg0, %c0_i32 : i32, i32
  }
  func.func @transform_3(%arg0: i32) -> (i32, i32) {
    %c0_i32 = arith.constant 0 : i32
    %c0_i32_0 = arith.constant 0 : i32
    %c0_i32_1 = arith.constant 0 : i32
    return %c0_i32, %c0_i32_0 : i32, i32
  }
  func.func @transform_4(%arg0: i32) -> (i32, i32) {
    %c0_i32 = arith.constant 0 : i32
    %c0_i32_0 = arith.constant 0 : i32
    %c0_i32_1 = arith.constant 0 : i32
    return %c0_i32, %c0_i32_0 : i32, i32
  }
  func.func @transform_5(%arg0: i32) -> (i32, i32) {
    %c0_i32 = arith.constant 0 : i32
    %c0_i32_0 = arith.constant 0 : i32
    %c0_i32_1 = arith.constant 0 : i32
    return %c0_i32, %c0_i32_0 : i32, i32
  }
  func.func @transform_6(%arg0: i32) -> (i32, i32) {
    %c0_i32 = arith.constant 0 : i32
    %c0_i32_0 = arith.constant 0 : i32
    %c0_i32_1 = arith.constant 0 : i32
    return %c0_i32, %c0_i32_0 : i32, i32
  }
  func.func @transform_7(%arg0: i32) -> (i32, i32) {
    %c0_i32 = arith.constant 0 : i32
    %c0_i32_0 = arith.constant 0 : i32
    %c0_i32_1 = arith.constant 0 : i32
    return %c0_i32, %c0_i32_0 : i32, i32
  }
  func.func @transform_8(%arg0: i32) -> (i32, i32) {
    %c0_i32 = arith.constant 0 : i32
    %c0_i32_0 = arith.constant 0 : i32
    %c0_i32_1 = arith.constant 0 : i32
    return %c0_i32, %c0_i32_0 : i32, i32
  }
  func.func @transform_9(%arg0: i32) -> (i32, i32) {
    %c0_i32 = arith.constant 0 : i32
    %c0_i32_0 = arith.constant 0 : i32
    return %arg0, %c0_i32 : i32, i32
  }
  func.func @transform_10(%arg0: i32) -> (i32, i32) {
    %c0_i32 = arith.constant 0 : i32
    %c0_i32_0 = arith.constant 0 : i32
    return %arg0, %c0_i32 : i32, i32
  }
}

module attributes {stable_mosaic.version = 14 : i64} {
  func.func @_tc2_body(%arg0: i32, %arg1: memref<2x2000x64xbf16, #tpu.memory_space<vmem>>, %arg2: memref<2000x2xf32, #tpu.memory_space<vmem>>, %arg3: memref<2000x64xbf16, #tpu.memory_space<vmem>>, %arg4: memref<2000x64xbf16, #tpu.memory_space<vmem>>, %arg5: memref<128x64xf32, #tpu.memory_space<vmem>>, %arg6: memref<128x64xf32, #tpu.memory_space<vmem>>, %arg7: memref<1x128xf32, #tpu.memory_space<vmem>>, %arg8: memref<128x64xf32, #tpu.memory_space<vmem>>, %arg9: memref<128x64xf32, #tpu.memory_space<vmem>>, %arg10: memref<1x128xf32, #tpu.memory_space<vmem>>, %arg11: memref<1x128xf32, #tpu.memory_space<vmem>>, %arg12: memref<1x128xf32, #tpu.memory_space<vmem>>, %arg13: memref<1x1xf32, #tpu.memory_space<vmem>>, %arg14: memref<2000x1xf32, #tpu.memory_space<vmem>>) attributes {dimension_semantics = [#tpu.dimension_semantics<arbitrary>], iteration_bounds = array<i64: 5>, scalar_prefetch = 0 : i64, scratch_operands = 0 : i64, tpu.core_type = #tpu.core_type<tc>, window_params = [{transform_indices = @transform_0, window_bounds = array<i64: 2, 2000, 64>}, {transform_indices = @transform_1, window_bounds = array<i64: 2000, 2>}, {transform_indices = @transform_2, window_bounds = array<i64: 2000, 64>}, {transform_indices = @transform_3, window_bounds = array<i64: 2000, 64>}, {pipeline_mode = #tpu.pipeline_mode<synchronous>, transform_indices = @transform_4, window_bounds = array<i64: 128, 64>}, {pipeline_mode = #tpu.pipeline_mode<synchronous>, transform_indices = @transform_5, window_bounds = array<i64: 128, 64>}, {pipeline_mode = #tpu.pipeline_mode<synchronous>, transform_indices = @transform_6, window_bounds = array<i64: 1, 128>}, {pipeline_mode = #tpu.pipeline_mode<synchronous>, transform_indices = @transform_7, window_bounds = array<i64: 128, 64>}, {pipeline_mode = #tpu.pipeline_mode<synchronous>, transform_indices = @transform_8, window_bounds = array<i64: 128, 64>}, {pipeline_mode = #tpu.pipeline_mode<synchronous>, transform_indices = @transform_9, window_bounds = array<i64: 1, 128>}, {pipeline_mode = #tpu.pipeline_mode<synchronous>, transform_indices = @transform_10, window_bounds = array<i64: 1, 128>}, {pipeline_mode = #tpu.pipeline_mode<synchronous>, transform_indices = @transform_11, window_bounds = array<i64: 1, 128>}, {pipeline_mode = #tpu.pipeline_mode<synchronous>, transform_indices = @transform_12, window_bounds = array<i64: 1, 1>}, {transform_indices = @transform_13, window_bounds = array<i64: 2000, 1>}]} {
    %get3A = arith.constant 0 : index
    %get3A_0 = arith.constant 0 : index
    %get3A_1 = vector.load %arg2[%get3A, %get3A_0] : memref<2000x2xf32, #tpu.memory_space<vmem>>, vector<2000x2xf32>
    %reduce_sum3A = arith.constant dense<0.000000e+00> : vector<2000xf32>
    %reduce_sum3A_2 = vector.multi_reduction <add>, %get3A_1, %reduce_sum3A [1] : vector<2000x2xf32> to vector<2000xf32>
    %broadcast_in_dim3A = vector.shape_cast %reduce_sum3A_2 : vector<2000xf32> to vector<2000x1xf32>
    %max3A = arith.constant 1.000000e+00 : f32
    %max3A_3 = vector.broadcast %max3A : f32 to vector<2000x1xf32>
    %max3A_4 = arith.maximumf %broadcast_in_dim3A, %max3A_3 : vector<2000x1xf32>
    %div3A = arith.constant 1.000000e+00 : f32
    %div3A_5 = vector.broadcast %div3A : f32 to vector<2000x1xf32>
    %div3A_6 = arith.divf %div3A_5, %max3A_4 : vector<2000x1xf32>
    %get3A_7 = arith.constant 0 : index
    %get3A_8 = arith.constant 0 : index
    %get3A_9 = arith.constant 0 : index
    %get3A_10 = vector.load %arg1[%get3A_7, %get3A_8, %get3A_9] : memref<2x2000x64xbf16, #tpu.memory_space<vmem>>, vector<1x2000x64xbf16>
    %get3A_11 = vector.shape_cast %get3A_10 : vector<1x2000x64xbf16> to vector<2000x64xbf16>
    %convert_element_type3A = arith.extf %get3A_11 : vector<2000x64xbf16> to vector<2000x64xf32>
    %mul3A = vector.broadcast %div3A_6 : vector<2000x1xf32> to vector<2000x64xf32>
    %mul3A_12 = arith.mulf %convert_element_type3A, %mul3A : vector<2000x64xf32>
    %get3A_13 = arith.constant 1 : index
    %get3A_14 = arith.constant 0 : index
    %get3A_15 = arith.constant 0 : index
    %get3A_16 = vector.load %arg1[%get3A_13, %get3A_14, %get3A_15] : memref<2x2000x64xbf16, #tpu.memory_space<vmem>>, vector<1x2000x64xbf16>
    %get3A_17 = vector.shape_cast %get3A_16 : vector<1x2000x64xbf16> to vector<2000x64xbf16>
    %convert_element_type3A_18 = arith.extf %get3A_17 : vector<2000x64xbf16> to vector<2000x64xf32>
    %mul3A_19 = vector.broadcast %div3A_6 : vector<2000x1xf32> to vector<2000x64xf32>
    %mul3A_20 = arith.mulf %convert_element_type3A_18, %mul3A_19 : vector<2000x64xf32>
    %get3A_21 = arith.constant 0 : index
    %get3A_22 = arith.constant 0 : index
    %get3A_23 = vector.load %arg5[%get3A_21, %get3A_22] : memref<128x64xf32, #tpu.memory_space<vmem>>, vector<128x64xf32>
    %dot_general3A = arith.constant dense<0.000000e+00> : vector<2000x128xf32>
    %dot_general3A_24 = tpu.matmul %mul3A_12, %get3A_23, %dot_general3A {dimension_numbers = #tpu.dot_dimension_numbers<[1], [1], [0], [0], [0, 0, 1, 0], [], []>, transpose_lhs_hint = false} : vector<2000x64xf32>, vector<128x64xf32>, vector<2000x128xf32> -> vector<2000x128xf32>
    %get3A_25 = arith.constant 0 : index
    %get3A_26 = arith.constant 0 : index
    %get3A_27 = vector.load %arg6[%get3A_25, %get3A_26] : memref<128x64xf32, #tpu.memory_space<vmem>>, vector<128x64xf32>
    %dot_general3A_28 = arith.constant dense<0.000000e+00> : vector<2000x128xf32>
    %dot_general3A_29 = tpu.matmul %mul3A_20, %get3A_27, %dot_general3A_28 {dimension_numbers = #tpu.dot_dimension_numbers<[1], [1], [0], [0], [0, 0, 1, 0], [], []>, transpose_lhs_hint = false} : vector<2000x64xf32>, vector<128x64xf32>, vector<2000x128xf32> -> vector<2000x128xf32>
    %add3A = arith.addf %dot_general3A_24, %dot_general3A_29 : vector<2000x128xf32>
    %get3A_30 = arith.constant 0 : index
    %get3A_31 = arith.constant 0 : index
    %get3A_32 = vector.load %arg7[%get3A_30, %get3A_31] : memref<1x128xf32, #tpu.memory_space<vmem>>, vector<1x128xf32>
    %add3A_33 = vector.broadcast %get3A_32 : vector<1x128xf32> to vector<2000x128xf32>
    %add3A_34 = arith.addf %add3A, %add3A_33 : vector<2000x128xf32>
    %get3A_35 = arith.constant 0 : index
    %get3A_36 = arith.constant 0 : index
    %get3A_37 = vector.load %arg3[%get3A_35, %get3A_36] : memref<2000x64xbf16, #tpu.memory_space<vmem>>, vector<2000x64xbf16>
    %convert_element_type3A_38 = arith.extf %get3A_37 : vector<2000x64xbf16> to vector<2000x64xf32>
    %get3A_39 = arith.constant 0 : index
    %get3A_40 = arith.constant 0 : index
    %get3A_41 = vector.load %arg8[%get3A_39, %get3A_40] : memref<128x64xf32, #tpu.memory_space<vmem>>, vector<128x64xf32>
    %dot_general3A_42 = arith.constant dense<0.000000e+00> : vector<2000x128xf32>
    %dot_general3A_43 = tpu.matmul %convert_element_type3A_38, %get3A_41, %dot_general3A_42 {dimension_numbers = #tpu.dot_dimension_numbers<[1], [1], [0], [0], [0, 0, 1, 0], [], []>, transpose_lhs_hint = false} : vector<2000x64xf32>, vector<128x64xf32>, vector<2000x128xf32> -> vector<2000x128xf32>
    %add3A_44 = arith.addf %add3A_34, %dot_general3A_43 : vector<2000x128xf32>
    %get3A_45 = arith.constant 0 : index
    %get3A_46 = arith.constant 0 : index
    %get3A_47 = vector.load %arg4[%get3A_45, %get3A_46] : memref<2000x64xbf16, #tpu.memory_space<vmem>>, vector<2000x64xbf16>
    %convert_element_type3A_48 = arith.extf %get3A_47 : vector<2000x64xbf16> to vector<2000x64xf32>
    %get3A_49 = arith.constant 0 : index
    %get3A_50 = arith.constant 0 : index
    %get3A_51 = vector.load %arg9[%get3A_49, %get3A_50] : memref<128x64xf32, #tpu.memory_space<vmem>>, vector<128x64xf32>
    %dot_general3A_52 = arith.constant dense<0.000000e+00> : vector<2000x128xf32>
    %dot_general3A_53 = tpu.matmul %convert_element_type3A_48, %get3A_51, %dot_general3A_52 {dimension_numbers = #tpu.dot_dimension_numbers<[1], [1], [0], [0], [0, 0, 1, 0], [], []>, transpose_lhs_hint = false} : vector<2000x64xf32>, vector<128x64xf32>, vector<2000x128xf32> -> vector<2000x128xf32>
    %add3A_54 = arith.addf %add3A_44, %dot_general3A_53 : vector<2000x128xf32>
    %reduce_sum3A_55 = arith.constant dense<0.000000e+00> : vector<2000xf32>
    %reduce_sum3A_56 = vector.multi_reduction <add>, %add3A_54, %reduce_sum3A_55 [1] : vector<2000x128xf32> to vector<2000xf32>
    %broadcast_in_dim3A_57 = vector.shape_cast %reduce_sum3A_56 : vector<2000xf32> to vector<2000x1xf32>
    %div3A_58 = arith.constant 1.280000e+02 : f32
    %div3A_59 = vector.broadcast %div3A_58 : f32 to vector<2000x1xf32>
    %div3A_60 = arith.divf %broadcast_in_dim3A_57, %div3A_59 : vector<2000x1xf32>
    %sub3A = vector.broadcast %div3A_60 : vector<2000x1xf32> to vector<2000x128xf32>
    %sub3A_61 = arith.subf %add3A_54, %sub3A : vector<2000x128xf32>
    %integer_pow3A = arith.mulf %sub3A_61, %sub3A_61 : vector<2000x128xf32>
    %reduce_sum3A_62 = arith.constant dense<0.000000e+00> : vector<2000xf32>
    %reduce_sum3A_63 = vector.multi_reduction <add>, %integer_pow3A, %reduce_sum3A_62 [1] : vector<2000x128xf32> to vector<2000xf32>
    %broadcast_in_dim3A_64 = vector.shape_cast %reduce_sum3A_63 : vector<2000xf32> to vector<2000x1xf32>
    %div3A_65 = arith.constant 1.280000e+02 : f32
    %div3A_66 = vector.broadcast %div3A_65 : f32 to vector<2000x1xf32>
    %div3A_67 = arith.divf %broadcast_in_dim3A_64, %div3A_66 : vector<2000x1xf32>
    %sub3A_68 = vector.broadcast %div3A_60 : vector<2000x1xf32> to vector<2000x128xf32>
    %sub3A_69 = arith.subf %add3A_54, %sub3A_68 : vector<2000x128xf32>
    %add3A_70 = arith.constant 9.99999974E-6 : f32
    %add3A_71 = vector.broadcast %add3A_70 : f32 to vector<2000x1xf32>
    %add3A_72 = arith.addf %div3A_67, %add3A_71 : vector<2000x1xf32>
    %sqrt3A = math.sqrt %add3A_72 : vector<2000x1xf32>
    %div3A_73 = vector.broadcast %sqrt3A : vector<2000x1xf32> to vector<2000x128xf32>
    %div3A_74 = arith.divf %sub3A_69, %div3A_73 : vector<2000x128xf32>
    %get3A_75 = arith.constant 0 : index
    %get3A_76 = arith.constant 0 : index
    %get3A_77 = vector.load %arg10[%get3A_75, %get3A_76] : memref<1x128xf32, #tpu.memory_space<vmem>>, vector<1x128xf32>
    %mul3A_78 = vector.broadcast %get3A_77 : vector<1x128xf32> to vector<2000x128xf32>
    %mul3A_79 = arith.mulf %div3A_74, %mul3A_78 : vector<2000x128xf32>
    %get3A_80 = arith.constant 0 : index
    %get3A_81 = arith.constant 0 : index
    %get3A_82 = vector.load %arg11[%get3A_80, %get3A_81] : memref<1x128xf32, #tpu.memory_space<vmem>>, vector<1x128xf32>
    %add3A_83 = vector.broadcast %get3A_82 : vector<1x128xf32> to vector<2000x128xf32>
    %add3A_84 = arith.addf %mul3A_79, %add3A_83 : vector<2000x128xf32>
    %max3A_85 = arith.constant 0.000000e+00 : f32
    %max3A_86 = vector.broadcast %max3A_85 : f32 to vector<2000x128xf32>
    %max3A_87 = arith.maximumf %add3A_84, %max3A_86 : vector<2000x128xf32>
    %get3A_88 = arith.constant 0 : index
    %get3A_89 = arith.constant 0 : index
    %get3A_90 = vector.load %arg12[%get3A_88, %get3A_89] : memref<1x128xf32, #tpu.memory_space<vmem>>, vector<1x128xf32>
    %mul3A_91 = vector.broadcast %get3A_90 : vector<1x128xf32> to vector<2000x128xf32>
    %mul3A_92 = arith.mulf %max3A_87, %mul3A_91 : vector<2000x128xf32>
    %reduce_sum3A_93 = arith.constant dense<0.000000e+00> : vector<2000xf32>
    %reduce_sum3A_94 = vector.multi_reduction <add>, %mul3A_92, %reduce_sum3A_93 [1] : vector<2000x128xf32> to vector<2000xf32>
    %broadcast_in_dim3A_95 = vector.shape_cast %reduce_sum3A_94 : vector<2000xf32> to vector<2000x1xf32>
    %get3A_96 = arith.constant 0 : index
    %get3A_97 = arith.constant 0 : index
    %get3A_98 = vector.load %arg13[%get3A_96, %get3A_97] : memref<1x1xf32, #tpu.memory_space<vmem>>, vector<1x1xf32>
    %get3A_99 = vector.extract %get3A_98[0, 0] : f32 from vector<1x1xf32>
    %add3A_100 = vector.broadcast %get3A_99 : f32 to vector<2000x1xf32>
    %add3A_101 = arith.addf %broadcast_in_dim3A_95, %add3A_100 : vector<2000x1xf32>
    %swap3A = arith.constant 0 : index
    %swap3A_102 = arith.constant 0 : index
    %swap3A_103 = vector.load %arg14[%swap3A, %swap3A_102] : memref<2000x1xf32, #tpu.memory_space<vmem>>, vector<2000x1xf32>
    tpu.vector_store %arg14[%swap3A, %swap3A_102], %add3A_101 {strides = array<i32>} : memref<2000x1xf32, #tpu.memory_space<vmem>>, vector<2000x1xf32>,
    return
  }
  func.func @transform_0(%arg0: i32) -> (i32, i32, i32) {
    %c0_i32 = arith.constant 0 : i32
    %c0_i32_0 = arith.constant 0 : i32
    %c0_i32_1 = arith.constant 0 : i32
    return %c0_i32, %arg0, %c0_i32_0 : i32, i32, i32
  }
  func.func @transform_1(%arg0: i32) -> (i32, i32) {
    %c0_i32 = arith.constant 0 : i32
    %c0_i32_0 = arith.constant 0 : i32
    return %arg0, %c0_i32 : i32, i32
  }
  func.func @transform_2(%arg0: i32) -> (i32, i32) {
    %c0_i32 = arith.constant 0 : i32
    %c0_i32_0 = arith.constant 0 : i32
    return %arg0, %c0_i32 : i32, i32
  }
  func.func @transform_3(%arg0: i32) -> (i32, i32) {
    %c0_i32 = arith.constant 0 : i32
    %c0_i32_0 = arith.constant 0 : i32
    return %arg0, %c0_i32 : i32, i32
  }
  func.func @transform_4(%arg0: i32) -> (i32, i32) {
    %c0_i32 = arith.constant 0 : i32
    %c0_i32_0 = arith.constant 0 : i32
    %c0_i32_1 = arith.constant 0 : i32
    return %c0_i32, %c0_i32_0 : i32, i32
  }
  func.func @transform_5(%arg0: i32) -> (i32, i32) {
    %c0_i32 = arith.constant 0 : i32
    %c0_i32_0 = arith.constant 0 : i32
    %c0_i32_1 = arith.constant 0 : i32
    return %c0_i32, %c0_i32_0 : i32, i32
  }
  func.func @transform_6(%arg0: i32) -> (i32, i32) {
    %c0_i32 = arith.constant 0 : i32
    %c0_i32_0 = arith.constant 0 : i32
    %c0_i32_1 = arith.constant 0 : i32
    return %c0_i32, %c0_i32_0 : i32, i32
  }
  func.func @transform_7(%arg0: i32) -> (i32, i32) {
    %c0_i32 = arith.constant 0 : i32
    %c0_i32_0 = arith.constant 0 : i32
    %c0_i32_1 = arith.constant 0 : i32
    return %c0_i32, %c0_i32_0 : i32, i32
  }
  func.func @transform_8(%arg0: i32) -> (i32, i32) {
    %c0_i32 = arith.constant 0 : i32
    %c0_i32_0 = arith.constant 0 : i32
    %c0_i32_1 = arith.constant 0 : i32
    return %c0_i32, %c0_i32_0 : i32, i32
  }
  func.func @transform_9(%arg0: i32) -> (i32, i32) {
    %c0_i32 = arith.constant 0 : i32
    %c0_i32_0 = arith.constant 0 : i32
    %c0_i32_1 = arith.constant 0 : i32
    return %c0_i32, %c0_i32_0 : i32, i32
  }
  func.func @transform_10(%arg0: i32) -> (i32, i32) {
    %c0_i32 = arith.constant 0 : i32
    %c0_i32_0 = arith.constant 0 : i32
    %c0_i32_1 = arith.constant 0 : i32
    return %c0_i32, %c0_i32_0 : i32, i32
  }
  func.func @transform_11(%arg0: i32) -> (i32, i32) {
    %c0_i32 = arith.constant 0 : i32
    %c0_i32_0 = arith.constant 0 : i32
    %c0_i32_1 = arith.constant 0 : i32
    return %c0_i32, %c0_i32_0 : i32, i32
  }
  func.func @transform_12(%arg0: i32) -> (i32, i32) {
    %c0_i32 = arith.constant 0 : i32
    %c0_i32_0 = arith.constant 0 : i32
    %c0_i32_1 = arith.constant 0 : i32
    return %c0_i32, %c0_i32_0 : i32, i32
  }
  func.func @transform_13(%arg0: i32) -> (i32, i32) {
    %c0_i32 = arith.constant 0 : i32
    %c0_i32_0 = arith.constant 0 : i32
    return %arg0, %c0_i32 : i32, i32
  }
}

</mosaic_0001>

<sc_bundles>
// kernel: kernel.6.cloned.1.call-start
scs
__scs_entry_jumppad:
0x0: {  	(pc) =	sbr.rel $0x88, $3  }
0x1: {  	(tag) =	ssettag $0x0;
	lr =	simm.s32 $0x1  }
0x2: {  	[smem:$0x3F93] =	sst lr;
	_ =	strace $0xD0000000  }
0x3: {  	_ = 	snop  }
0x4: {  	_ = 	snop  }
0x5: {  	_ = 	snop  }
0x6: {  	_ = 	snop  }
0x7: {  	_ = 	snop  }
__scs_overlays_trampoline_lowered:
0x8: {  	[smem:$0x3FA2] =	sst s0  }
0x9: {  	[smem:$0x3FA3] =	sst s1  }
0xa: {  	[smem:$0x3FA4] =	sst s2  }
0xb: {  	[smem:$0x3FA5] =	sst s3  }
0xc: {  	[smem:$0x3FA6] =	sst s4  }
0xd: {  	[smem:$0x3FA7] =	sst s5  }
0xe: {  	[smem:$0x3FA8] =	sst s6  }
0xf: {  	[smem:$0x3FA9] =	sst s7  }
0x10: {  	[smem:$0x3FAA] =	sst s8  }
0x11: {  	[smem:$0x3FAB] =	sst s9;
	s0 =	simm.s32 @!p0 $0x0  }
0x12: {  	s1 =	sld [smem:$0x3F91];
	s0 =	simm.s32 @p0 $0x1  }
0x13: {  	[smem:$0x3FAC] =	sst s0;
	s0 =	simm.s32 @!p1 $0x0  }
0x14: {  	s2 =	sld [smem:$0x3F90];
	s0 =	simm.s32 @p1 $0x1  }
0x15: {  	[smem:$0x3FAD] =	sst s0;
	s0 =	simm.s32 @!p2 $0x0  }
0x16: {  	s3 =	sld [smem:$0x3FDB];
	s0 =	simm.s32 @p2 $0x1  }
0x17: {  	s4 =	simm.s32 $0x1BF5;
	[smem:$0x3FAF] =	sst s0  }
0x18: {  	s0 =	sld [smem:$0x3F92];
	_ =	swait.ge [sflag:s4], $0x0  }
0x19: {  	s7 =	sld [smem:$0x3F93]  }
0x1a: {  	s8 =	sadd.s32 $0xFFFFE003, lr  }
0x1b: {  	s9 =	sadd.s32 $0xFFFFFEF7, lr;
	s5 =	simm.s32 $0xFFFFFFFF;
	p2 =	slt.u32 s8, $0xFFFFF086  }
0x1c: {  	p1 =	slt.u32 s9, $0xF7A;
	s5 =	simm.s32 @!p2 $0x0  }
0x1d: {  	s5 =	simm.s32 @p1 $0x1;
	p0 =	seq.s32 s7, s2  }
0x1e: {  	s7 =	smul.u32 @!p0 $0xF7A, s2;
	p2 =	seq.s32 @!p0 s5, $0x0  }
0x1f: {  	s9 =	smul.u32 $0xF7A, s1;
	s8 =	simm.s32 @!p0 $0x1BF5;
	p2 =	por !p2, p0  }
0x20: {  	[sflag:s8] =	ssyncset.s32 @!p0 $0xFFFFF086;
	s6 =	sadd.s32 @!p0 s3, s7;
	s7 =	simm.s32 @!p0 $0x108  }
0x21: {  	s3 =	sadd.s32 s3, s9;
	s6 =	sadd.s32 @!p0 $0x88, s6;
	s7 =	simm.s32 @p2 $0x1082  }
0x22: {  	[simem:s7], [sflag:s8] =	dma.local @!p0 [hbm:s6], $0xF7A  }
0x23: {  	s9 =	sor.u32 $0xD0000000, s2;
	s6 =	simm.s32 $0x108;
	_ =	swait.ge @!p0 [sflag:s8], $0x0  }
0x24: {  	s3 =	sadd.s32 $0x88, s3;
	s6 =	simm.s32 @!p1 $0x1082;
	[sflag:s4] =	ssyncset.s32 $0xFFFFF086  }
0x25: {  	[simem:s6], [sflag:s4] =	dma.local [hbm:s3], $0xF7A  }
0x26: {  	[smem:$0x3F93] =	sst s1;
	(tag) =	ssettag s2;
	_ =	strace s9  }
0x27: {  	s1 =	sld [smem:$0x3FA3]  }
0x28: {  	s2 =	sld [smem:$0x3FA4]  }
0x29: {  	s4 =	sld [smem:$0x3FA6]  }
0x2a: {  	p0 =	seq.s32 s5, $0x0;
	s5 =	sld [smem:$0x3FA7]  }
0x2b: {  	s6 =	sld [smem:$0x3FA8]  }
0x2c: {  	s7 =	sld [smem:$0x3FA9]  }
0x2d: {  	s3 =	simm.s32 $0x108;
	s8 =	sld [smem:$0x3FAA]  }
0x2e: {  	s3 =	simm.s32 @!p0 $0x1082;
	s9 =	sld [smem:$0x3FAB]  }
0x2f: {  	lr =	sadd.s32 s0, s3;
	s0 =	sld [smem:$0x3FA2]  }
0x30: {  	s3 =	sld [smem:$0x3FA5]  }
0x31: {  	[smem:$0x3FAE] =	sst s10  }
0x32: {  	s10 =	sld [smem:$0x3FAC];
	_ =	sdelay $0x3  }
0x33: {  	p0 =	seq.s32 s10, $0x1;
	s10 =	sld [smem:$0x3FAE];
	_ =	sdelay $0x3  }
0x34: {  	[smem:$0x3FAE] =	sst s10  }
0x35: {  	s10 =	sld [smem:$0x3FAD];
	_ =	sdelay $0x3  }
0x36: {  	p1 =	seq.s32 s10, $0x1;
	s10 =	sld [smem:$0x3FAE];
	_ =	sdelay $0x3  }
0x37: {  	[smem:$0x3FAE] =	sst s10  }
0x38: {  	s10 =	sld [smem:$0x3FAF]  }
0x39: {  	_ = 	snop;
	(pc) =	sbr.ind lr, $3  }
0x3a: {  	_ = 	snop  }
0x3b: {  	_ = 	snop  }
0x3c: {  	p2 =	seq.s32 s10, $0x1;
	s10 =	sld [smem:$0x3FAE]  }
0x3d: {  	_ =	shalt  }
0x3e: {  	_ =	shalt  }
0x3f: {  	_ =	shalt  }
0x40: {  	_ =	shalt  }
0x41: {  	_ =	shalt  }
0x42: {  	_ =	shalt  }
0x43: {  	_ =	shalt  }
0x44: {  	_ =	shalt  }
0x45: {  	_ =	shalt  }
0x46: {  	_ =	shalt  }
0x47: {  	_ =	shalt  }
0x48: {  	_ =	shalt  }
0x49: {  	_ =	shalt  }
0x4a: {  	_ =	shalt  }
0x4b: {  	_ =	shalt  }
0x4c: {  	_ =	shalt  }
0x4d: {  	_ =	shalt  }
0x4e: {  	_ =	shalt  }
0x4f: {  	_ =	shalt  }
0x50: {  	_ =	shalt  }
0x51: {  	_ =	shalt  }
0x52: {  	_ =	shalt  }
0x53: {  	_ =	shalt  }
0x54: {  	_ =	shalt  }
0x55: {  	_ =	shalt  }
0x56: {  	_ =	shalt  }
0x57: {  	_ =	shalt  }
0x58: {  	_ =	shalt  }
0x59: {  	_ =	shalt  }
0x5a: {  	_ =	shalt  }
0x5b: {  	_ =	shalt  }
0x5c: {  	_ =	shalt  }
0x5d: {  	_ =	shalt  }
0x5e: {  	_ =	shalt  }
0x5f: {  	_ =	shalt  }
0x60: {  	_ =	shalt  }
0x61: {  	_ =	shalt  }
0x62: {  	_ =	shalt  }
0x63: {  	_ =	shalt  }
0x64: {  	_ =	shalt  }
0x65: {  	_ =	shalt  }
0x66: {  	_ =	shalt  }
0x67: {  	_ =	shalt  }
0x68: {  	_ =	shalt  }
0x69: {  	_ =	shalt  }
0x6a: {  	_ =	shalt  }
0x6b: {  	_ =	shalt  }
0x6c: {  	_ =	shalt  }
0x6d: {  	_ =	shalt  }
0x6e: {  	_ =	shalt  }
0x6f: {  	_ =	shalt  }
0x70: {  	_ =	shalt  }
0x71: {  	_ =	shalt  }
0x72: {  	_ =	shalt  }
0x73: {  	_ =	shalt  }
0x74: {  	_ =	shalt  }
0x75: {  	_ =	shalt  }
0x76: {  	_ =	shalt  }
0x77: {  	_ =	shalt  }
0x78: {  	_ =	shalt  }
0x79: {  	_ =	shalt  }
0x7a: {  	_ =	shalt  }
0x7b: {  	_ =	shalt  }
0x7c: {  	_ =	shalt  }
0x7d: {  	_ =	shalt  }
0x7e: {  	_ =	shalt  }
0x7f: {  	_ =	shalt  }
0x80: {  	_ =	shalt  }
0x81: {  	_ =	shalt  }
0x82: {  	_ =	shalt  }
0x83: {  	_ =	shalt  }
0x84: {  	_ =	shalt  }
0x85: {  	_ =	shalt  }
0x86: {  	_ =	shalt  }
0x87: {  	_ =	shalt  }
.Lfunc_end0:
.L_simem_size_0:
called_computation_lowered:
.L_overlay_start_0:
0x88: {  	s2 =	sld [smem:$0x3FD9]  }
0x89: {  	s3 =	sld [smem:$0x3FFE];
	_ =	sdelay $0x1  }
0x8a: {  	s1 =	srdreg.scid  }
0x8b: {  	s0 =	sand.u32 $0x1, s1  }
0x8c: {  	s17 =	sshll.u32 s0, $0xA;
	s2 =	sadd.s32 s3, s2  }
0x8d: {  	s2 =	sadd.s32 s2, s17  }
0x8e: {  	[smem:$0x3FBA] =	sst s2  }
0x8f: {  	_ = 	snop  }
0x90: {  	s2 =	sld [smem:$0x3FD0];
	(tm) =	ssettm $0x1  }
0x91: {  	s18 =	sld [smem:$0x3FFB];
	_ =	sdelay $0x3  }
0x92: {  	_ =	strace s18  }
0x93: {  	s3 =	sld [smem:$0x3FFC];
	_ =	sdelay $0x3  }
0x94: {  	_ =	strace s3  }
0x95: {  	s3 =	sld [smem:$0x3FFD];
	_ =	sdelay $0x3  }
0x96: {  	_ =	strace s3  }
0x97: {  	_ =	strace $0x8FFFFFFF  }
0x98: {  	s19 =	sld [smem:$0x3FDB];
	_ =	sdelay $0x1  }
0x99: {  	s4 =	simm.s32 $_scs_section_size  }
0x9a: {  	s5 =	simm.s32 $_size__tile_overlayer_lowered;
	s6 =	simm.s32 $_tile_overlayer_lowered  }
0x9b: {  	s22 =	simm.s32 $0x1BFF;
	s21 =	sshll.u32 s6, $0x1;
	s3 =	sadd.s32 s4, s19  }
0x9c: {  	s7 =	simm.s32 $0x0;
	s20 =	sshll.u32 s5, $0x1;
	s5 =	sadd.s32 s21, s3  }
0x9d: {  	[timem:s7], [sflag:s22] =	dma.local [hbm:s5], s20  }
0x9e: {  	_ =	swait.ge [sflag:s22], s20  }
0x9f: {  	s4 =	ssub.s32 $0x0, s20;
	[sflag:s22] =	ssyncset.done $0x0  }
0xa0: {  	[sflag:s22] =	ssyncadd.s32 s4;
	_ =	sdelay $0x1  }
0xa1: {  	s23 =	simm.s32 $0x1B8B  }
0xa2: {  	_ =	swait.ge [sflag:s23], $0x1  }
0xa3: {  	[sflag:s23] =	ssyncset.done $0x0  }
0xa4: {  	s25 =	simm.s32 $0x1B8E;
	s24 =	sld [smem:$0x3FFE];
	[sflag:s23] =	ssyncadd.s32 $0xFFFFFFFF  }
0xa5: {  	s26 =	simm.s32 $execute0_lowered;
	[smem:$0x3FD2] =	sst s25  }
0xa6: {  	s5 =	sshll.u32 s26, $0x1;
	_ =	strace $0x80000046;
	[dreg:$0x1] =	wrdreg $0xFFFFFFFF  }
0xa7: {  	s28 =	simm.s32 $_size_execute0_lowered;
	s3 =	sadd.s32 s3, s5;
	[dreg:$0x0] =	wrdreg $0x0  }
0xa8: {  	s5 =	sshll.u32 s28, $0x1;
	[dreg:$0x2] =	wrdreg s3  }
0xa9: {  	[dreg:$0x3] =	wrdreg s5  }
0xaa: {  	[dreg:$0x4] =	wrdreg $0xC0  }
0xab: {  	_ =	task [dreg:s7], $0x5FFFF  }
0xac: {  	[dreg:$0x1] =	wrdreg $0xFFFFFFFF  }
0xad: {  	[dreg:$0x0] =	wrdreg $0x60  }
0xae: {  	[dreg:$0x2] =	wrdreg s24  }
0xaf: {  	[dreg:$0x3] =	wrdreg s2  }
0xb0: {  	[dreg:$0x4] =	wrdreg $0x16C800  }
0xb1: {  	[dreg:$0x5] =	wrdreg $0x11D800  }
0xb2: {  	[dreg:$0x6] =	wrdreg $0x9  }
0xb3: {  	_ =	task.clear_ibuf [dreg:s7], $0x7FFFF;
	_ =	strace $0x90000046  }
0xb4: {  	s29 =	simm.s32 $0x9;
	_ =	strace $0x80000048  }
0xb5: {  	_ =	swait.ge [sflag:s29], $0x1  }
0xb6: {  	[sflag:s29] =	ssyncadd.s32 $0xFFFFFFFF  }
0xb7: {  	_ =	strace $0x90000048  }
0xb8: {  	_ =	sfence  }
0xb9: {  	s30 =	sld [smem:$0x0];
	_ =	sdelay $0x2  }
0xba: {  	s31 =	sshll.u32 s1, $0xD;
	s1 =	sshrl.u32 s1, $0x2  }
0xbb: {  	s3 =	sand.u32 $0x4000, s31;
	s1 =	sadd.s32 s1, s30  }
0xbc: {  	s0 =	sor.u32 s3, s0;
	s1 =	sshll.u32 s1, $0x11  }
0xbd: {  	s0 =	sor.u32 s1, s0  }
0xbe: {  	s0 =	sadd.s32 $0x8F2B, s0  }
0xbf: {  	[sflag:s0] =	ssyncadd.remote.s32 $0x1  }
0xc0: {  	_ =	sfence.sel $0xFFFF  }
0xc1: {  	[dreg:$0x0] =	wrdreg $0xFFFFFFFF;
	(pc) =	sbr.abs _section_cstart, $3  }
0xc2: {  	[dreg:$0x1] =	wrdreg $0xFFFFFFFF  }
0xc3: {  	_ =	task.clear_ibuf [dreg:s7], $0x2FFFF;
	_ =	strace $0x9FFFFFFF  }
0xc4: {  	(tm) =	ssettm $0x7FFFFFFF  }
0xc5: {  	_ =	shalt  }
tec
execute0_lowered:
.L_overlay_start_1:
0x0: {  	(tag) =	ssettag $0x1  }
0x1: {  	s0 =	rddreg [dreg:$0x0]  }
0x2: {  	s2 =	rddreg [dreg:$0x2]  }
0x3: {  	s3 =	rddreg [dreg:$0x3];
	s11 =	stileid.u32  }
0x4: {  	s4 =	srdreg.scid;
	s6 =	simm.s32 $0x0;
	s16 =	simm.s32 $0x7D  }
0x5: {  	s18 =	simm.s32 $0xA;
	s20 =	simm.s32 $0x2;
	s1 =	smul.u32 $0xA00, s11  }
0x6: {  	s29 =	simm.s32 $0x6;
	s5 =	smul.u32 $0x9E00, s11;
	s4 =	sand.u32 $0x1, s4  }
0x7: {  	s31 =	simm.s32 $0x7;
	[smem:$0x7FF] =	sst s6;
	s21 =	smul.u32 $0x9E000, s4  }
0x8: {  	s30 =	simm.s32 $0xA000;
	_ =	strace $0x80000047;
	s8 =	smul.u32 $0x4E2, s4  }
0x9: {  	s9 =	ssub.s32 $0x2, s4;
	p0 =	seq.s32 s4, $0x0;
	p1 =	seq.s32 s4, $0x1  }
0xa: {  	s4 =	simm.s32 $0x8;
	s1 =	sadd.s32 s1, s0;
	s7 =	sshrl.u32 s5, $0x4  }
0xb: {  	s10 =	sshrl.u32 s9, $0x1;
	s23 =	sshrl.u32 s5, $0x1;
	p2 =	por !p1, !p1  }
0xc: {  	s6 =	sadd.s32 s5, s21;
	s7 =	sadd.s32 s7, s0;
	s22 =	sadd.s32 $0x29C00, s1  }
0xd: {  	s8 =	sadd.s32 s8, s0;
	s1 =	sadd.s32 $0x1FC00, s1;
	[dreg:$0x5] =	wrdreg s22  }
0xe: {  	s9 =	ssub.s32 s9, s10;
	s6 =	sshrl.u32 s6, $0x4;
	[dreg:$0x6] =	wrdreg s1  }
0xf: {  	s1 =	sadd.s32 s23, s3;
	s24 =	sadd.s32 $0x2200, s7;
	s26 =	sadd.s32 $0x47800, s8  }
0x10: {  	s28 =	smax.u32 s9, $0x1;
	s8 =	simm.s32 $0x9;
	[dreg:$0x7] =	wrdreg s1  }
0x11: {  	s22 =	simm.s32 $0x3;
	s7 =	simm.s32 $0x0;
	[dreg:$0x8] =	wrdreg s24  }
0x12: {  	s6 =	sadd.s32 s6, s0;
	[dreg:$0xa] =	wrdreg s26;
	s1 =	simm.s32 $0x15E00  }
0x13: {  	[dreg:$0xb] =	wrdreg s28;
	s24 =	simm.s32 $0x4;
	s26 =	simm.s32 $0x5  }
0x14: {  	s25 =	sadd.s32 $0x33C00, s6;
	s1 =	simm.s32 @!p0 $0xC000;
	p0 =	sne.s32 s11, $0x0  }
0x15: {  	[dreg:$0x9] =	wrdreg s25;
	s13 =	sadd.s32 s1, s0;
	s9 =	sshrl.u32 @!p0 s2, $0x3  }
0x16: {  	v0 =	vimm.f32 $1.000000000e+00;
	s0 =	simm.s32 $0x10D60;
	s1 =	simm.s32 $0x1;
	[dreg:$0xc] =	wrdreg s9  }
.LBB2_1:
0x17: {  	[dreg:$0xd] =	wrdreg s7  }
0x18: {  	s10 =	simm.s32 $0x0;
	s5 =	rddreg [dreg:$0x5]  }
0x19: {  	[tilespmem:s10], [sflag:$0x9] =	stream.linear.gather [hbm4b:s5+s10], $0x5000, $0x38;
	[tilespmem:$0x16EF8] =	vst v63  }
0x1a: {  	_ =	swait.ge [sflag:s8], $0x5000  }
0x1b: {  	[sflag:s8] =	ssyncset.done $0x0  }
0x1c: {  	[sflag:s8] =	ssyncadd.s32 $0xFFFFB000  }
0x1d: {  	s5 =	simm.s32 @!p0 $0x1C09;
	s6 =	rddreg [dreg:$0x1]  }
0x1e: {  	[spmem:s9], [sflag:s5] =	dma.local @!p0 [hbm:s6], $0x4E2  }
0x1f: {  	s5 =	simm.s32 @!p0 $0x9  }
0x20: {  	_ =	swait.ge @!p0 [sflag:s5], $0x4E2  }
0x21: {  	[sflag:s5] =	ssyncset.done @!p0 $0x0  }
0x22: {  	[sflag:s5] =	ssyncadd.s32 @!p0 $0xFFFFFB1E  }
0x23: {  	[tilespmem:$0x11D00] =	vst v0  }
0x24: {  	[tilespmem:$0x11D10] =	vst v0  }
0x25: {  	[tilespmem:$0x11D20] =	vst v0  }
0x26: {  	[tilespmem:$0x11D30] =	vst v0  }
0x27: {  	[tilespmem:$0x11D40] =	vst v0  }
0x28: {  	[tilespmem:$0x11D50] =	vst v0  }
0x29: {  	[tilespmem:$0x11D60] =	vst v0  }
0x2a: {  	s6 =	simm.s32 $0xA000;
	[tilespmem:$0x11D70] =	vst v0  }
0x2b: {  	[tilespmem:s6], [sflag:$0x1] =	stream.indirect.gather [hbm4b:s13+s16], $0x20, s10, s16, $0xb8;
	[tilespmem:$0x16EF8] =	vst v63  }
0x2c: {  	s14 =	simm.s32 $0x80;
	s11 =	simm.s32 $0xAFA0  }
0x2d: {  	[tilespmem:s11], [sflag:$0x2] =	stream.indirect.gather [hbm4b:s13+s16], $0x20, s14, s16, $0xb8;
	[tilespmem:$0x16EF8] =	vst v63  }
0x2e: {  	s15 =	simm.s32 $0x100;
	s12 =	simm.s32 $0xBF40  }
0x2f: {  	[tilespmem:s12], [sflag:$0x3] =	stream.indirect.gather [hbm4b:s13+s16], $0x20, s15, s16, $0xb8;
	[tilespmem:$0x16EF8] =	vst v63  }
0x30: {  	s17 =	simm.s32 $0x180;
	s14 =	simm.s32 $0xCEE0  }
0x31: {  	[tilespmem:s14], [sflag:$0x4] =	stream.indirect.gather [hbm4b:s13+s16], $0x20, s17, s16, $0xb8;
	[tilespmem:$0x16EF8] =	vst v63  }
0x32: {  	s19 =	simm.s32 $0x200;
	s15 =	simm.s32 $0xDE80  }
0x33: {  	[tilespmem:s15], [sflag:$0x5] =	stream.indirect.gather [hbm4b:s13+s16], $0x20, s19, s16, $0xb8;
	[tilespmem:$0x16EF8] =	vst v63  }
0x34: {  	s21 =	simm.s32 $0x280;
	s17 =	simm.s32 $0xEE20  }
0x35: {  	[tilespmem:s17], [sflag:$0x6] =	stream.indirect.gather [hbm4b:s13+s16], $0x20, s21, s16, $0xb8;
	[tilespmem:$0x16EF8] =	vst v63  }
0x36: {  	s23 =	simm.s32 $0x300;
	s9 =	stileid.u32;
	s19 =	simm.s32 $0xFDC0  }
0x37: {  	[tilespmem:s19], [sflag:$0x7] =	stream.indirect.gather [hbm4b:s13+s16], $0x20, s23, s16, $0xb8;
	[tilespmem:$0x16EF8] =	vst v63  }
0x38: {  	s28 =	simm.s32 $0x5000;
	s25 =	rddreg [dreg:$0x6];
	s5 =	sshll.u32 s9, $0x6  }
0x39: {  	[tilespmem:s28], [sflag:$0x9] =	stream.linear.gather [hbm4b:s25+s10], $0x5000, $0x38;
	[tilespmem:$0x16EF8] =	vst v63  }
0x3a: {  	s10 =	sor.u32 $0x1C09, s5  }
0x3b: {  	_ =	swait.ge [sflag:s8], $0x5000;
	[dreg:$0xe] =	wrdreg s10  }
0x3c: {  	s21 =	rddreg [dreg:$0x7]  }
0x3d: {  	[sflag:s8] =	ssyncset.done $0x0;
	s25 =	rddreg [dreg:$0x8];
	s23 =	sshrl.u32 s21, $0x3  }
0x3e: {  	[sflag:s8] =	ssyncadd.s32 $0xFFFFB000;
	[dreg:$0xf] =	wrdreg s23  }
0x3f: {  	[spmem:s23], [sflag:s10] =	dma.local [hbm:s25], $0x9E0  }
0x40: {  	_ =	swait.ge [sflag:s8], $0x9E0  }
0x41: {  	[sflag:s8] =	ssyncset.done $0x0  }
0x42: {  	[sflag:s8] =	ssyncadd.s32 $0xFFFFF620  }
0x43: {  	s28 =	simm.s32 $0x380;
	[bflag:$0x0] =	sbarrier.arrive $0xFFFF  }
0x44: {  	[tilespmem:s0], [sflag:$0x8] =	stream.indirect.gather [hbm4b:s13+s16], $0x20, s28, s16, $0xb8;
	[tilespmem:$0x16EF8] =	vst v63  }
0x45: {  	_ =	swait.ge [sflag:s1], $0xFA0  }
0x46: {  	p4 =	por $0x1, $0x1;
	[sflag:s1] =	ssyncset.done $0x0  }
0x47: {  	p3 =	por p2, p2;
	s8 =	simm.s32 $0x5000;
	[sflag:s1] =	ssyncadd.s32 $0xFFFFF060  }
0x48: {  	[spmem:s3] =	stream.indirect.scatter.add.bf16 [tilespmem:s6], [sflag:$0xA], $0x20, s8, s16, $0xb8;
	[tilespmem:$0x16EF8] =	vst v63  }
0x49: {  	p3 =	por @!p4 p1, p1;
	_ =	swait.ge [sflag:s18], $0xFA0  }
0x4a: {  	s7 =	simm.s32 @p3 $0xA;
	[sflag:s18] =	ssyncset.done $0x0  }
0x4b: {  	s5 =	simm.s32 @p3 $0x7D;
	s6 =	simm.s32 @p3 $0x11D00;
	[sflag:s18] =	ssyncadd.s32 $0xFFFFF060  }
0x4c: {  	[spmem:s2] =	stream.indirect.scatter.add.f32 @p3 [tilespmem:s6], [sflag:$0xA], $0x1, s8, s5, $0xb8;
	[tilespmem:$0x16EF8] =	vst v63  }
0x4d: {  	p4 =	por $0x0, $0x0;
	_ =	swait.ge @p3 [sflag:s7], $0x7D  }
0x4e: {  	s9 =	simm.s32 @!p4 $0xA000;
	[sflag:s7] =	ssyncset.done @p3 $0x0  }
0x4f: {  	s10 =	simm.s32 @!p4 $0x400;
	s8 =	simm.s32 @!p4 $0x7D;
	[sflag:s7] =	ssyncadd.s32 @p3 $0xFFFFFF83  }
0x50: {  	[tilespmem:s9], [sflag:$0x1] =	stream.indirect.gather @!p4 [hbm4b:s13+s8], $0x20, s10, s8, $0xb8;
	[tilespmem:$0x16EF8] =	vst v63  }
0x51: {  	_ =	swait.ge [sflag:s20], $0xFA0  }
0x52: {  	[sflag:s20] =	ssyncset.done $0x0  }
0x53: {  	s9 =	simm.s32 $0x5080;
	[sflag:s20] =	ssyncadd.s32 $0xFFFFF060  }
0x54: {  	[spmem:s3] =	stream.indirect.scatter.add.bf16 [tilespmem:s11], [sflag:$0xA], $0x20, s9, s16, $0xb8;
	[tilespmem:$0x16EF8] =	vst v63  }
0x55: {  	_ =	swait.ge [sflag:s18], $0xFA0  }
0x56: {  	[sflag:s18] =	ssyncset.done $0x0  }
0x57: {  	[sflag:s18] =	ssyncadd.s32 $0xFFFFF060  }
0x58: {  	[spmem:s2] =	stream.indirect.scatter.add.f32 @p3 [tilespmem:s6], [sflag:$0xA], $0x1, s9, s5, $0xb8;
	[tilespmem:$0x16EF8] =	vst v63  }
0x59: {  	_ =	swait.ge @p3 [sflag:s7], $0x7D  }
0x5a: {  	[sflag:s7] =	ssyncset.done @p3 $0x0  }
0x5b: {  	s10 =	simm.s32 @!p4 $0xAFA0;
	s9 =	simm.s32 @!p4 $0x480;
	[sflag:s7] =	ssyncadd.s32 @p3 $0xFFFFFF83  }
0x5c: {  	[tilespmem:s10], [sflag:$0x2] =	stream.indirect.gather @!p4 [hbm4b:s13+s8], $0x20, s9, s8, $0xb8;
	[tilespmem:$0x16EF8] =	vst v63  }
0x5d: {  	_ =	swait.ge [sflag:s22], $0xFA0  }
0x5e: {  	[sflag:s22] =	ssyncset.done $0x0  }
0x5f: {  	s9 =	simm.s32 $0x5100;
	[sflag:s22] =	ssyncadd.s32 $0xFFFFF060  }
0x60: {  	[spmem:s3] =	stream.indirect.scatter.add.bf16 [tilespmem:s12], [sflag:$0xA], $0x20, s9, s16, $0xb8;
	[tilespmem:$0x16EF8] =	vst v63  }
0x61: {  	_ =	swait.ge [sflag:s18], $0xFA0  }
0x62: {  	[sflag:s18] =	ssyncset.done $0x0  }
0x63: {  	[sflag:s18] =	ssyncadd.s32 $0xFFFFF060  }
0x64: {  	[spmem:s2] =	stream.indirect.scatter.add.f32 @p3 [tilespmem:s6], [sflag:$0xA], $0x1, s9, s5, $0xb8;
	[tilespmem:$0x16EF8] =	vst v63  }
0x65: {  	_ =	swait.ge @p3 [sflag:s7], $0x7D  }
0x66: {  	[sflag:s7] =	ssyncset.done @p3 $0x0  }
0x67: {  	s10 =	simm.s32 @!p4 $0xBF40;
	s9 =	simm.s32 @!p4 $0x500;
	[sflag:s7] =	ssyncadd.s32 @p3 $0xFFFFFF83  }
0x68: {  	[tilespmem:s10], [sflag:$0x3] =	stream.indirect.gather @!p4 [hbm4b:s13+s8], $0x20, s9, s8, $0xb8;
	[tilespmem:$0x16EF8] =	vst v63  }
0x69: {  	_ =	swait.ge [sflag:s24], $0xFA0  }
0x6a: {  	[sflag:s24] =	ssyncset.done $0x0  }
0x6b: {  	s9 =	simm.s32 $0x5180;
	[sflag:s24] =	ssyncadd.s32 $0xFFFFF060  }
0x6c: {  	[spmem:s3] =	stream.indirect.scatter.add.bf16 [tilespmem:s14], [sflag:$0xA], $0x20, s9, s16, $0xb8;
	[tilespmem:$0x16EF8] =	vst v63  }
0x6d: {  	_ =	swait.ge [sflag:s18], $0xFA0  }
0x6e: {  	[sflag:s18] =	ssyncset.done $0x0  }
0x6f: {  	[sflag:s18] =	ssyncadd.s32 $0xFFFFF060  }
0x70: {  	[spmem:s2] =	stream.indirect.scatter.add.f32 @p3 [tilespmem:s6], [sflag:$0xA], $0x1, s9, s5, $0xb8;
	[tilespmem:$0x16EF8] =	vst v63  }
0x71: {  	_ =	swait.ge @p3 [sflag:s7], $0x7D  }
0x72: {  	[sflag:s7] =	ssyncset.done @p3 $0x0  }
0x73: {  	s10 =	simm.s32 @!p4 $0xCEE0;
	s9 =	simm.s32 @!p4 $0x580;
	[sflag:s7] =	ssyncadd.s32 @p3 $0xFFFFFF83  }
0x74: {  	[tilespmem:s10], [sflag:$0x4] =	stream.indirect.gather @!p4 [hbm4b:s13+s8], $0x20, s9, s8, $0xb8;
	[tilespmem:$0x16EF8] =	vst v63  }
0x75: {  	_ =	swait.ge [sflag:s26], $0xFA0  }
0x76: {  	[sflag:s26] =	ssyncset.done $0x0  }
0x77: {  	s9 =	simm.s32 $0x5200;
	[sflag:s26] =	ssyncadd.s32 $0xFFFFF060  }
0x78: {  	[spmem:s3] =	stream.indirect.scatter.add.bf16 [tilespmem:s15], [sflag:$0xA], $0x20, s9, s16, $0xb8;
	[tilespmem:$0x16EF8] =	vst v63  }
0x79: {  	_ =	swait.ge [sflag:s18], $0xFA0  }
0x7a: {  	[sflag:s18] =	ssyncset.done $0x0  }
0x7b: {  	[sflag:s18] =	ssyncadd.s32 $0xFFFFF060  }
0x7c: {  	[spmem:s2] =	stream.indirect.scatter.add.f32 @p3 [tilespmem:s6], [sflag:$0xA], $0x1, s9, s5, $0xb8;
	[tilespmem:$0x16EF8] =	vst v63  }
0x7d: {  	_ =	swait.ge @p3 [sflag:s7], $0x7D  }
0x7e: {  	[sflag:s7] =	ssyncset.done @p3 $0x0  }
0x7f: {  	s10 =	simm.s32 @!p4 $0xDE80;
	s9 =	simm.s32 @!p4 $0x600;
	[sflag:s7] =	ssyncadd.s32 @p3 $0xFFFFFF83  }
0x80: {  	[tilespmem:s10], [sflag:$0x5] =	stream.indirect.gather @!p4 [hbm4b:s13+s8], $0x20, s9, s8, $0xb8;
	[tilespmem:$0x16EF8] =	vst v63  }
0x81: {  	_ =	swait.ge [sflag:s29], $0xFA0  }
0x82: {  	[sflag:s29] =	ssyncset.done $0x0  }
0x83: {  	s9 =	simm.s32 $0x5280;
	[sflag:s29] =	ssyncadd.s32 $0xFFFFF060  }
0x84: {  	[spmem:s3] =	stream.indirect.scatter.add.bf16 [tilespmem:s17], [sflag:$0xA], $0x20, s9, s16, $0xb8;
	[tilespmem:$0x16EF8] =	vst v63  }
0x85: {  	_ =	swait.ge [sflag:s18], $0xFA0  }
0x86: {  	[sflag:s18] =	ssyncset.done $0x0  }
0x87: {  	[sflag:s18] =	ssyncadd.s32 $0xFFFFF060  }
0x88: {  	[spmem:s2] =	stream.indirect.scatter.add.f32 @p3 [tilespmem:s6], [sflag:$0xA], $0x1, s9, s5, $0xb8;
	[tilespmem:$0x16EF8] =	vst v63  }
0x89: {  	_ =	swait.ge @p3 [sflag:s7], $0x7D  }
0x8a: {  	[sflag:s7] =	ssyncset.done @p3 $0x0  }
0x8b: {  	s10 =	simm.s32 @!p4 $0xEE20;
	s9 =	simm.s32 @!p4 $0x680;
	[sflag:s7] =	ssyncadd.s32 @p3 $0xFFFFFF83  }
0x8c: {  	[tilespmem:s10], [sflag:$0x6] =	stream.indirect.gather @!p4 [hbm4b:s13+s8], $0x20, s9, s8, $0xb8;
	[tilespmem:$0x16EF8] =	vst v63  }
0x8d: {  	_ =	swait.ge [sflag:s31], $0xFA0  }
0x8e: {  	[sflag:s31] =	ssyncset.done $0x0  }
0x8f: {  	s9 =	simm.s32 $0x5300;
	[sflag:s31] =	ssyncadd.s32 $0xFFFFF060  }
0x90: {  	[spmem:s3] =	stream.indirect.scatter.add.bf16 [tilespmem:s19], [sflag:$0xA], $0x20, s9, s16, $0xb8;
	[tilespmem:$0x16EF8] =	vst v63  }
0x91: {  	_ =	swait.ge [sflag:s18], $0xFA0  }
0x92: {  	[sflag:s18] =	ssyncset.done $0x0  }
0x93: {  	[sflag:s18] =	ssyncadd.s32 $0xFFFFF060  }
0x94: {  	[spmem:s2] =	stream.indirect.scatter.add.f32 @p3 [tilespmem:s6], [sflag:$0xA], $0x1, s9, s5, $0xb8;
	[tilespmem:$0x16EF8] =	vst v63  }
0x95: {  	_ =	swait.ge @p3 [sflag:s7], $0x7D  }
0x96: {  	[sflag:s7] =	ssyncset.done @p3 $0x0  }
0x97: {  	s9 =	simm.s32 @!p4 $0x700;
	[sflag:s7] =	ssyncadd.s32 @p3 $0xFFFFFF83;
	s7 =	simm.s32 @!p4 $0xFDC0  }
0x98: {  	[tilespmem:s7], [sflag:$0x7] =	stream.indirect.gather @!p4 [hbm4b:s13+s8], $0x20, s9, s8, $0xb8;
	[tilespmem:$0x16EF8] =	vst v63  }
0x99: {  	_ =	swait.ge [sflag:s4], $0xFA0  }
0x9a: {  	[sflag:s4] =	ssyncset.done $0x0  }
0x9b: {  	s7 =	simm.s32 $0x5380;
	[sflag:s4] =	ssyncadd.s32 $0xFFFFF060  }
0x9c: {  	[spmem:s3] =	stream.indirect.scatter.add.bf16 [tilespmem:s0], [sflag:$0xA], $0x20, s7, s16, $0xb8;
	[tilespmem:$0x16EF8] =	vst v63  }
0x9d: {  	_ =	swait.ge [sflag:s18], $0xFA0  }
0x9e: {  	[sflag:s18] =	ssyncset.done $0x0  }
0x9f: {  	[sflag:s18] =	ssyncadd.s32 $0xFFFFF060  }
0xa0: {  	[spmem:s2] =	stream.indirect.scatter.add.f32 @p3 [tilespmem:s6], [sflag:$0x9], $0x1, s7, s5, $0xb8;
	[tilespmem:$0x16EF8] =	vst v63  }
0xa1: {  	s11 =	simm.s32 $0x1000;
	s12 =	simm.s32 $0x2000;
	s6 =	simm.s32 @p3 $0x9  }
0xa2: {  	s10 =	simm.s32 $0x1;
	s9 =	simm.s32 $0x400;
	_ =	swait.ge @p3 [sflag:s6], $0x7D  }
.LBB2_2:
0xa3: {  	s5 =	sadd.s32 $0x380, s9  }
0xa4: {  	[sflag:s6] =	ssyncset.done @p3 $0x0;
	s21 =	smov.u32 s12;
	s12 =	sadd.s32 $0x1000, s12  }
0xa5: {  	p4 =	sne.s32 s12, $0x14000;
	[sflag:s6] =	ssyncadd.s32 @p3 $0xFFFFFF83  }
0xa6: {  	[tilespmem:s0], [sflag:$0x8] =	stream.indirect.gather [hbm4b:s13+s16], $0x20, s5, s16, $0xb8;
	[tilespmem:$0x16EF8] =	vst v63  }
0xa7: {  	_ =	swait.ge [sflag:s1], $0xFA0  }
0xa8: {  	s6 =	sadd.s32 $0x5000, s9;
	[sflag:s1] =	ssyncset.done $0x0  }
0xa9: {  	p5 =	slt.u32 s10, $0xA;
	p3 =	por p2, p2;
	[sflag:s1] =	ssyncadd.s32 $0xFFFFF060  }
0xaa: {  	[spmem:s3] =	stream.indirect.scatter.add.bf16 [tilespmem:s30], [sflag:$0xA], $0x20, s6, s16, $0xb8;
	[tilespmem:$0x16EF8] =	vst v63  }
0xab: {  	s28 =	sadd.s32 $0x5080, s9;
	p3 =	por @!p5 p1, p1;
	_ =	swait.ge [sflag:s18], $0xFA0  }
0xac: {  	s5 =	simm.s32 @p3 $0x7D;
	s15 =	simm.s32 @p3 $0x11D00;
	[sflag:s18] =	ssyncset.done $0x0  }
0xad: {  	p5 =	seq.s32 s11, $0x13000;
	s8 =	simm.s32 @p3 $0xA;
	[sflag:s18] =	ssyncadd.s32 $0xFFFFF060  }
0xae: {  	[spmem:s2] =	stream.indirect.scatter.add.f32 @p3 [tilespmem:s15], [sflag:$0xA], $0x1, s6, s5, $0xb8;
	[tilespmem:$0x16EF8] =	vst v63  }
0xaf: {  	s11 =	sshra.s32 @!p5 s11, $0x2;
	s6 =	simm.s32 @!p5 $0xA000;
	_ =	swait.ge @p3 [sflag:s8], $0x7D  }
0xb0: {  	s7 =	simm.s32 @!p5 $0x7D;
	s14 =	sadd.s32 @!p5 $0x400, s11;
	[sflag:s8] =	ssyncset.done @p3 $0x0  }
0xb1: {  	s23 =	sadd.s32 @!p5 $0x480, s11;
	s25 =	sadd.s32 @!p5 $0x500, s11;
	[sflag:s8] =	ssyncadd.s32 @p3 $0xFFFFFF83  }
0xb2: {  	[tilespmem:s6], [sflag:$0x1] =	stream.indirect.gather @!p5 [hbm4b:s13+s7], $0x20, s14, s7, $0xb8;
	[tilespmem:$0x16EF8] =	vst v63  }
0xb3: {  	s19 =	sadd.s32 @!p5 $0x580, s11;
	s17 =	sadd.s32 @!p5 $0x600, s11;
	_ =	swait.ge [sflag:s20], $0xFA0  }
0xb4: {  	s6 =	sadd.s32 @!p5 $0x680, s11;
	s14 =	sadd.s32 @!p5 $0x700, s11;
	[sflag:s20] =	ssyncset.done $0x0  }
0xb5: {  	s11 =	smov.u32 s21;
	s21 =	simm.s32 $0xAFA0;
	[sflag:s20] =	ssyncadd.s32 $0xFFFFF060  }
0xb6: {  	[spmem:s3] =	stream.indirect.scatter.add.bf16 [tilespmem:s21], [sflag:$0xA], $0x20, s28, s16, $0xb8;
	[tilespmem:$0x16EF8] =	vst v63  }
0xb7: {  	_ =	swait.ge [sflag:s18], $0xFA0  }
0xb8: {  	[sflag:s18] =	ssyncset.done $0x0  }
0xb9: {  	[sflag:s18] =	ssyncadd.s32 $0xFFFFF060  }
0xba: {  	[spmem:s2] =	stream.indirect.scatter.add.f32 @p3 [tilespmem:s15], [sflag:$0xA], $0x1, s28, s5, $0xb8;
	[tilespmem:$0x16EF8] =	vst v63  }
0xbb: {  	_ =	swait.ge @p3 [sflag:s8], $0x7D  }
0xbc: {  	s21 =	simm.s32 @!p5 $0xAFA0;
	[sflag:s8] =	ssyncset.done @p3 $0x0  }
0xbd: {  	[sflag:s8] =	ssyncadd.s32 @p3 $0xFFFFFF83  }
0xbe: {  	[tilespmem:s21], [sflag:$0x2] =	stream.indirect.gather @!p5 [hbm4b:s13+s7], $0x20, s23, s7, $0xb8;
	[tilespmem:$0x16EF8] =	vst v63  }
0xbf: {  	_ =	swait.ge [sflag:s22], $0xFA0  }
0xc0: {  	s21 =	sadd.s32 $0x5100, s9;
	[sflag:s22] =	ssyncset.done $0x0  }
0xc1: {  	s23 =	simm.s32 $0xBF40;
	[sflag:s22] =	ssyncadd.s32 $0xFFFFF060  }
0xc2: {  	[spmem:s3] =	stream.indirect.scatter.add.bf16 [tilespmem:s23], [sflag:$0xA], $0x20, s21, s16, $0xb8;
	[tilespmem:$0x16EF8] =	vst v63  }
0xc3: {  	_ =	swait.ge [sflag:s18], $0xFA0  }
0xc4: {  	[sflag:s18] =	ssyncset.done $0x0  }
0xc5: {  	[sflag:s18] =	ssyncadd.s32 $0xFFFFF060  }
0xc6: {  	[spmem:s2] =	stream.indirect.scatter.add.f32 @p3 [tilespmem:s15], [sflag:$0xA], $0x1, s21, s5, $0xb8;
	[tilespmem:$0x16EF8] =	vst v63  }
0xc7: {  	_ =	swait.ge @p3 [sflag:s8], $0x7D  }
0xc8: {  	s21 =	simm.s32 @!p5 $0xBF40;
	[sflag:s8] =	ssyncset.done @p3 $0x0  }
0xc9: {  	[sflag:s8] =	ssyncadd.s32 @p3 $0xFFFFFF83  }
0xca: {  	[tilespmem:s21], [sflag:$0x3] =	stream.indirect.gather @!p5 [hbm4b:s13+s7], $0x20, s25, s7, $0xb8;
	[tilespmem:$0x16EF8] =	vst v63  }
0xcb: {  	_ =	swait.ge [sflag:s24], $0xFA0  }
0xcc: {  	s21 =	sadd.s32 $0x5180, s9;
	[sflag:s24] =	ssyncset.done $0x0  }
0xcd: {  	s23 =	simm.s32 $0xCEE0;
	[sflag:s24] =	ssyncadd.s32 $0xFFFFF060  }
0xce: {  	[spmem:s3] =	stream.indirect.scatter.add.bf16 [tilespmem:s23], [sflag:$0xA], $0x20, s21, s16, $0xb8;
	[tilespmem:$0x16EF8] =	vst v63  }
0xcf: {  	_ =	swait.ge [sflag:s18], $0xFA0  }
0xd0: {  	[sflag:s18] =	ssyncset.done $0x0  }
0xd1: {  	[sflag:s18] =	ssyncadd.s32 $0xFFFFF060  }
0xd2: {  	[spmem:s2] =	stream.indirect.scatter.add.f32 @p3 [tilespmem:s15], [sflag:$0xA], $0x1, s21, s5, $0xb8;
	[tilespmem:$0x16EF8] =	vst v63  }
0xd3: {  	_ =	swait.ge @p3 [sflag:s8], $0x7D  }
0xd4: {  	s21 =	simm.s32 @!p5 $0xCEE0;
	[sflag:s8] =	ssyncset.done @p3 $0x0  }
0xd5: {  	[sflag:s8] =	ssyncadd.s32 @p3 $0xFFFFFF83  }
0xd6: {  	[tilespmem:s21], [sflag:$0x4] =	stream.indirect.gather @!p5 [hbm4b:s13+s7], $0x20, s19, s7, $0xb8;
	[tilespmem:$0x16EF8] =	vst v63  }
0xd7: {  	_ =	swait.ge [sflag:s26], $0xFA0  }
0xd8: {  	s19 =	sadd.s32 $0x5200, s9;
	[sflag:s26] =	ssyncset.done $0x0  }
0xd9: {  	s21 =	simm.s32 $0xDE80;
	[sflag:s26] =	ssyncadd.s32 $0xFFFFF060  }
0xda: {  	[spmem:s3] =	stream.indirect.scatter.add.bf16 [tilespmem:s21], [sflag:$0xA], $0x20, s19, s16, $0xb8;
	[tilespmem:$0x16EF8] =	vst v63  }
0xdb: {  	_ =	swait.ge [sflag:s18], $0xFA0  }
0xdc: {  	[sflag:s18] =	ssyncset.done $0x0  }
0xdd: {  	[sflag:s18] =	ssyncadd.s32 $0xFFFFF060  }
0xde: {  	[spmem:s2] =	stream.indirect.scatter.add.f32 @p3 [tilespmem:s15], [sflag:$0xA], $0x1, s19, s5, $0xb8;
	[tilespmem:$0x16EF8] =	vst v63  }
0xdf: {  	_ =	swait.ge @p3 [sflag:s8], $0x7D  }
0xe0: {  	s19 =	simm.s32 @!p5 $0xDE80;
	[sflag:s8] =	ssyncset.done @p3 $0x0  }
0xe1: {  	[sflag:s8] =	ssyncadd.s32 @p3 $0xFFFFFF83  }
0xe2: {  	[tilespmem:s19], [sflag:$0x5] =	stream.indirect.gather @!p5 [hbm4b:s13+s7], $0x20, s17, s7, $0xb8;
	[tilespmem:$0x16EF8] =	vst v63  }
0xe3: {  	_ =	swait.ge [sflag:s29], $0xFA0  }
0xe4: {  	s17 =	sadd.s32 $0x5280, s9;
	[sflag:s29] =	ssyncset.done $0x0  }
0xe5: {  	s19 =	simm.s32 $0xEE20;
	[sflag:s29] =	ssyncadd.s32 $0xFFFFF060  }
0xe6: {  	[spmem:s3] =	stream.indirect.scatter.add.bf16 [tilespmem:s19], [sflag:$0xA], $0x20, s17, s16, $0xb8;
	[tilespmem:$0x16EF8] =	vst v63  }
0xe7: {  	_ =	swait.ge [sflag:s18], $0xFA0  }
0xe8: {  	[sflag:s18] =	ssyncset.done $0x0  }
0xe9: {  	[sflag:s18] =	ssyncadd.s32 $0xFFFFF060  }
0xea: {  	[spmem:s2] =	stream.indirect.scatter.add.f32 @p3 [tilespmem:s15], [sflag:$0xA], $0x1, s17, s5, $0xb8;
	[tilespmem:$0x16EF8] =	vst v63  }
0xeb: {  	_ =	swait.ge @p3 [sflag:s8], $0x7D  }
0xec: {  	s17 =	simm.s32 @!p5 $0xEE20;
	[sflag:s8] =	ssyncset.done @p3 $0x0  }
0xed: {  	[sflag:s8] =	ssyncadd.s32 @p3 $0xFFFFFF83  }
0xee: {  	[tilespmem:s17], [sflag:$0x6] =	stream.indirect.gather @!p5 [hbm4b:s13+s7], $0x20, s6, s7, $0xb8;
	[tilespmem:$0x16EF8] =	vst v63  }
0xef: {  	_ =	swait.ge [sflag:s31], $0xFA0  }
0xf0: {  	s6 =	sadd.s32 $0x5300, s9;
	[sflag:s31] =	ssyncset.done $0x0  }
0xf1: {  	s17 =	simm.s32 $0xFDC0;
	[sflag:s31] =	ssyncadd.s32 $0xFFFFF060  }
0xf2: {  	[spmem:s3] =	stream.indirect.scatter.add.bf16 [tilespmem:s17], [sflag:$0xA], $0x20, s6, s16, $0xb8;
	[tilespmem:$0x16EF8] =	vst v63  }
0xf3: {  	_ =	swait.ge [sflag:s18], $0xFA0  }
0xf4: {  	[sflag:s18] =	ssyncset.done $0x0  }
0xf5: {  	[sflag:s18] =	ssyncadd.s32 $0xFFFFF060  }
0xf6: {  	[spmem:s2] =	stream.indirect.scatter.add.f32 @p3 [tilespmem:s15], [sflag:$0xA], $0x1, s6, s5, $0xb8;
	[tilespmem:$0x16EF8] =	vst v63  }
0xf7: {  	_ =	swait.ge @p3 [sflag:s8], $0x7D  }
0xf8: {  	s6 =	simm.s32 @!p5 $0xFDC0;
	[sflag:s8] =	ssyncset.done @p3 $0x0  }
0xf9: {  	[sflag:s8] =	ssyncadd.s32 @p3 $0xFFFFFF83  }
0xfa: {  	[tilespmem:s6], [sflag:$0x7] =	stream.indirect.gather @!p5 [hbm4b:s13+s7], $0x20, s14, s7, $0xb8;
	[tilespmem:$0x16EF8] =	vst v63  }
0xfb: {  	_ =	swait.ge [sflag:s4], $0xFA0  }
0xfc: {  	s7 =	sadd.s32 $0x5380, s9;
	[sflag:s4] =	ssyncset.done $0x0  }
0xfd: {  	[sflag:s4] =	ssyncadd.s32 $0xFFFFF060  }
0xfe: {  	[spmem:s3] =	stream.indirect.scatter.add.bf16 [tilespmem:s0], [sflag:$0xA], $0x20, s7, s16, $0xb8;
	[tilespmem:$0x16EF8] =	vst v63  }
.Ltmp0:
0xff: {  	_ =	swait.ge [sflag:s18], $0xFA0;
	(pc) =	sbr.rel @p4 .LBB2_2-.Ltmp0, $4  }
0x100: {  	[sflag:s18] =	ssyncset.done $0x0  }
0x101: {  	s6 =	simm.s32 @p3 $0x9;
	[sflag:s18] =	ssyncadd.s32 $0xFFFFF060  }
0x102: {  	[spmem:s2] =	stream.indirect.scatter.add.f32 @p3 [tilespmem:s15], [sflag:$0x9], $0x1, s7, s5, $0xb8;
	[tilespmem:$0x16EF8] =	vst v63  }
0x103: {  	s10 =	sadd.s32 $0x1, s10;
	s9 =	sshra.s32 s11, $0x2;
	_ =	swait.ge @p3 [sflag:s6], $0x7D  }
0x104: {  	[sflag:s6] =	ssyncset.done @p3 $0x0  }
0x105: {  	s5 =	sadd.s32 $0x380, s9;
	[sflag:s6] =	ssyncadd.s32 @p3 $0xFFFFFF83  }
0x106: {  	[tilespmem:s0], [sflag:$0x8] =	stream.indirect.gather [hbm4b:s13+s16], $0x20, s5, s16, $0xb8;
	[tilespmem:$0x16EF8] =	vst v63  }
0x107: {  	_ =	swait.ge [sflag:s1], $0xFA0  }
0x108: {  	s8 =	sadd.s32 $0x5000, s9;
	[sflag:s1] =	ssyncset.done $0x0  }
0x109: {  	p4 =	slt.u32 s10, $0xA;
	p3 =	por p2, p2;
	[sflag:s1] =	ssyncadd.s32 $0xFFFFF060  }
0x10a: {  	[spmem:s3] =	stream.indirect.scatter.add.bf16 [tilespmem:s30], [sflag:$0xA], $0x20, s8, s16, $0xb8;
	[tilespmem:$0x16EF8] =	vst v63  }
0x10b: {  	p3 =	por @!p4 p1, p1;
	_ =	swait.ge [sflag:s18], $0xFA0  }
0x10c: {  	s5 =	simm.s32 @p3 $0x7D;
	[sflag:s18] =	ssyncset.done $0x0  }
0x10d: {  	s6 =	simm.s32 @p3 $0x11D00;
	s7 =	simm.s32 @p3 $0xA;
	[sflag:s18] =	ssyncadd.s32 $0xFFFFF060  }
0x10e: {  	[spmem:s2] =	stream.indirect.scatter.add.f32 @p3 [tilespmem:s6], [sflag:$0xA], $0x1, s8, s5, $0xb8;
	[tilespmem:$0x16EF8] =	vst v63  }
0x10f: {  	p4 =	seq.s32 s11, $0x13000;
	_ =	swait.ge @p3 [sflag:s7], $0x7D  }
0x110: {  	s10 =	simm.s32 @!p4 $0x7D;
	s8 =	sshra.s32 @!p4 s11, $0x2;
	[sflag:s7] =	ssyncset.done @p3 $0x0  }
0x111: {  	s11 =	simm.s32 @!p4 $0xA000;
	s12 =	sadd.s32 @!p4 $0x400, s8;
	[sflag:s7] =	ssyncadd.s32 @p3 $0xFFFFFF83  }
0x112: {  	[tilespmem:s11], [sflag:$0x1] =	stream.indirect.gather @!p4 [hbm4b:s13+s10], $0x20, s12, s10, $0xb8;
	[tilespmem:$0x16EF8] =	vst v63  }
0x113: {  	_ =	swait.ge [sflag:s20], $0xFA0  }
0x114: {  	[sflag:s20] =	ssyncset.done $0x0  }
0x115: {  	s25 =	simm.s32 $0xAFA0;
	s11 =	sadd.s32 $0x5080, s9;
	[sflag:s20] =	ssyncadd.s32 $0xFFFFF060  }
0x116: {  	[spmem:s3] =	stream.indirect.scatter.add.bf16 [tilespmem:s25], [sflag:$0xA], $0x20, s11, s16, $0xb8;
	[tilespmem:$0x16EF8] =	vst v63  }
0x117: {  	_ =	swait.ge [sflag:s18], $0xFA0  }
0x118: {  	[sflag:s18] =	ssyncset.done $0x0  }
0x119: {  	[sflag:s18] =	ssyncadd.s32 $0xFFFFF060  }
0x11a: {  	[spmem:s2] =	stream.indirect.scatter.add.f32 @p3 [tilespmem:s6], [sflag:$0xA], $0x1, s11, s5, $0xb8;
	[tilespmem:$0x16EF8] =	vst v63  }
0x11b: {  	_ =	swait.ge @p3 [sflag:s7], $0x7D  }
0x11c: {  	[sflag:s7] =	ssyncset.done @p3 $0x0  }
0x11d: {  	s12 =	simm.s32 @!p4 $0xAFA0;
	s11 =	sadd.s32 @!p4 $0x480, s8;
	[sflag:s7] =	ssyncadd.s32 @p3 $0xFFFFFF83  }
0x11e: {  	[tilespmem:s12], [sflag:$0x2] =	stream.indirect.gather @!p4 [hbm4b:s13+s10], $0x20, s11, s10, $0xb8;
	[tilespmem:$0x16EF8] =	vst v63  }
0x11f: {  	_ =	swait.ge [sflag:s22], $0xFA0  }
0x120: {  	[sflag:s22] =	ssyncset.done $0x0  }
0x121: {  	s28 =	simm.s32 $0xBF40;
	s11 =	sadd.s32 $0x5100, s9;
	[sflag:s22] =	ssyncadd.s32 $0xFFFFF060  }
0x122: {  	[spmem:s3] =	stream.indirect.scatter.add.bf16 [tilespmem:s28], [sflag:$0xA], $0x20, s11, s16, $0xb8;
	[tilespmem:$0x16EF8] =	vst v63  }
0x123: {  	_ =	swait.ge [sflag:s18], $0xFA0  }
0x124: {  	[sflag:s18] =	ssyncset.done $0x0  }
0x125: {  	[sflag:s18] =	ssyncadd.s32 $0xFFFFF060  }
0x126: {  	[spmem:s2] =	stream.indirect.scatter.add.f32 @p3 [tilespmem:s6], [sflag:$0xA], $0x1, s11, s5, $0xb8;
	[tilespmem:$0x16EF8] =	vst v63  }
0x127: {  	_ =	swait.ge @p3 [sflag:s7], $0x7D  }
0x128: {  	[sflag:s7] =	ssyncset.done @p3 $0x0  }
0x129: {  	s12 =	simm.s32 @!p4 $0xBF40;
	s11 =	sadd.s32 @!p4 $0x500, s8;
	[sflag:s7] =	ssyncadd.s32 @p3 $0xFFFFFF83  }
0x12a: {  	[tilespmem:s12], [sflag:$0x3] =	stream.indirect.gather @!p4 [hbm4b:s13+s10], $0x20, s11, s10, $0xb8;
	[tilespmem:$0x16EF8] =	vst v63  }
0x12b: {  	_ =	swait.ge [sflag:s24], $0xFA0  }
0x12c: {  	[sflag:s24] =	ssyncset.done $0x0  }
0x12d: {  	s14 =	simm.s32 $0xCEE0;
	s11 =	sadd.s32 $0x5180, s9;
	[sflag:s24] =	ssyncadd.s32 $0xFFFFF060  }
0x12e: {  	[spmem:s3] =	stream.indirect.scatter.add.bf16 [tilespmem:s14], [sflag:$0xA], $0x20, s11, s16, $0xb8;
	[tilespmem:$0x16EF8] =	vst v63  }
0x12f: {  	_ =	swait.ge [sflag:s18], $0xFA0  }
0x130: {  	[sflag:s18] =	ssyncset.done $0x0  }
0x131: {  	[sflag:s18] =	ssyncadd.s32 $0xFFFFF060  }
0x132: {  	[spmem:s2] =	stream.indirect.scatter.add.f32 @p3 [tilespmem:s6], [sflag:$0xA], $0x1, s11, s5, $0xb8;
	[tilespmem:$0x16EF8] =	vst v63  }
0x133: {  	_ =	swait.ge @p3 [sflag:s7], $0x7D  }
0x134: {  	[sflag:s7] =	ssyncset.done @p3 $0x0  }
0x135: {  	s12 =	simm.s32 @!p4 $0xCEE0;
	s11 =	sadd.s32 @!p4 $0x580, s8;
	[sflag:s7] =	ssyncadd.s32 @p3 $0xFFFFFF83  }
0x136: {  	[tilespmem:s12], [sflag:$0x4] =	stream.indirect.gather @!p4 [hbm4b:s13+s10], $0x20, s11, s10, $0xb8;
	[tilespmem:$0x16EF8] =	vst v63  }
0x137: {  	_ =	swait.ge [sflag:s26], $0xFA0  }
0x138: {  	[sflag:s26] =	ssyncset.done $0x0  }
0x139: {  	s15 =	simm.s32 $0xDE80;
	s11 =	sadd.s32 $0x5200, s9;
	[sflag:s26] =	ssyncadd.s32 $0xFFFFF060  }
0x13a: {  	[spmem:s3] =	stream.indirect.scatter.add.bf16 [tilespmem:s15], [sflag:$0xA], $0x20, s11, s16, $0xb8;
	[tilespmem:$0x16EF8] =	vst v63  }
0x13b: {  	_ =	swait.ge [sflag:s18], $0xFA0  }
0x13c: {  	[sflag:s18] =	ssyncset.done $0x0  }
0x13d: {  	[sflag:s18] =	ssyncadd.s32 $0xFFFFF060  }
0x13e: {  	[spmem:s2] =	stream.indirect.scatter.add.f32 @p3 [tilespmem:s6], [sflag:$0xA], $0x1, s11, s5, $0xb8;
	[tilespmem:$0x16EF8] =	vst v63  }
0x13f: {  	_ =	swait.ge @p3 [sflag:s7], $0x7D  }
0x140: {  	[sflag:s7] =	ssyncset.done @p3 $0x0  }
0x141: {  	s12 =	simm.s32 @!p4 $0xDE80;
	s11 =	sadd.s32 @!p4 $0x600, s8;
	[sflag:s7] =	ssyncadd.s32 @p3 $0xFFFFFF83  }
0x142: {  	[tilespmem:s12], [sflag:$0x5] =	stream.indirect.gather @!p4 [hbm4b:s13+s10], $0x20, s11, s10, $0xb8;
	[tilespmem:$0x16EF8] =	vst v63  }
0x143: {  	_ =	swait.ge [sflag:s29], $0xFA0  }
0x144: {  	[sflag:s29] =	ssyncset.done $0x0  }
0x145: {  	s17 =	simm.s32 $0xEE20;
	s11 =	sadd.s32 $0x5280, s9;
	[sflag:s29] =	ssyncadd.s32 $0xFFFFF060  }
0x146: {  	[spmem:s3] =	stream.indirect.scatter.add.bf16 [tilespmem:s17], [sflag:$0xA], $0x20, s11, s16, $0xb8;
	[tilespmem:$0x16EF8] =	vst v63  }
0x147: {  	_ =	swait.ge [sflag:s18], $0xFA0  }
0x148: {  	[sflag:s18] =	ssyncset.done $0x0  }
0x149: {  	[sflag:s18] =	ssyncadd.s32 $0xFFFFF060  }
0x14a: {  	[spmem:s2] =	stream.indirect.scatter.add.f32 @p3 [tilespmem:s6], [sflag:$0xA], $0x1, s11, s5, $0xb8;
	[tilespmem:$0x16EF8] =	vst v63  }
0x14b: {  	_ =	swait.ge @p3 [sflag:s7], $0x7D  }
0x14c: {  	[sflag:s7] =	ssyncset.done @p3 $0x0  }
0x14d: {  	s12 =	simm.s32 @!p4 $0xEE20;
	s11 =	sadd.s32 @!p4 $0x680, s8;
	[sflag:s7] =	ssyncadd.s32 @p3 $0xFFFFFF83  }
0x14e: {  	[tilespmem:s12], [sflag:$0x6] =	stream.indirect.gather @!p4 [hbm4b:s13+s10], $0x20, s11, s10, $0xb8;
	[tilespmem:$0x16EF8] =	vst v63  }
0x14f: {  	_ =	swait.ge [sflag:s31], $0xFA0  }
0x150: {  	[sflag:s31] =	ssyncset.done $0x0  }
0x151: {  	s19 =	simm.s32 $0xFDC0;
	s11 =	sadd.s32 $0x5300, s9;
	[sflag:s31] =	ssyncadd.s32 $0xFFFFF060  }
0x152: {  	[spmem:s3] =	stream.indirect.scatter.add.bf16 [tilespmem:s19], [sflag:$0xA], $0x20, s11, s16, $0xb8;
	[tilespmem:$0x16EF8] =	vst v63  }
0x153: {  	_ =	swait.ge [sflag:s18], $0xFA0  }
0x154: {  	[sflag:s18] =	ssyncset.done $0x0  }
0x155: {  	[sflag:s18] =	ssyncadd.s32 $0xFFFFF060  }
0x156: {  	[spmem:s2] =	stream.indirect.scatter.add.f32 @p3 [tilespmem:s6], [sflag:$0xA], $0x1, s11, s5, $0xb8;
	[tilespmem:$0x16EF8] =	vst v63  }
0x157: {  	_ =	swait.ge @p3 [sflag:s7], $0x7D  }
0x158: {  	[sflag:s7] =	ssyncset.done @p3 $0x0  }
0x159: {  	s8 =	sadd.s32 @!p4 $0x700, s8;
	[sflag:s7] =	ssyncadd.s32 @p3 $0xFFFFFF83;
	s7 =	simm.s32 @!p4 $0xFDC0  }
0x15a: {  	[tilespmem:s7], [sflag:$0x7] =	stream.indirect.gather @!p4 [hbm4b:s13+s10], $0x20, s8, s10, $0xb8;
	[tilespmem:$0x16EF8] =	vst v63  }
0x15b: {  	_ =	swait.ge [sflag:s4], $0xFA0  }
0x15c: {  	[sflag:s4] =	ssyncset.done $0x0  }
0x15d: {  	s7 =	sadd.s32 $0x5380, s9;
	[sflag:s4] =	ssyncadd.s32 $0xFFFFF060  }
0x15e: {  	[spmem:s3] =	stream.indirect.scatter.add.bf16 [tilespmem:s0], [sflag:$0xA], $0x20, s7, s16, $0xb8;
	[tilespmem:$0x16EF8] =	vst v63  }
0x15f: {  	_ =	swait.ge [sflag:s18], $0xFA0  }
0x160: {  	[sflag:s18] =	ssyncset.done $0x0  }
0x161: {  	[sflag:s18] =	ssyncadd.s32 $0xFFFFF060  }
0x162: {  	[spmem:s2] =	stream.indirect.scatter.add.f32 @p3 [tilespmem:s6], [sflag:$0x9], $0x1, s7, s5, $0xb8;
	[tilespmem:$0x16EF8] =	vst v63  }
0x163: {  	s5 =	simm.s32 @p3 $0x9  }
0x164: {  	_ =	swait.ge @p3 [sflag:s5], $0x7D  }
0x165: {  	[sflag:s5] =	ssyncset.done @p3 $0x0  }
0x166: {  	[sflag:s5] =	ssyncadd.s32 @p3 $0xFFFFFF83  }
0x167: {  	[bflag:$0x0] =	sbarrier.arrive $0xFFFF  }
0x168: {  	s21 =	rddreg [dreg:$0x9]  }
0x169: {  	s6 =	rddreg [dreg:$0xe]  }
0x16a: {  	s8 =	simm.s32 $0x9;
	s23 =	rddreg [dreg:$0xf]  }
0x16b: {  	[hbm:s21], [sflag:s6] =	dma.local [spmem:s23], $0x9E0  }
0x16c: {  	_ =	swait.ge [sflag:s8], $0x9E0  }
0x16d: {  	[sflag:s8] =	ssyncset.done $0x0;
	s5 =	rddreg [dreg:$0xa]  }
0x16e: {  	s9 =	rddreg [dreg:$0xc];
	[sflag:s8] =	ssyncadd.s32 $0xFFFFF620  }
0x16f: {  	[hbm:s5], [sflag:s6] =	dma.local @!p0 [spmem:s9], $0x4E2  }
0x170: {  	s5 =	simm.s32 @!p0 $0x9  }
0x171: {  	_ =	swait.ge @!p0 [sflag:s5], $0x4E2  }
0x172: {  	s25 =	rddreg [dreg:$0xd]  }
0x173: {  	s28 =	rddreg [dreg:$0xb];
	s7 =	sadd.s32 $0x1, s25  }
0x174: {  	p3 =	sne.s32 s7, s28  }
.Ltmp1:
0x175: {  	_ = 	snop;
	(pc) =	sbr.rel @p3 .LBB2_1-.Ltmp1, $3  }
0x176: {  	_ =	sdelay $0x1  }
0x177: {  	[sflag:s5] =	ssyncset.done @!p0 $0x0  }
0x178: {  	[sflag:s5] =	ssyncadd.s32 @!p0 $0xFFFFFB1E  }
0x179: {  	_ =	sfence.sel $0x180000  }
0x17a: {  	[bflag:$0x0] =	sbarrier.arrive $0xFFFF  }
0x17b: {  	_ =	strace $0x90000047  }
0x17c: {  	[bflag:$0x2] =	sbarrier.arrive $0xFFFF  }
0x17d: {  	s0 =	rddreg [dreg:$0x4]  }
0x17e: {  	s0 =	sadd.s32 @!p0 $0x100000, s0  }
0x17f: {  	[sflag:s0] =	ssyncadd.tile.s32 @!p0 $0x1;
	_ =	shalt  }
.Lfunc_end2:
_tile_overlayer_lowered:
.L_overlay_start_2:
0x180: {  	(tag) =	ssettag $0x2  }
0x181: {  	s0 =	rddreg [dreg:$0x0];
	s2 =	stileid.u32  }
0x182: {  	s1 =	rddreg [dreg:$0x1];
	p0 =	sne.s32 s2, $0x0  }
0x183: {  	s3 =	rddreg [dreg:$0x2];
	[bflag:$0x3] =	sbarrier.arrive $0xFFFF;
	s2 =	simm.s32 @!p0 $0x1C09  }
0x184: {  	[timem:s3], [sflag:s2] =	dma.local @!p0 [hbm:s0], s1  }
0x185: {  	s0 =	simm.s32 @!p0 $0x9  }
0x186: {  	_ =	swait.ge @!p0 [sflag:s0], s1  }
0x187: {  	s1 =	ssub.s32 @!p0 $0x0, s1;
	[sflag:s0] =	ssyncset.done @!p0 $0x0  }
0x188: {  	[sflag:s0] =	ssyncadd.s32 @!p0 s1  }
0x189: {  	[bflag:$0x3] =	sbarrier.arrive $0xFFFF  }
0x18a: {  	_ =	shalt  }

// kernel: kernel.9.cloned.1.call-start
scs
__scs_entry_jumppad:
0x0: {  	(pc) =	sbr.rel $0x88, $3  }
0x1: {  	(tag) =	ssettag $0x0;
	lr =	simm.s32 $0x1  }
0x2: {  	[smem:$0x3F93] =	sst lr;
	_ =	strace $0xD0000000  }
0x3: {  	_ = 	snop  }
0x4: {  	_ = 	snop  }
0x5: {  	_ = 	snop  }
0x6: {  	_ = 	snop  }
0x7: {  	_ = 	snop  }
__scs_overlays_trampoline_lowered:
0x8: {  	[smem:$0x3FA2] =	sst s0  }
0x9: {  	[smem:$0x3FA3] =	sst s1  }
0xa: {  	[smem:$0x3FA4] =	sst s2  }
0xb: {  	[smem:$0x3FA5] =	sst s3  }
0xc: {  	[smem:$0x3FA6] =	sst s4  }
0xd: {  	[smem:$0x3FA7] =	sst s5  }
0xe: {  	[smem:$0x3FA8] =	sst s6  }
0xf: {  	[smem:$0x3FA9] =	sst s7  }
0x10: {  	[smem:$0x3FAA] =	sst s8  }
0x11: {  	[smem:$0x3FAB] =	sst s9;
	s0 =	simm.s32 @!p0 $0x0  }
0x12: {  	s1 =	sld [smem:$0x3F91];
	s0 =	simm.s32 @p0 $0x1  }
0x13: {  	[smem:$0x3FAC] =	sst s0;
	s0 =	simm.s32 @!p1 $0x0  }
0x14: {  	s2 =	sld [smem:$0x3F90];
	s0 =	simm.s32 @p1 $0x1  }
0x15: {  	[smem:$0x3FAD] =	sst s0;
	s0 =	simm.s32 @!p2 $0x0  }
0x16: {  	s3 =	sld [smem:$0x3FDB];
	s0 =	simm.s32 @p2 $0x1  }
0x17: {  	s4 =	simm.s32 $0x1BF5;
	[smem:$0x3FAF] =	sst s0  }
0x18: {  	s0 =	sld [smem:$0x3F92];
	_ =	swait.ge [sflag:s4], $0x0  }
0x19: {  	s7 =	sld [smem:$0x3F93]  }
0x1a: {  	s8 =	sadd.s32 $0xFFFFE003, lr  }
0x1b: {  	s9 =	sadd.s32 $0xFFFFFEF7, lr;
	s5 =	simm.s32 $0xFFFFFFFF;
	p2 =	slt.u32 s8, $0xFFFFF086  }
0x1c: {  	p1 =	slt.u32 s9, $0xF7A;
	s5 =	simm.s32 @!p2 $0x0  }
0x1d: {  	s5 =	simm.s32 @p1 $0x1;
	p0 =	seq.s32 s7, s2  }
0x1e: {  	s7 =	smul.u32 @!p0 $0xF7A, s2;
	p2 =	seq.s32 @!p0 s5, $0x0  }
0x1f: {  	s9 =	smul.u32 $0xF7A, s1;
	s8 =	simm.s32 @!p0 $0x1BF5;
	p2 =	por !p2, p0  }
0x20: {  	[sflag:s8] =	ssyncset.s32 @!p0 $0xFFFFF086;
	s6 =	sadd.s32 @!p0 s3, s7;
	s7 =	simm.s32 @!p0 $0x108  }
0x21: {  	s3 =	sadd.s32 s3, s9;
	s6 =	sadd.s32 @!p0 $0x88, s6;
	s7 =	simm.s32 @p2 $0x1082  }
0x22: {  	[simem:s7], [sflag:s8] =	dma.local @!p0 [hbm:s6], $0xF7A  }
0x23: {  	s9 =	sor.u32 $0xD0000000, s2;
	s6 =	simm.s32 $0x108;
	_ =	swait.ge @!p0 [sflag:s8], $0x0  }
0x24: {  	s3 =	sadd.s32 $0x88, s3;
	s6 =	simm.s32 @!p1 $0x1082;
	[sflag:s4] =	ssyncset.s32 $0xFFFFF086  }
0x25: {  	[simem:s6], [sflag:s4] =	dma.local [hbm:s3], $0xF7A  }
0x26: {  	[smem:$0x3F93] =	sst s1;
	(tag) =	ssettag s2;
	_ =	strace s9  }
0x27: {  	s1 =	sld [smem:$0x3FA3]  }
0x28: {  	s2 =	sld [smem:$0x3FA4]  }
0x29: {  	s4 =	sld [smem:$0x3FA6]  }
0x2a: {  	p0 =	seq.s32 s5, $0x0;
	s5 =	sld [smem:$0x3FA7]  }
0x2b: {  	s6 =	sld [smem:$0x3FA8]  }
0x2c: {  	s7 =	sld [smem:$0x3FA9]  }
0x2d: {  	s3 =	simm.s32 $0x108;
	s8 =	sld [smem:$0x3FAA]  }
0x2e: {  	s3 =	simm.s32 @!p0 $0x1082;
	s9 =	sld [smem:$0x3FAB]  }
0x2f: {  	lr =	sadd.s32 s0, s3;
	s0 =	sld [smem:$0x3FA2]  }
0x30: {  	s3 =	sld [smem:$0x3FA5]  }
0x31: {  	[smem:$0x3FAE] =	sst s10  }
0x32: {  	s10 =	sld [smem:$0x3FAC];
	_ =	sdelay $0x3  }
0x33: {  	p0 =	seq.s32 s10, $0x1;
	s10 =	sld [smem:$0x3FAE];
	_ =	sdelay $0x3  }
0x34: {  	[smem:$0x3FAE] =	sst s10  }
0x35: {  	s10 =	sld [smem:$0x3FAD];
	_ =	sdelay $0x3  }
0x36: {  	p1 =	seq.s32 s10, $0x1;
	s10 =	sld [smem:$0x3FAE];
	_ =	sdelay $0x3  }
0x37: {  	[smem:$0x3FAE] =	sst s10  }
0x38: {  	s10 =	sld [smem:$0x3FAF]  }
0x39: {  	_ = 	snop;
	(pc) =	sbr.ind lr, $3  }
0x3a: {  	_ = 	snop  }
0x3b: {  	_ = 	snop  }
0x3c: {  	p2 =	seq.s32 s10, $0x1;
	s10 =	sld [smem:$0x3FAE]  }
0x3d: {  	_ =	shalt  }
0x3e: {  	_ =	shalt  }
0x3f: {  	_ =	shalt  }
0x40: {  	_ =	shalt  }
0x41: {  	_ =	shalt  }
0x42: {  	_ =	shalt  }
0x43: {  	_ =	shalt  }
0x44: {  	_ =	shalt  }
0x45: {  	_ =	shalt  }
0x46: {  	_ =	shalt  }
0x47: {  	_ =	shalt  }
0x48: {  	_ =	shalt  }
0x49: {  	_ =	shalt  }
0x4a: {  	_ =	shalt  }
0x4b: {  	_ =	shalt  }
0x4c: {  	_ =	shalt  }
0x4d: {  	_ =	shalt  }
0x4e: {  	_ =	shalt  }
0x4f: {  	_ =	shalt  }
0x50: {  	_ =	shalt  }
0x51: {  	_ =	shalt  }
0x52: {  	_ =	shalt  }
0x53: {  	_ =	shalt  }
0x54: {  	_ =	shalt  }
0x55: {  	_ =	shalt  }
0x56: {  	_ =	shalt  }
0x57: {  	_ =	shalt  }
0x58: {  	_ =	shalt  }
0x59: {  	_ =	shalt  }
0x5a: {  	_ =	shalt  }
0x5b: {  	_ =	shalt  }
0x5c: {  	_ =	shalt  }
0x5d: {  	_ =	shalt  }
0x5e: {  	_ =	shalt  }
0x5f: {  	_ =	shalt  }
0x60: {  	_ =	shalt  }
0x61: {  	_ =	shalt  }
0x62: {  	_ =	shalt  }
0x63: {  	_ =	shalt  }
0x64: {  	_ =	shalt  }
0x65: {  	_ =	shalt  }
0x66: {  	_ =	shalt  }
0x67: {  	_ =	shalt  }
0x68: {  	_ =	shalt  }
0x69: {  	_ =	shalt  }
0x6a: {  	_ =	shalt  }
0x6b: {  	_ =	shalt  }
0x6c: {  	_ =	shalt  }
0x6d: {  	_ =	shalt  }
0x6e: {  	_ =	shalt  }
0x6f: {  	_ =	shalt  }
0x70: {  	_ =	shalt  }
0x71: {  	_ =	shalt  }
0x72: {  	_ =	shalt  }
0x73: {  	_ =	shalt  }
0x74: {  	_ =	shalt  }
0x75: {  	_ =	shalt  }
0x76: {  	_ =	shalt  }
0x77: {  	_ =	shalt  }
0x78: {  	_ =	shalt  }
0x79: {  	_ =	shalt  }
0x7a: {  	_ =	shalt  }
0x7b: {  	_ =	shalt  }
0x7c: {  	_ =	shalt  }
0x7d: {  	_ =	shalt  }
0x7e: {  	_ =	shalt  }
0x7f: {  	_ =	shalt  }
0x80: {  	_ =	shalt  }
0x81: {  	_ =	shalt  }
0x82: {  	_ =	shalt  }
0x83: {  	_ =	shalt  }
0x84: {  	_ =	shalt  }
0x85: {  	_ =	shalt  }
0x86: {  	_ =	shalt  }
0x87: {  	_ =	shalt  }
.Lfunc_end0:
.L_simem_size_0:
called_computation.1_lowered:
.L_overlay_start_0:
0x88: {  	s2 =	sld [smem:$0x3FD9]  }
0x89: {  	s3 =	sld [smem:$0x3FFE];
	_ =	sdelay $0x1  }
0x8a: {  	s1 =	srdreg.scid  }
0x8b: {  	s0 =	sand.u32 $0x1, s1  }
0x8c: {  	s16 =	sshll.u32 s0, $0xA;
	s2 =	sadd.s32 s3, s2  }
0x8d: {  	s2 =	sadd.s32 s2, s16  }
0x8e: {  	[smem:$0x3FBA] =	sst s2  }
0x8f: {  	_ = 	snop  }
0x90: {  	(tm) =	ssettm $0x1  }
0x91: {  	s17 =	sld [smem:$0x3FFB];
	_ =	sdelay $0x3  }
0x92: {  	_ =	strace s17  }
0x93: {  	s2 =	sld [smem:$0x3FFC];
	_ =	sdelay $0x3  }
0x94: {  	_ =	strace s2  }
0x95: {  	s2 =	sld [smem:$0x3FFD];
	_ =	sdelay $0x3  }
0x96: {  	_ =	strace s2  }
0x97: {  	_ =	strace $0x8FFFFFFF  }
0x98: {  	s18 =	sld [smem:$0x3FDB];
	_ =	sdelay $0x1  }
0x99: {  	s19 =	simm.s32 $_scs_section_size  }
0x9a: {  	s4 =	simm.s32 $_size__tile_overlayer_lowered;
	s5 =	simm.s32 $_tile_overlayer_lowered  }
0x9b: {  	s22 =	simm.s32 $0x1BFF;
	s21 =	sshll.u32 s5, $0x1;
	s2 =	sadd.s32 s19, s18  }
0x9c: {  	s6 =	simm.s32 $0x0;
	s20 =	sshll.u32 s4, $0x1;
	s4 =	sadd.s32 s21, s2  }
0x9d: {  	[timem:s6], [sflag:s22] =	dma.local [hbm:s4], s20  }
0x9e: {  	_ =	swait.ge [sflag:s22], s20  }
0x9f: {  	s3 =	ssub.s32 $0x0, s20;
	[sflag:s22] =	ssyncset.done $0x0  }
0xa0: {  	[sflag:s22] =	ssyncadd.s32 s3;
	_ =	sdelay $0x1  }
0xa1: {  	s23 =	simm.s32 $0x1B8B  }
0xa2: {  	_ =	swait.ge [sflag:s23], $0x1  }
0xa3: {  	[sflag:s23] =	ssyncset.done $0x0  }
0xa4: {  	s25 =	simm.s32 $0x1B8E;
	s24 =	sld [smem:$0x3FFE];
	[sflag:s23] =	ssyncadd.s32 $0xFFFFFFFF  }
0xa5: {  	s26 =	simm.s32 $execute0_lowered;
	[smem:$0x3FD2] =	sst s25  }
0xa6: {  	s4 =	sshll.u32 s26, $0x1;
	_ =	strace $0x80000049;
	[dreg:$0x1] =	wrdreg $0xFFFFFFFF  }
0xa7: {  	s28 =	simm.s32 $_size_execute0_lowered;
	s2 =	sadd.s32 s2, s4;
	[dreg:$0x0] =	wrdreg $0x0  }
0xa8: {  	s4 =	sshll.u32 s28, $0x1;
	[dreg:$0x2] =	wrdreg s2  }
0xa9: {  	[dreg:$0x3] =	wrdreg s4  }
0xaa: {  	[dreg:$0x4] =	wrdreg $0xC0  }
0xab: {  	_ =	task [dreg:s6], $0x5FFFF  }
0xac: {  	[dreg:$0x1] =	wrdreg $0xFFFFFFFF  }
0xad: {  	[dreg:$0x0] =	wrdreg $0x60  }
0xae: {  	[dreg:$0x2] =	wrdreg s24  }
0xaf: {  	[dreg:$0x3] =	wrdreg $0x11D000  }
0xb0: {  	[dreg:$0x4] =	wrdreg $0x9  }
0xb1: {  	_ =	task.clear_ibuf [dreg:s6], $0x5FFFF;
	_ =	strace $0x90000049  }
0xb2: {  	s29 =	simm.s32 $0x9;
	_ =	strace $0x8000004B  }
0xb3: {  	_ =	swait.ge [sflag:s29], $0x1  }
0xb4: {  	[sflag:s29] =	ssyncadd.s32 $0xFFFFFFFF  }
0xb5: {  	_ =	strace $0x9000004B  }
0xb6: {  	_ =	sfence  }
0xb7: {  	s30 =	sld [smem:$0x0];
	_ =	sdelay $0x2  }
0xb8: {  	s31 =	sshll.u32 s1, $0xD;
	s1 =	sshrl.u32 s1, $0x2  }
0xb9: {  	s3 =	sand.u32 $0x4000, s31;
	s1 =	sadd.s32 s1, s30  }
0xba: {  	s0 =	sor.u32 s3, s0;
	s1 =	sshll.u32 s1, $0x11  }
0xbb: {  	s0 =	sor.u32 s1, s0  }
0xbc: {  	s0 =	sadd.s32 $0x8F2B, s0  }
0xbd: {  	[sflag:s0] =	ssyncadd.remote.s32 $0x1  }
0xbe: {  	_ =	sfence.sel $0xFFFF  }
0xbf: {  	[dreg:$0x0] =	wrdreg $0xFFFFFFFF;
	(pc) =	sbr.abs _section_cstart, $3  }
0xc0: {  	[dreg:$0x1] =	wrdreg $0xFFFFFFFF  }
0xc1: {  	_ =	task.clear_ibuf [dreg:s6], $0x2FFFF;
	_ =	strace $0x9FFFFFFF  }
0xc2: {  	(tm) =	ssettm $0x7FFFFFFF  }
0xc3: {  	_ =	shalt  }
tec
execute0_lowered:
.L_overlay_start_1:
0x0: {  	(tag) =	ssettag $0x1  }
0x1: {  	s0 =	rddreg [dreg:$0x0]  }
0x2: {  	s2 =	rddreg [dreg:$0x1];
	s4 =	stileid.u32  }
0x3: {  	s3 =	srdreg.scid;
	s5 =	simm.s32 $0x0;
	s14 =	simm.s32 $0x9  }
0x4: {  	s15 =	simm.s32 $0x7D;
	s31 =	simm.s32 $0x10D60;
	s17 =	simm.s32 $0x3  }
0x5: {  	s18 =	simm.s32 $0x5;
	s19 =	simm.s32 $0x7;
	s1 =	smul.u32 $0xA00, s4  }
0x6: {  	s21 =	simm.s32 $0x8;
	s7 =	smul.u32 $0x9E00, s4;
	s24 =	sand.u32 $0x1, s3  }
0x7: {  	[smem:$0x7FF] =	sst s5;
	s5 =	sadd.s32 $0xC000, s0;
	s6 =	sadd.s32 $0x15E00, s0  }
0x8: {  	s3 =	smul.u32 $0x9E000, s24;
	_ =	strace $0x8000004A;
	s9 =	ssub.s32 $0x2, s24  }
0x9: {  	[dreg:$0x3] =	wrdreg s24;
	p0 =	seq.s32 s24, $0x0;
	s13 =	smov.u32 s6  }
0xa: {  	s1 =	sadd.s32 s1, s0;
	s8 =	sshrl.u32 s7, $0x4;
	s25 =	sshrl.u32 s9, $0x1  }
0xb: {  	s3 =	sadd.s32 s7, s3;
	s8 =	sadd.s32 s8, s0;
	s26 =	sadd.s32 $0x29C00, s1  }
0xc: {  	s7 =	sshrl.u32 s7, $0x1;
	s1 =	sadd.s32 $0x1FC00, s1;
	[dreg:$0x4] =	wrdreg s26  }
0xd: {  	s3 =	sshrl.u32 s3, $0x4;
	[dreg:$0x5] =	wrdreg s1;
	s28 =	sadd.s32 s7, s2  }
0xe: {  	s29 =	sadd.s32 $0x2200, s8;
	s0 =	sadd.s32 s3, s0;
	[dreg:$0x6] =	wrdreg s28  }
0xf: {  	s3 =	ssub.s32 s9, s25;
	[dreg:$0x7] =	wrdreg s29;
	s0 =	sadd.s32 $0x33C00, s0  }
0x10: {  	s13 =	smov.u32 @p0 s5;
	s30 =	smax.u32 s3, $0x1;
	[dreg:$0x8] =	wrdreg s0  }
0x11: {  	s3 =	simm.s32 $0x0;
	[dreg:$0x9] =	wrdreg s30;
	s0 =	simm.s32 $0x1  }
.LBB2_1:
0x12: {  	[dreg:$0xa] =	wrdreg s3  }
0x13: {  	s1 =	simm.s32 $0x0;
	s9 =	rddreg [dreg:$0x4]  }
0x14: {  	[tilespmem:s1], [sflag:$0x9] =	stream.linear.gather [hbm4b:s9+s1], $0x5000, $0x38;
	[tilespmem:$0x16C00] =	vst v63  }
0x15: {  	_ =	swait.ge [sflag:s14], $0x5000  }
0x16: {  	[sflag:s14] =	ssyncset.done $0x0  }
0x17: {  	s4 =	simm.s32 $0xA000;
	[sflag:s14] =	ssyncadd.s32 $0xFFFFB000  }
0x18: {  	[tilespmem:s4], [sflag:$0x1] =	stream.indirect.gather [hbm4b:s13+s15], $0x20, s1, s15, $0xb8;
	[tilespmem:$0x16C00] =	vst v63  }
0x19: {  	s10 =	simm.s32 $0x80;
	s7 =	simm.s32 $0xAFA0  }
0x1a: {  	[tilespmem:s7], [sflag:$0x2] =	stream.indirect.gather [hbm4b:s13+s15], $0x20, s10, s15, $0xb8;
	[tilespmem:$0x16C00] =	vst v63  }
0x1b: {  	s11 =	simm.s32 $0x100;
	s16 =	simm.s32 $0xBF40  }
0x1c: {  	[tilespmem:s16], [sflag:$0x3] =	stream.indirect.gather [hbm4b:s13+s15], $0x20, s11, s15, $0xb8;
	[tilespmem:$0x16C00] =	vst v63  }
0x1d: {  	s12 =	simm.s32 $0x180;
	s20 =	simm.s32 $0xCEE0  }
0x1e: {  	[tilespmem:s20], [sflag:$0x4] =	stream.indirect.gather [hbm4b:s13+s15], $0x20, s12, s15, $0xb8;
	[tilespmem:$0x16C00] =	vst v63  }
0x1f: {  	s22 =	simm.s32 $0x200;
	s20 =	simm.s32 $0xDE80  }
0x20: {  	[tilespmem:s20], [sflag:$0x5] =	stream.indirect.gather [hbm4b:s13+s15], $0x20, s22, s15, $0xb8;
	[tilespmem:$0x16C00] =	vst v63  }
0x21: {  	s23 =	simm.s32 $0x280;
	s24 =	simm.s32 $0xEE20  }
0x22: {  	[tilespmem:s24], [sflag:$0x6] =	stream.indirect.gather [hbm4b:s13+s15], $0x20, s23, s15, $0xb8;
	[tilespmem:$0x16C00] =	vst v63  }
0x23: {  	s25 =	simm.s32 $0x300;
	s22 =	simm.s32 $0xFDC0  }
0x24: {  	[tilespmem:s22], [sflag:$0x7] =	stream.indirect.gather [hbm4b:s13+s15], $0x20, s25, s15, $0xb8;
	[tilespmem:$0x16C00] =	vst v63  }
0x25: {  	s29 =	simm.s32 $0x5000;
	s26 =	rddreg [dreg:$0x5]  }
0x26: {  	[tilespmem:s29], [sflag:$0x9] =	stream.linear.gather [hbm4b:s26+s1], $0x5000, $0x38;
	[tilespmem:$0x16C00] =	vst v63  }
0x27: {  	s7 =	stileid.u32;
	_ =	swait.ge [sflag:s14], $0x5000  }
0x28: {  	s1 =	sshll.u32 s7, $0x6;
	s9 =	rddreg [dreg:$0x6]  }
0x29: {  	s8 =	sor.u32 $0x1C09, s1;
	s11 =	rddreg [dreg:$0x7]  }
0x2a: {  	[sflag:s14] =	ssyncset.done $0x0;
	[dreg:$0xb] =	wrdreg s8;
	s10 =	sshrl.u32 s9, $0x3  }
0x2b: {  	[sflag:s14] =	ssyncadd.s32 $0xFFFFB000;
	[dreg:$0xc] =	wrdreg s10  }
0x2c: {  	[spmem:s10], [sflag:s8] =	dma.local [hbm:s11], $0x9E0  }
0x2d: {  	_ =	swait.ge [sflag:s14], $0x9E0  }
0x2e: {  	[sflag:s14] =	ssyncset.done $0x0  }
0x2f: {  	[sflag:s14] =	ssyncadd.s32 $0xFFFFF620  }
0x30: {  	s12 =	simm.s32 $0x380;
	[bflag:$0x0] =	sbarrier.arrive $0xFFFF  }
0x31: {  	[tilespmem:s31], [sflag:$0x8] =	stream.indirect.gather [hbm4b:s13+s15], $0x20, s12, s15, $0xb8;
	[tilespmem:$0x16C00] =	vst v63  }
0x32: {  	_ =	swait.ge [sflag:s0], $0xFA0  }
0x33: {  	[sflag:s0] =	ssyncset.done $0x0  }
0x34: {  	s23 =	simm.s32 $0x5000;
	[sflag:s0] =	ssyncadd.s32 $0xFFFFF060  }
0x35: {  	[spmem:s2] =	stream.indirect.scatter.add.bf16 [tilespmem:s4], [sflag:$0x9], $0x20, s23, s15, $0xb8;
	[tilespmem:$0x16C00] =	vst v63  }
0x36: {  	_ =	swait.ge [sflag:s14], $0xFA0  }
0x37: {  	p0 =	por $0x0, $0x0;
	[sflag:s14] =	ssyncset.done $0x0  }
0x38: {  	s1 =	simm.s32 @p0 $0x2;
	[sflag:s14] =	ssyncadd.s32 $0xFFFFF060  }
0x39: {  	_ =	swait.ge @p0 [sflag:s1], $0xFA0  }
0x3a: {  	s3 =	simm.s32 @p0 $0x9;
	s7 =	simm.s32 @p0 $0x5080;
	[sflag:s1] =	ssyncset.done @p0 $0x0  }
0x3b: {  	s9 =	simm.s32 @p0 $0xAFA0;
	s8 =	simm.s32 @p0 $0x7D;
	[sflag:s1] =	ssyncadd.s32 @p0 $0xFFFFF060  }
0x3c: {  	[spmem:s2] =	stream.indirect.scatter.add.bf16 @p0 [tilespmem:s9], [sflag:$0x9], $0x20, s7, s8, $0xb8;
	[tilespmem:$0x16C00] =	vst v63  }
0x3d: {  	_ =	swait.ge @p0 [sflag:s3], $0xFA0  }
0x3e: {  	s10 =	simm.s32 @!p0 $0xA000;
	s1 =	simm.s32 @!p0 $0x7D;
	[sflag:s3] =	ssyncset.done @p0 $0x0  }
0x3f: {  	s7 =	simm.s32 @!p0 $0x400;
	s9 =	simm.s32 @!p0 $0x2;
	[sflag:s3] =	ssyncadd.s32 @p0 $0xFFFFF060  }
0x40: {  	[tilespmem:s10], [sflag:$0x1] =	stream.indirect.gather @!p0 [hbm4b:s13+s1], $0x20, s7, s1, $0xb8;
	[tilespmem:$0x16C00] =	vst v63  }
0x41: {  	s11 =	simm.s32 @!p0 $0xAFA0;
	_ =	swait.ge @!p0 [sflag:s9], $0xFA0  }
0x42: {  	s10 =	simm.s32 @!p0 $0x5080;
	[sflag:s9] =	ssyncset.done @!p0 $0x0;
	s4 =	rddreg [dreg:$0x3]  }
0x43: {  	s7 =	simm.s32 @!p0 $0x9;
	p2 =	sne.s32 @!p0 s4, $0x0;
	[sflag:s9] =	ssyncadd.s32 @!p0 $0xFFFFF060  }
0x44: {  	[spmem:s2] =	stream.indirect.scatter.add.bf16 @!p0 [tilespmem:s11], [sflag:$0x9], $0x20, s10, s1, $0xb8;
	[tilespmem:$0x16C00] =	vst v63  }
0x45: {  	p1 =	por !p2, p0;
	_ =	swait.ge @!p0 [sflag:s7], $0xFA0  }
0x46: {  	s11 =	simm.s32 @!p0 $0x480;
	p2 =	por p2, p0;
	[sflag:s7] =	ssyncset.done @!p0 $0x0  }
0x47: {  	s9 =	simm.s32 @!p1 $0x7D;
	s10 =	simm.s32 @!p1 $0xAFA0;
	[sflag:s7] =	ssyncadd.s32 @!p0 $0xFFFFF060  }
0x48: {  	[tilespmem:s10], [sflag:$0x2] =	stream.indirect.gather @!p1 [hbm4b:s6+s9], $0x20, s11, s9, $0xb8;
	[tilespmem:$0x16C00] =	vst v63  }
0x49: {  	s12 =	simm.s32 @!p2 $0xAFA0;
	s10 =	simm.s32 @!p2 $0x7D  }
0x4a: {  	[tilespmem:s12], [sflag:$0x2] =	stream.indirect.gather @!p2 [hbm4b:s5+s10], $0x20, s11, s10, $0xb8;
	[tilespmem:$0x16C00] =	vst v63  }
0x4b: {  	_ =	swait.ge [sflag:s17], $0xFA0  }
0x4c: {  	[sflag:s17] =	ssyncset.done $0x0  }
0x4d: {  	s24 =	simm.s32 $0x5100;
	[sflag:s17] =	ssyncadd.s32 $0xFFFFF060  }
0x4e: {  	[spmem:s2] =	stream.indirect.scatter.add.bf16 [tilespmem:s16], [sflag:$0x9], $0x20, s24, s15, $0xb8;
	[tilespmem:$0x16C00] =	vst v63  }
0x4f: {  	_ =	swait.ge [sflag:s14], $0xFA0  }
0x50: {  	[sflag:s14] =	ssyncset.done $0x0  }
0x51: {  	s11 =	simm.s32 @p0 $0x4;
	[sflag:s14] =	ssyncadd.s32 $0xFFFFF060  }
0x52: {  	_ =	swait.ge @p0 [sflag:s11], $0xFA0  }
0x53: {  	[sflag:s11] =	ssyncset.done @p0 $0x0  }
0x54: {  	s12 =	simm.s32 @p0 $0x5180;
	[sflag:s11] =	ssyncadd.s32 @p0 $0xFFFFF060;
	s11 =	simm.s32 @p0 $0xCEE0  }
0x55: {  	[spmem:s2] =	stream.indirect.scatter.add.bf16 @p0 [tilespmem:s11], [sflag:$0x9], $0x20, s12, s8, $0xb8;
	[tilespmem:$0x16C00] =	vst v63  }
0x56: {  	_ =	swait.ge @p0 [sflag:s3], $0xFA0  }
0x57: {  	[sflag:s3] =	ssyncset.done @p0 $0x0  }
0x58: {  	s11 =	simm.s32 @!p0 $0x500;
	s12 =	simm.s32 @!p0 $0xBF40;
	[sflag:s3] =	ssyncadd.s32 @p0 $0xFFFFF060  }
0x59: {  	[tilespmem:s12], [sflag:$0x3] =	stream.indirect.gather @!p0 [hbm4b:s13+s1], $0x20, s11, s1, $0xb8;
	[tilespmem:$0x16C00] =	vst v63  }
0x5a: {  	s11 =	simm.s32 @!p0 $0x4  }
0x5b: {  	_ =	swait.ge @!p0 [sflag:s11], $0xFA0  }
0x5c: {  	[sflag:s11] =	ssyncset.done @!p0 $0x0  }
0x5d: {  	s12 =	simm.s32 @!p0 $0x5180;
	[sflag:s11] =	ssyncadd.s32 @!p0 $0xFFFFF060;
	s11 =	simm.s32 @!p0 $0xCEE0  }
0x5e: {  	[spmem:s2] =	stream.indirect.scatter.add.bf16 @!p0 [tilespmem:s11], [sflag:$0x9], $0x20, s12, s1, $0xb8;
	[tilespmem:$0x16C00] =	vst v63  }
0x5f: {  	_ =	swait.ge @!p0 [sflag:s7], $0xFA0  }
0x60: {  	[sflag:s7] =	ssyncset.done @!p0 $0x0  }
0x61: {  	s11 =	simm.s32 @!p0 $0x580;
	s12 =	simm.s32 @!p1 $0xCEE0;
	[sflag:s7] =	ssyncadd.s32 @!p0 $0xFFFFF060  }
0x62: {  	[tilespmem:s12], [sflag:$0x4] =	stream.indirect.gather @!p1 [hbm4b:s6+s9], $0x20, s11, s9, $0xb8;
	[tilespmem:$0x16C00] =	vst v63  }
0x63: {  	s12 =	simm.s32 @!p2 $0xCEE0  }
0x64: {  	[tilespmem:s12], [sflag:$0x4] =	stream.indirect.gather @!p2 [hbm4b:s5+s10], $0x20, s11, s10, $0xb8;
	[tilespmem:$0x16C00] =	vst v63  }
0x65: {  	_ =	swait.ge [sflag:s18], $0xFA0  }
0x66: {  	[sflag:s18] =	ssyncset.done $0x0  }
0x67: {  	s25 =	simm.s32 $0x5200;
	[sflag:s18] =	ssyncadd.s32 $0xFFFFF060  }
0x68: {  	[spmem:s2] =	stream.indirect.scatter.add.bf16 [tilespmem:s20], [sflag:$0x9], $0x20, s25, s15, $0xb8;
	[tilespmem:$0x16C00] =	vst v63  }
0x69: {  	_ =	swait.ge [sflag:s14], $0xFA0  }
0x6a: {  	[sflag:s14] =	ssyncset.done $0x0  }
0x6b: {  	s11 =	simm.s32 @p0 $0x6;
	[sflag:s14] =	ssyncadd.s32 $0xFFFFF060  }
0x6c: {  	_ =	swait.ge @p0 [sflag:s11], $0xFA0  }
0x6d: {  	[sflag:s11] =	ssyncset.done @p0 $0x0  }
0x6e: {  	s12 =	simm.s32 @p0 $0x5280;
	[sflag:s11] =	ssyncadd.s32 @p0 $0xFFFFF060;
	s11 =	simm.s32 @p0 $0xEE20  }
0x6f: {  	[spmem:s2] =	stream.indirect.scatter.add.bf16 @p0 [tilespmem:s11], [sflag:$0x9], $0x20, s12, s8, $0xb8;
	[tilespmem:$0x16C00] =	vst v63  }
0x70: {  	_ =	swait.ge @p0 [sflag:s3], $0xFA0  }
0x71: {  	[sflag:s3] =	ssyncset.done @p0 $0x0  }
0x72: {  	s8 =	simm.s32 @!p0 $0x600;
	[sflag:s3] =	ssyncadd.s32 @p0 $0xFFFFF060;
	s3 =	simm.s32 @!p0 $0xDE80  }
0x73: {  	[tilespmem:s3], [sflag:$0x5] =	stream.indirect.gather @!p0 [hbm4b:s13+s1], $0x20, s8, s1, $0xb8;
	[tilespmem:$0x16C00] =	vst v63  }
0x74: {  	s3 =	simm.s32 @!p0 $0x6  }
0x75: {  	_ =	swait.ge @!p0 [sflag:s3], $0xFA0  }
0x76: {  	[sflag:s3] =	ssyncset.done @!p0 $0x0  }
0x77: {  	s8 =	simm.s32 @!p0 $0x5280;
	[sflag:s3] =	ssyncadd.s32 @!p0 $0xFFFFF060;
	s3 =	simm.s32 @!p0 $0xEE20  }
0x78: {  	[spmem:s2] =	stream.indirect.scatter.add.bf16 @!p0 [tilespmem:s3], [sflag:$0x9], $0x20, s8, s1, $0xb8;
	[tilespmem:$0x16C00] =	vst v63  }
0x79: {  	_ =	swait.ge @!p0 [sflag:s7], $0xFA0  }
0x7a: {  	[sflag:s7] =	ssyncset.done @!p0 $0x0  }
0x7b: {  	s3 =	simm.s32 @!p0 $0x680;
	[sflag:s7] =	ssyncadd.s32 @!p0 $0xFFFFF060;
	s7 =	simm.s32 @!p1 $0xEE20  }
0x7c: {  	[tilespmem:s7], [sflag:$0x6] =	stream.indirect.gather @!p1 [hbm4b:s6+s9], $0x20, s3, s9, $0xb8;
	[tilespmem:$0x16C00] =	vst v63  }
0x7d: {  	s7 =	simm.s32 @!p2 $0xEE20  }
0x7e: {  	[tilespmem:s7], [sflag:$0x6] =	stream.indirect.gather @!p2 [hbm4b:s5+s10], $0x20, s3, s10, $0xb8;
	[tilespmem:$0x16C00] =	vst v63  }
0x7f: {  	_ =	swait.ge [sflag:s19], $0xFA0  }
0x80: {  	[sflag:s19] =	ssyncset.done $0x0  }
0x81: {  	s26 =	simm.s32 $0x5300;
	[sflag:s19] =	ssyncadd.s32 $0xFFFFF060  }
0x82: {  	[spmem:s2] =	stream.indirect.scatter.add.bf16 [tilespmem:s22], [sflag:$0x9], $0x20, s26, s15, $0xb8;
	[tilespmem:$0x16C00] =	vst v63  }
0x83: {  	_ =	swait.ge [sflag:s14], $0xFA0  }
0x84: {  	[sflag:s14] =	ssyncset.done $0x0  }
0x85: {  	s3 =	simm.s32 @!p0 $0x700;
	s7 =	simm.s32 @!p0 $0xFDC0;
	[sflag:s14] =	ssyncadd.s32 $0xFFFFF060  }
0x86: {  	[tilespmem:s7], [sflag:$0x7] =	stream.indirect.gather @!p0 [hbm4b:s13+s1], $0x20, s3, s1, $0xb8;
	[tilespmem:$0x16C00] =	vst v63  }
0x87: {  	_ =	swait.ge [sflag:s21], $0xFA0  }
0x88: {  	[sflag:s21] =	ssyncset.done $0x0  }
0x89: {  	s30 =	simm.s32 $0x1000;
	s29 =	simm.s32 $0x5380;
	[sflag:s21] =	ssyncadd.s32 $0xFFFFF060  }
0x8a: {  	[spmem:s2] =	stream.indirect.scatter.add.bf16 [tilespmem:s31], [sflag:$0x9], $0x20, s29, s15, $0xb8;
	[tilespmem:$0x16C00] =	vst v63  }
0x8b: {  	s28 =	simm.s32 $0x2000;
	s26 =	simm.s32 $0x400;
	_ =	swait.ge [sflag:s14], $0xFA0  }
.LBB2_2:
0x8c: {  	[sflag:s14] =	ssyncset.done $0x0  }
0x8d: {  	s1 =	sadd.s32 $0x380, s26;
	[sflag:s14] =	ssyncadd.s32 $0xFFFFF060  }
0x8e: {  	[tilespmem:s31], [sflag:$0x8] =	stream.indirect.gather [hbm4b:s13+s15], $0x20, s1, s15, $0xb8;
	[tilespmem:$0x16C00] =	vst v63  }
0x8f: {  	_ =	swait.ge [sflag:s0], $0xFA0  }
0x90: {  	[sflag:s0] =	ssyncset.done $0x0  }
0x91: {  	s12 =	sadd.s32 $0x5000, s26;
	s4 =	simm.s32 $0xA000;
	[sflag:s0] =	ssyncadd.s32 $0xFFFFF060  }
0x92: {  	[spmem:s2] =	stream.indirect.scatter.add.bf16 [tilespmem:s4], [sflag:$0x9], $0x20, s12, s15, $0xb8;
	[tilespmem:$0x16C00] =	vst v63  }
0x93: {  	_ =	swait.ge [sflag:s14], $0xFA0  }
0x94: {  	p1 =	seq.s32 s30, $0x13000;
	[sflag:s14] =	ssyncset.done $0x0  }
0x95: {  	s1 =	simm.s32 @p1 $0x2;
	[sflag:s14] =	ssyncadd.s32 $0xFFFFF060  }
0x96: {  	s8 =	sshra.s32 @p1 s30, $0x2;
	_ =	swait.ge @p1 [sflag:s1], $0xFA0  }
0x97: {  	s9 =	simm.s32 @p1 $0x9;
	s10 =	simm.s32 @p1 $0x7D;
	[sflag:s1] =	ssyncset.done @p1 $0x0  }
0x98: {  	s16 =	simm.s32 @p1 $0xAFA0;
	s11 =	sadd.s32 @p1 $0x5080, s8;
	[sflag:s1] =	ssyncadd.s32 @p1 $0xFFFFF060  }
0x99: {  	[spmem:s2] =	stream.indirect.scatter.add.bf16 @p1 [tilespmem:s16], [sflag:$0x9], $0x20, s11, s10, $0xb8;
	[tilespmem:$0x16C00] =	vst v63  }
0x9a: {  	s7 =	sshra.s32 @!p1 s30, $0x2;
	_ =	swait.ge @p1 [sflag:s9], $0xFA0  }
0x9b: {  	s30 =	simm.s32 @!p1 $0x2;
	s12 =	sadd.s32 @!p1 $0x400, s7;
	[sflag:s9] =	ssyncset.done @p1 $0x0  }
0x9c: {  	s1 =	simm.s32 @!p1 $0x7D;
	s11 =	simm.s32 @!p1 $0xA000;
	[sflag:s9] =	ssyncadd.s32 @p1 $0xFFFFF060  }
0x9d: {  	[tilespmem:s11], [sflag:$0x1] =	stream.indirect.gather @!p1 [hbm4b:s13+s1], $0x20, s12, s1, $0xb8;
	[tilespmem:$0x16C00] =	vst v63  }
0x9e: {  	s3 =	smov.u32 s28;
	s29 =	simm.s32 @!p1 $0xAFA0;
	_ =	swait.ge @!p1 [sflag:s30], $0xFA0  }
0x9f: {  	s25 =	sadd.s32 @!p1 $0x5080, s7;
	[sflag:s30] =	ssyncset.done @!p1 $0x0;
	s4 =	rddreg [dreg:$0x3]  }
0xa0: {  	s11 =	simm.s32 @!p1 $0x9;
	p3 =	sne.s32 @!p1 s4, $0x0;
	[sflag:s30] =	ssyncadd.s32 @!p1 $0xFFFFF060  }
0xa1: {  	[spmem:s2] =	stream.indirect.scatter.add.bf16 @!p1 [tilespmem:s29], [sflag:$0x9], $0x20, s25, s1, $0xb8;
	[tilespmem:$0x16C00] =	vst v63  }
0xa2: {  	s30 =	smov.u32 s3;
	p2 =	por !p3, p1;
	_ =	swait.ge @!p1 [sflag:s11], $0xFA0  }
0xa3: {  	s29 =	sadd.s32 @!p1 $0x480, s7;
	p3 =	por p3, p1;
	[sflag:s11] =	ssyncset.done @!p1 $0x0  }
0xa4: {  	s3 =	simm.s32 @!p2 $0x7D;
	s25 =	simm.s32 @!p2 $0xAFA0;
	[sflag:s11] =	ssyncadd.s32 @!p1 $0xFFFFF060  }
0xa5: {  	[tilespmem:s25], [sflag:$0x2] =	stream.indirect.gather @!p2 [hbm4b:s6+s3], $0x20, s29, s3, $0xb8;
	[tilespmem:$0x16C00] =	vst v63  }
0xa6: {  	s4 =	simm.s32 @!p3 $0xAFA0;
	s25 =	simm.s32 @!p3 $0x7D  }
0xa7: {  	[tilespmem:s4], [sflag:$0x2] =	stream.indirect.gather @!p3 [hbm4b:s5+s25], $0x20, s29, s25, $0xb8;
	[tilespmem:$0x16C00] =	vst v63  }
0xa8: {  	_ =	swait.ge [sflag:s17], $0xFA0  }
0xa9: {  	[sflag:s17] =	ssyncset.done $0x0  }
0xaa: {  	s4 =	sadd.s32 $0x5100, s26;
	s29 =	simm.s32 $0xBF40;
	[sflag:s17] =	ssyncadd.s32 $0xFFFFF060  }
0xab: {  	[spmem:s2] =	stream.indirect.scatter.add.bf16 [tilespmem:s29], [sflag:$0x9], $0x20, s4, s15, $0xb8;
	[tilespmem:$0x16C00] =	vst v63  }
0xac: {  	_ =	swait.ge [sflag:s14], $0xFA0  }
0xad: {  	[sflag:s14] =	ssyncset.done $0x0  }
0xae: {  	s4 =	simm.s32 @p1 $0x4;
	[sflag:s14] =	ssyncadd.s32 $0xFFFFF060  }
0xaf: {  	_ =	swait.ge @p1 [sflag:s4], $0xFA0  }
0xb0: {  	[sflag:s4] =	ssyncset.done @p1 $0x0  }
0xb1: {  	s24 =	sadd.s32 @p1 $0x5180, s8;
	s29 =	simm.s32 @p1 $0xCEE0;
	[sflag:s4] =	ssyncadd.s32 @p1 $0xFFFFF060  }
0xb2: {  	[spmem:s2] =	stream.indirect.scatter.add.bf16 @p1 [tilespmem:s29], [sflag:$0x9], $0x20, s24, s10, $0xb8;
	[tilespmem:$0x16C00] =	vst v63  }
0xb3: {  	_ =	swait.ge @p1 [sflag:s9], $0xFA0  }
0xb4: {  	s20 =	sadd.s32 @!p1 $0x500, s7;
	[sflag:s9] =	ssyncset.done @p1 $0x0  }
0xb5: {  	s4 =	simm.s32 @!p1 $0xBF40;
	s24 =	simm.s32 @!p1 $0x4;
	[sflag:s9] =	ssyncadd.s32 @p1 $0xFFFFF060  }
0xb6: {  	[tilespmem:s4], [sflag:$0x3] =	stream.indirect.gather @!p1 [hbm4b:s13+s1], $0x20, s20, s1, $0xb8;
	[tilespmem:$0x16C00] =	vst v63  }
0xb7: {  	_ =	swait.ge @!p1 [sflag:s24], $0xFA0  }
0xb8: {  	[sflag:s24] =	ssyncset.done @!p1 $0x0  }
0xb9: {  	s16 =	sadd.s32 @!p1 $0x5180, s7;
	s4 =	simm.s32 @!p1 $0xCEE0;
	[sflag:s24] =	ssyncadd.s32 @!p1 $0xFFFFF060  }
0xba: {  	[spmem:s2] =	stream.indirect.scatter.add.bf16 @!p1 [tilespmem:s4], [sflag:$0x9], $0x20, s16, s1, $0xb8;
	[tilespmem:$0x16C00] =	vst v63  }
0xbb: {  	_ =	swait.ge @!p1 [sflag:s11], $0xFA0  }
0xbc: {  	[sflag:s11] =	ssyncset.done @!p1 $0x0  }
0xbd: {  	s4 =	sadd.s32 @!p1 $0x580, s7;
	s16 =	simm.s32 @!p2 $0xCEE0;
	[sflag:s11] =	ssyncadd.s32 @!p1 $0xFFFFF060  }
0xbe: {  	[tilespmem:s16], [sflag:$0x4] =	stream.indirect.gather @!p2 [hbm4b:s6+s3], $0x20, s4, s3, $0xb8;
	[tilespmem:$0x16C00] =	vst v63  }
0xbf: {  	s20 =	simm.s32 @!p3 $0xCEE0  }
0xc0: {  	[tilespmem:s20], [sflag:$0x4] =	stream.indirect.gather @!p3 [hbm4b:s5+s25], $0x20, s4, s25, $0xb8;
	[tilespmem:$0x16C00] =	vst v63  }
0xc1: {  	_ =	swait.ge [sflag:s18], $0xFA0  }
0xc2: {  	[sflag:s18] =	ssyncset.done $0x0  }
0xc3: {  	s16 =	sadd.s32 $0x5200, s26;
	s20 =	simm.s32 $0xDE80;
	[sflag:s18] =	ssyncadd.s32 $0xFFFFF060  }
0xc4: {  	[spmem:s2] =	stream.indirect.scatter.add.bf16 [tilespmem:s20], [sflag:$0x9], $0x20, s16, s15, $0xb8;
	[tilespmem:$0x16C00] =	vst v63  }
0xc5: {  	_ =	swait.ge [sflag:s14], $0xFA0  }
0xc6: {  	[sflag:s14] =	ssyncset.done $0x0  }
0xc7: {  	s4 =	simm.s32 @p1 $0x6;
	[sflag:s14] =	ssyncadd.s32 $0xFFFFF060  }
0xc8: {  	_ =	swait.ge @p1 [sflag:s4], $0xFA0  }
0xc9: {  	[sflag:s4] =	ssyncset.done @p1 $0x0  }
0xca: {  	s22 =	sadd.s32 @p1 $0x5280, s8;
	s16 =	simm.s32 @p1 $0xEE20;
	[sflag:s4] =	ssyncadd.s32 @p1 $0xFFFFF060  }
0xcb: {  	[spmem:s2] =	stream.indirect.scatter.add.bf16 @p1 [tilespmem:s16], [sflag:$0x9], $0x20, s22, s10, $0xb8;
	[tilespmem:$0x16C00] =	vst v63  }
0xcc: {  	_ =	swait.ge @p1 [sflag:s9], $0xFA0  }
0xcd: {  	s23 =	sadd.s32 @!p1 $0x600, s7;
	[sflag:s9] =	ssyncset.done @p1 $0x0  }
0xce: {  	s4 =	simm.s32 @!p1 $0xDE80;
	[sflag:s9] =	ssyncadd.s32 @p1 $0xFFFFF060;
	s9 =	simm.s32 @!p1 $0x6  }
0xcf: {  	[tilespmem:s4], [sflag:$0x5] =	stream.indirect.gather @!p1 [hbm4b:s13+s1], $0x20, s23, s1, $0xb8;
	[tilespmem:$0x16C00] =	vst v63  }
0xd0: {  	_ =	swait.ge @!p1 [sflag:s9], $0xFA0  }
0xd1: {  	[sflag:s9] =	ssyncset.done @!p1 $0x0  }
0xd2: {  	s12 =	sadd.s32 @!p1 $0x5280, s7;
	s4 =	simm.s32 @!p1 $0xEE20;
	[sflag:s9] =	ssyncadd.s32 @!p1 $0xFFFFF060  }
0xd3: {  	[spmem:s2] =	stream.indirect.scatter.add.bf16 @!p1 [tilespmem:s4], [sflag:$0x9], $0x20, s12, s1, $0xb8;
	[tilespmem:$0x16C00] =	vst v63  }
0xd4: {  	_ =	swait.ge @!p1 [sflag:s11], $0xFA0  }
0xd5: {  	s8 =	sadd.s32 @!p1 $0x700, s7;
	[sflag:s11] =	ssyncset.done @!p1 $0x0  }
0xd6: {  	s4 =	sadd.s32 @!p1 $0x680, s7;
	s7 =	simm.s32 @!p2 $0xEE20;
	[sflag:s11] =	ssyncadd.s32 @!p1 $0xFFFFF060  }
0xd7: {  	[tilespmem:s7], [sflag:$0x6] =	stream.indirect.gather @!p2 [hbm4b:s6+s3], $0x20, s4, s3, $0xb8;
	[tilespmem:$0x16C00] =	vst v63  }
0xd8: {  	s9 =	simm.s32 @!p3 $0xEE20  }
0xd9: {  	[tilespmem:s9], [sflag:$0x6] =	stream.indirect.gather @!p3 [hbm4b:s5+s25], $0x20, s4, s25, $0xb8;
	[tilespmem:$0x16C00] =	vst v63  }
0xda: {  	_ =	swait.ge [sflag:s19], $0xFA0  }
0xdb: {  	[sflag:s19] =	ssyncset.done $0x0  }
0xdc: {  	s24 =	sadd.s32 $0x5300, s26;
	s25 =	simm.s32 $0xFDC0;
	[sflag:s19] =	ssyncadd.s32 $0xFFFFF060  }
0xdd: {  	[spmem:s2] =	stream.indirect.scatter.add.bf16 [tilespmem:s25], [sflag:$0x9], $0x20, s24, s15, $0xb8;
	[tilespmem:$0x16C00] =	vst v63  }
0xde: {  	_ =	swait.ge [sflag:s14], $0xFA0  }
0xdf: {  	s28 =	sadd.s32 $0x1000, s28;
	[sflag:s14] =	ssyncset.done $0x0  }
0xe0: {  	p0 =	sne.s32 s28, $0x14000;
	s3 =	simm.s32 @!p1 $0xFDC0;
	[sflag:s14] =	ssyncadd.s32 $0xFFFFF060  }
0xe1: {  	[tilespmem:s3], [sflag:$0x7] =	stream.indirect.gather @!p1 [hbm4b:s13+s1], $0x20, s8, s1, $0xb8;
	[tilespmem:$0x16C00] =	vst v63  }
.Ltmp0:
0xe2: {  	_ =	swait.ge [sflag:s21], $0xFA0;
	(pc) =	sbr.rel @p0 .LBB2_2-.Ltmp0, $4  }
0xe3: {  	[sflag:s21] =	ssyncset.done $0x0  }
0xe4: {  	s29 =	sadd.s32 $0x5380, s26;
	[sflag:s21] =	ssyncadd.s32 $0xFFFFF060  }
0xe5: {  	[spmem:s2] =	stream.indirect.scatter.add.bf16 [tilespmem:s31], [sflag:$0x9], $0x20, s29, s15, $0xb8;
	[tilespmem:$0x16C00] =	vst v63  }
0xe6: {  	s26 =	sshra.s32 s30, $0x2;
	_ =	swait.ge [sflag:s14], $0xFA0  }
0xe7: {  	[sflag:s14] =	ssyncset.done $0x0  }
0xe8: {  	s1 =	sadd.s32 $0x380, s26;
	[sflag:s14] =	ssyncadd.s32 $0xFFFFF060  }
0xe9: {  	[tilespmem:s31], [sflag:$0x8] =	stream.indirect.gather [hbm4b:s13+s15], $0x20, s1, s15, $0xb8;
	[tilespmem:$0x16C00] =	vst v63  }
0xea: {  	_ =	swait.ge [sflag:s0], $0xFA0  }
0xeb: {  	[sflag:s0] =	ssyncset.done $0x0  }
0xec: {  	s28 =	sadd.s32 $0x5000, s26;
	s3 =	simm.s32 $0xA000;
	[sflag:s0] =	ssyncadd.s32 $0xFFFFF060  }
0xed: {  	[spmem:s2] =	stream.indirect.scatter.add.bf16 [tilespmem:s3], [sflag:$0x9], $0x20, s28, s15, $0xb8;
	[tilespmem:$0x16C00] =	vst v63  }
0xee: {  	_ =	swait.ge [sflag:s14], $0xFA0  }
0xef: {  	p0 =	seq.s32 s30, $0x13000;
	[sflag:s14] =	ssyncset.done $0x0  }
0xf0: {  	s1 =	simm.s32 @p0 $0x2;
	[sflag:s14] =	ssyncadd.s32 $0xFFFFF060  }
0xf1: {  	s8 =	sshra.s32 @p0 s30, $0x2;
	_ =	swait.ge @p0 [sflag:s1], $0xFA0  }
0xf2: {  	s7 =	simm.s32 @p0 $0x9;
	s9 =	simm.s32 @p0 $0x7D;
	[sflag:s1] =	ssyncset.done @p0 $0x0  }
0xf3: {  	s4 =	simm.s32 @p0 $0xAFA0;
	s3 =	sadd.s32 @p0 $0x5080, s8;
	[sflag:s1] =	ssyncadd.s32 @p0 $0xFFFFF060  }
0xf4: {  	[spmem:s2] =	stream.indirect.scatter.add.bf16 @p0 [tilespmem:s4], [sflag:$0x9], $0x20, s3, s9, $0xb8;
	[tilespmem:$0x16C00] =	vst v63  }
0xf5: {  	s11 =	simm.s32 @!p0 $0x2;
	_ =	swait.ge @p0 [sflag:s7], $0xFA0  }
0xf6: {  	s10 =	simm.s32 @!p0 $0xA000;
	s1 =	sshra.s32 @!p0 s30, $0x2;
	[sflag:s7] =	ssyncset.done @p0 $0x0  }
0xf7: {  	s4 =	sadd.s32 @!p0 $0x400, s1;
	s3 =	simm.s32 @!p0 $0x7D;
	[sflag:s7] =	ssyncadd.s32 @p0 $0xFFFFF060  }
0xf8: {  	[tilespmem:s10], [sflag:$0x1] =	stream.indirect.gather @!p0 [hbm4b:s13+s3], $0x20, s4, s3, $0xb8;
	[tilespmem:$0x16C00] =	vst v63  }
0xf9: {  	s12 =	simm.s32 @!p0 $0xAFA0;
	_ =	swait.ge @!p0 [sflag:s11], $0xFA0  }
0xfa: {  	s4 =	sadd.s32 @!p0 $0x5080, s1;
	[sflag:s11] =	ssyncset.done @!p0 $0x0;
	s16 =	rddreg [dreg:$0x3]  }
0xfb: {  	s10 =	simm.s32 @!p0 $0x9;
	p2 =	sne.s32 @!p0 s16, $0x0;
	[sflag:s11] =	ssyncadd.s32 @!p0 $0xFFFFF060  }
0xfc: {  	[spmem:s2] =	stream.indirect.scatter.add.bf16 @!p0 [tilespmem:s12], [sflag:$0x9], $0x20, s4, s3, $0xb8;
	[tilespmem:$0x16C00] =	vst v63  }
0xfd: {  	p1 =	por !p2, p0;
	_ =	swait.ge @!p0 [sflag:s10], $0xFA0  }
0xfe: {  	s4 =	sadd.s32 @!p0 $0x480, s1;
	p2 =	por p2, p0;
	[sflag:s10] =	ssyncset.done @!p0 $0x0  }
0xff: {  	s11 =	simm.s32 @!p1 $0x7D;
	s12 =	simm.s32 @!p1 $0xAFA0;
	[sflag:s10] =	ssyncadd.s32 @!p0 $0xFFFFF060  }
0x100: {  	[tilespmem:s12], [sflag:$0x2] =	stream.indirect.gather @!p1 [hbm4b:s6+s11], $0x20, s4, s11, $0xb8;
	[tilespmem:$0x16C00] =	vst v63  }
0x101: {  	s16 =	simm.s32 @!p2 $0xAFA0;
	s12 =	simm.s32 @!p2 $0x7D  }
0x102: {  	[tilespmem:s16], [sflag:$0x2] =	stream.indirect.gather @!p2 [hbm4b:s5+s12], $0x20, s4, s12, $0xb8;
	[tilespmem:$0x16C00] =	vst v63  }
0x103: {  	_ =	swait.ge [sflag:s17], $0xFA0  }
0x104: {  	[sflag:s17] =	ssyncset.done $0x0  }
0x105: {  	s29 =	sadd.s32 $0x5100, s26;
	s30 =	simm.s32 $0xBF40;
	[sflag:s17] =	ssyncadd.s32 $0xFFFFF060  }
0x106: {  	[spmem:s2] =	stream.indirect.scatter.add.bf16 [tilespmem:s30], [sflag:$0x9], $0x20, s29, s15, $0xb8;
	[tilespmem:$0x16C00] =	vst v63  }
0x107: {  	_ =	swait.ge [sflag:s14], $0xFA0  }
0x108: {  	[sflag:s14] =	ssyncset.done $0x0  }
0x109: {  	s4 =	simm.s32 @p0 $0x4;
	[sflag:s14] =	ssyncadd.s32 $0xFFFFF060  }
0x10a: {  	_ =	swait.ge @p0 [sflag:s4], $0xFA0  }
0x10b: {  	[sflag:s4] =	ssyncset.done @p0 $0x0  }
0x10c: {  	s16 =	sadd.s32 @p0 $0x5180, s8;
	[sflag:s4] =	ssyncadd.s32 @p0 $0xFFFFF060;
	s4 =	simm.s32 @p0 $0xCEE0  }
0x10d: {  	[spmem:s2] =	stream.indirect.scatter.add.bf16 @p0 [tilespmem:s4], [sflag:$0x9], $0x20, s16, s9, $0xb8;
	[tilespmem:$0x16C00] =	vst v63  }
0x10e: {  	_ =	swait.ge @p0 [sflag:s7], $0xFA0  }
0x10f: {  	[sflag:s7] =	ssyncset.done @p0 $0x0  }
0x110: {  	s4 =	sadd.s32 @!p0 $0x500, s1;
	s16 =	simm.s32 @!p0 $0xBF40;
	[sflag:s7] =	ssyncadd.s32 @p0 $0xFFFFF060  }
0x111: {  	[tilespmem:s16], [sflag:$0x3] =	stream.indirect.gather @!p0 [hbm4b:s13+s3], $0x20, s4, s3, $0xb8;
	[tilespmem:$0x16C00] =	vst v63  }
0x112: {  	s4 =	simm.s32 @!p0 $0x4  }
0x113: {  	_ =	swait.ge @!p0 [sflag:s4], $0xFA0  }
0x114: {  	[sflag:s4] =	ssyncset.done @!p0 $0x0  }
0x115: {  	s16 =	sadd.s32 @!p0 $0x5180, s1;
	[sflag:s4] =	ssyncadd.s32 @!p0 $0xFFFFF060;
	s4 =	simm.s32 @!p0 $0xCEE0  }
0x116: {  	[spmem:s2] =	stream.indirect.scatter.add.bf16 @!p0 [tilespmem:s4], [sflag:$0x9], $0x20, s16, s3, $0xb8;
	[tilespmem:$0x16C00] =	vst v63  }
0x117: {  	_ =	swait.ge @!p0 [sflag:s10], $0xFA0  }
0x118: {  	[sflag:s10] =	ssyncset.done @!p0 $0x0  }
0x119: {  	s4 =	sadd.s32 @!p0 $0x580, s1;
	s16 =	simm.s32 @!p1 $0xCEE0;
	[sflag:s10] =	ssyncadd.s32 @!p0 $0xFFFFF060  }
0x11a: {  	[tilespmem:s16], [sflag:$0x4] =	stream.indirect.gather @!p1 [hbm4b:s6+s11], $0x20, s4, s11, $0xb8;
	[tilespmem:$0x16C00] =	vst v63  }
0x11b: {  	s16 =	simm.s32 @!p2 $0xCEE0  }
0x11c: {  	[tilespmem:s16], [sflag:$0x4] =	stream.indirect.gather @!p2 [hbm4b:s5+s12], $0x20, s4, s12, $0xb8;
	[tilespmem:$0x16C00] =	vst v63  }
0x11d: {  	_ =	swait.ge [sflag:s18], $0xFA0  }
0x11e: {  	[sflag:s18] =	ssyncset.done $0x0  }
0x11f: {  	s20 =	simm.s32 $0xDE80;
	s16 =	sadd.s32 $0x5200, s26;
	[sflag:s18] =	ssyncadd.s32 $0xFFFFF060  }
0x120: {  	[spmem:s2] =	stream.indirect.scatter.add.bf16 [tilespmem:s20], [sflag:$0x9], $0x20, s16, s15, $0xb8;
	[tilespmem:$0x16C00] =	vst v63  }
0x121: {  	_ =	swait.ge [sflag:s14], $0xFA0  }
0x122: {  	[sflag:s14] =	ssyncset.done $0x0  }
0x123: {  	s4 =	simm.s32 @p0 $0x6;
	[sflag:s14] =	ssyncadd.s32 $0xFFFFF060  }
0x124: {  	_ =	swait.ge @p0 [sflag:s4], $0xFA0  }
0x125: {  	[sflag:s4] =	ssyncset.done @p0 $0x0  }
0x126: {  	s8 =	sadd.s32 @p0 $0x5280, s8;
	[sflag:s4] =	ssyncadd.s32 @p0 $0xFFFFF060;
	s4 =	simm.s32 @p0 $0xEE20  }
0x127: {  	[spmem:s2] =	stream.indirect.scatter.add.bf16 @p0 [tilespmem:s4], [sflag:$0x9], $0x20, s8, s9, $0xb8;
	[tilespmem:$0x16C00] =	vst v63  }
0x128: {  	_ =	swait.ge @p0 [sflag:s7], $0xFA0  }
0x129: {  	[sflag:s7] =	ssyncset.done @p0 $0x0  }
0x12a: {  	s4 =	sadd.s32 @!p0 $0x600, s1;
	[sflag:s7] =	ssyncadd.s32 @p0 $0xFFFFF060;
	s7 =	simm.s32 @!p0 $0xDE80  }
0x12b: {  	[tilespmem:s7], [sflag:$0x5] =	stream.indirect.gather @!p0 [hbm4b:s13+s3], $0x20, s4, s3, $0xb8;
	[tilespmem:$0x16C00] =	vst v63  }
0x12c: {  	s4 =	simm.s32 @!p0 $0x6  }
0x12d: {  	_ =	swait.ge @!p0 [sflag:s4], $0xFA0  }
0x12e: {  	[sflag:s4] =	ssyncset.done @!p0 $0x0  }
0x12f: {  	s7 =	sadd.s32 @!p0 $0x5280, s1;
	[sflag:s4] =	ssyncadd.s32 @!p0 $0xFFFFF060;
	s4 =	simm.s32 @!p0 $0xEE20  }
0x130: {  	[spmem:s2] =	stream.indirect.scatter.add.bf16 @!p0 [tilespmem:s4], [sflag:$0x9], $0x20, s7, s3, $0xb8;
	[tilespmem:$0x16C00] =	vst v63  }
0x131: {  	_ =	swait.ge @!p0 [sflag:s10], $0xFA0  }
0x132: {  	[sflag:s10] =	ssyncset.done @!p0 $0x0  }
0x133: {  	s4 =	sadd.s32 @!p0 $0x680, s1;
	s7 =	simm.s32 @!p1 $0xEE20;
	[sflag:s10] =	ssyncadd.s32 @!p0 $0xFFFFF060  }
0x134: {  	[tilespmem:s7], [sflag:$0x6] =	stream.indirect.gather @!p1 [hbm4b:s6+s11], $0x20, s4, s11, $0xb8;
	[tilespmem:$0x16C00] =	vst v63  }
0x135: {  	s7 =	simm.s32 @!p2 $0xEE20  }
0x136: {  	[tilespmem:s7], [sflag:$0x6] =	stream.indirect.gather @!p2 [hbm4b:s5+s12], $0x20, s4, s12, $0xb8;
	[tilespmem:$0x16C00] =	vst v63  }
0x137: {  	_ =	swait.ge [sflag:s19], $0xFA0  }
0x138: {  	[sflag:s19] =	ssyncset.done $0x0  }
0x139: {  	s22 =	sadd.s32 $0x5300, s26;
	s23 =	simm.s32 $0xFDC0;
	[sflag:s19] =	ssyncadd.s32 $0xFFFFF060  }
0x13a: {  	[spmem:s2] =	stream.indirect.scatter.add.bf16 [tilespmem:s23], [sflag:$0x9], $0x20, s22, s15, $0xb8;
	[tilespmem:$0x16C00] =	vst v63  }
0x13b: {  	_ =	swait.ge [sflag:s14], $0xFA0  }
0x13c: {  	[sflag:s14] =	ssyncset.done $0x0  }
0x13d: {  	s1 =	sadd.s32 @!p0 $0x700, s1;
	s4 =	simm.s32 @!p0 $0xFDC0;
	[sflag:s14] =	ssyncadd.s32 $0xFFFFF060  }
0x13e: {  	[tilespmem:s4], [sflag:$0x7] =	stream.indirect.gather @!p0 [hbm4b:s13+s3], $0x20, s1, s3, $0xb8;
	[tilespmem:$0x16C00] =	vst v63  }
0x13f: {  	_ =	swait.ge [sflag:s21], $0xFA0  }
0x140: {  	[sflag:s21] =	ssyncset.done $0x0  }
0x141: {  	s24 =	sadd.s32 $0x5380, s26;
	[sflag:s21] =	ssyncadd.s32 $0xFFFFF060  }
0x142: {  	[spmem:s2] =	stream.indirect.scatter.add.bf16 [tilespmem:s31], [sflag:$0x9], $0x20, s24, s15, $0xb8;
	[tilespmem:$0x16C00] =	vst v63  }
0x143: {  	_ =	swait.ge [sflag:s14], $0xFA0  }
0x144: {  	[sflag:s14] =	ssyncset.done $0x0  }
0x145: {  	[sflag:s14] =	ssyncadd.s32 $0xFFFFF060  }
0x146: {  	[bflag:$0x0] =	sbarrier.arrive $0xFFFF  }
0x147: {  	s25 =	rddreg [dreg:$0x8]  }
0x148: {  	s26 =	rddreg [dreg:$0xb]  }
0x149: {  	s28 =	rddreg [dreg:$0xc]  }
0x14a: {  	[hbm:s25], [sflag:s26] =	dma.local [spmem:s28], $0x9E0  }
0x14b: {  	_ =	swait.ge [sflag:s14], $0x9E0  }
0x14c: {  	s29 =	rddreg [dreg:$0xa]  }
0x14d: {  	s30 =	rddreg [dreg:$0x9];
	s3 =	sadd.s32 $0x1, s29  }
0x14e: {  	p0 =	sne.s32 s3, s30  }
.Ltmp1:
0x14f: {  	_ = 	snop;
	(pc) =	sbr.rel @p0 .LBB2_1-.Ltmp1, $3  }
0x150: {  	_ =	sdelay $0x1  }
0x151: {  	[sflag:s14] =	ssyncset.done $0x0  }
0x152: {  	[sflag:s14] =	ssyncadd.s32 $0xFFFFF620  }
0x153: {  	_ =	sfence.sel $0x180000  }
0x154: {  	[bflag:$0x0] =	sbarrier.arrive $0xFFFF  }
0x155: {  	_ =	strace $0x9000004A  }
0x156: {  	s0 =	stileid.u32;
	[bflag:$0x2] =	sbarrier.arrive $0xFFFF  }
0x157: {  	p0 =	sne.s32 s0, $0x0;
	s0 =	rddreg [dreg:$0x2]  }
0x158: {  	s0 =	sadd.s32 @!p0 $0x100000, s0  }
0x159: {  	[sflag:s0] =	ssyncadd.tile.s32 @!p0 $0x1;
	_ =	shalt  }
.Lfunc_end2:
_tile_overlayer_lowered:
.L_overlay_start_2:
0x15a: {  	(tag) =	ssettag $0x2  }
0x15b: {  	s0 =	rddreg [dreg:$0x0];
	s2 =	stileid.u32  }
0x15c: {  	s1 =	rddreg [dreg:$0x1];
	p0 =	sne.s32 s2, $0x0  }
0x15d: {  	s3 =	rddreg [dreg:$0x2];
	[bflag:$0x3] =	sbarrier.arrive $0xFFFF;
	s2 =	simm.s32 @!p0 $0x1C09  }
0x15e: {  	[timem:s3], [sflag:s2] =	dma.local @!p0 [hbm:s0], s1  }
0x15f: {  	s0 =	simm.s32 @!p0 $0x9  }
0x160: {  	_ =	swait.ge @!p0 [sflag:s0], s1  }
0x161: {  	s1 =	ssub.s32 @!p0 $0x0, s1;
	[sflag:s0] =	ssyncset.done @!p0 $0x0  }
0x162: {  	[sflag:s0] =	ssyncadd.s32 @!p0 s1  }
0x163: {  	[bflag:$0x3] =	sbarrier.arrive $0xFFFF  }
0x164: {  	_ =	shalt  }

</sc_bundles>
